<compile_context>
chip_gen: v7x
topology: tpu7x:2x2x1
jax: 0.10.2.dev20260603
libtpu: 0.0.44.dev20260713+nightly
codegen_flags: <defaults>
</compile_context>

<pallas_src>
import functools

import jax
import jax.numpy as jnp
from jax import lax
from jax.experimental import pallas as pl
from jax.experimental.pallas import tpu as pltpu
from jax.experimental.pallas import tpu_sc as plsc

B, N, D = 32, 8192, 64
C = 129
CP = 136
NC, NS = 2, 16
NW = NC * NS
CH = 128
SG = 1024
SUB = SG // CH
NSG = N // SG

_MESH = plsc.VectorSubcoreMesh(
    core_axis_name="c", subcore_axis_name="s", num_cores=NC, num_subcores=NS
)
_SC_PARAMS = pltpu.CompilerParams(use_tc_tiling_on_sc=False)


def _sc_reduce_body(q_hbm, k_hbm, v_hbm, idx_hbm, z64_hbm, z16_hbm, ones_hbm,
                    qs_hbm, ks_hbm, vs_hbm, cnt_hbm,
                    sq, sk, sv, scnt, idxv, buf, ones_v):
    s = lax.axis_index("s")
    b = s * NC + lax.axis_index("c")
    reg = pl.ds(s * CP, CP)
    pltpu.sync_copy(z64_hbm, sq.at[reg, :])
    pltpu.sync_copy(z64_hbm, sk.at[reg, :])
    pltpu.sync_copy(z64_hbm, sv.at[reg, :])
    pltpu.sync_copy(z16_hbm, scnt.at[reg, :])
    pltpu.sync_copy(ones_hbm, ones_v)
    pltpu.sync_copy(idx_hbm.at[b], idxv)

    def tensor_pass(x_hbm, acc):
        def chunk(g, carry):
            pltpu.sync_copy(x_hbm.at[b, pl.ds(g * SG, SG), :], buf)
            for m in range(SUB):
                pltpu.sync_copy(buf.at[pl.ds(m * CH, CH), :],
                                acc.at[idxv.at[g * SUB + m]], add=True)
            return carry
        lax.fori_loop(0, NSG, chunk, 0)

    tensor_pass(q_hbm, sq)
    tensor_pass(k_hbm, sk)
    tensor_pass(v_hbm, sv)

    def count_chunk(j, carry):
        pltpu.sync_copy(ones_v, scnt.at[idxv.at[j]], add=True)
        return carry
    lax.fori_loop(0, N // CH, count_chunk, 0)

    pltpu.sync_copy(sq.at[reg, :], qs_hbm.at[b])
    pltpu.sync_copy(sk.at[reg, :], ks_hbm.at[b])
    pltpu.sync_copy(sv.at[reg, :], vs_hbm.at[b])
    pltpu.sync_copy(scnt.at[reg, :], cnt_hbm.at[b])


_sc_reduce = pl.kernel(
    _sc_reduce_body,
    out_type=[
        jax.ShapeDtypeStruct((B, CP, D), jnp.float32),
        jax.ShapeDtypeStruct((B, CP, D), jnp.float32),
        jax.ShapeDtypeStruct((B, CP, D), jnp.float32),
        jax.ShapeDtypeStruct((B, CP, 16), jnp.float32),
    ],
    mesh=_MESH,
    scratch_types=[
        pltpu.VMEM_SHARED((NS * CP, D), jnp.float32),
        pltpu.VMEM_SHARED((NS * CP, D), jnp.float32),
        pltpu.VMEM_SHARED((NS * CP, D), jnp.float32),
        pltpu.VMEM_SHARED((NS * CP, 16), jnp.float32),
        pltpu.VMEM((N // CH, CH), jnp.int32),
        pltpu.VMEM((SG, D), jnp.float32),
        pltpu.VMEM((CH, 16), jnp.float32),
    ],
    compiler_params=_SC_PARAMS,
)


def _tc_attn_body(q_ref, k_ref, v_ref, c_ref, vout_ref, a0_ref):
    counts_col = c_ref[0][:, 0:1]
    counts_row = jnp.reshape(c_ref[0][:, 0], (1, CP))
    inv = 1.0 / jnp.maximum(counts_col, 1.0)
    qc = q_ref[0] * inv
    kc = k_ref[0] * inv
    vc = v_ref[0] * inv
    qk = lax.dot_general(qc, kc, (((1,), (1,)), ((), ())),
                         preferred_element_type=jnp.float32)
    m = jnp.max(qk, axis=1, keepdims=True)
    w = jnp.exp(qk - m) * counts_row
    a = w / jnp.sum(w, axis=1, keepdims=True)
    vout_ref[0] = lax.dot_general(a, vc, (((1,), (0,)), ((), ())),
                                  preferred_element_type=jnp.float32)
    a0_ref[0] = a[:, 0:1]


_tc_attn = pl.pallas_call(
    _tc_attn_body,
    grid=(B,),
    in_specs=[
        pl.BlockSpec((1, CP, D), lambda b: (b, 0, 0)),
        pl.BlockSpec((1, CP, D), lambda b: (b, 0, 0)),
        pl.BlockSpec((1, CP, D), lambda b: (b, 0, 0)),
        pl.BlockSpec((1, CP, 16), lambda b: (b, 0, 0)),
    ],
    out_specs=[
        pl.BlockSpec((1, CP, D), lambda b: (b, 0, 0)),
        pl.BlockSpec((1, CP, 1), lambda b: (b, 0, 0)),
    ],
    out_shape=[
        jax.ShapeDtypeStruct((B, CP, D), jnp.float32),
        jax.ShapeDtypeStruct((B, CP, 1), jnp.float32),
    ],
)


def _sc_gather_body(vout_hbm, idx_hbm, out_hbm, stab, idxv, buf):
    s = lax.axis_index("s")
    b = s * NC + lax.axis_index("c")
    pltpu.sync_copy(vout_hbm.at[b], stab.at[pl.ds(s * CP, CP), :])
    pltpu.sync_copy(idx_hbm.at[b], idxv)

    def chunk(g, carry):
        for m in range(SUB):
            pltpu.sync_copy(stab.at[idxv.at[g * SUB + m]],
                            buf.at[pl.ds(m * CH, CH), :])
        pltpu.sync_copy(buf, out_hbm.at[b, pl.ds(g * SG, SG), :])
        return carry
    lax.fori_loop(0, NSG, chunk, 0)


_sc_gather = pl.kernel(
    _sc_gather_body,
    out_type=jax.ShapeDtypeStruct((B, N, D), jnp.float32),
    mesh=_MESH,
    scratch_types=[
        pltpu.VMEM_SHARED((NS * CP, D), jnp.float32),
        pltpu.VMEM((N // CH, CH), jnp.int32),
        pltpu.VMEM((SG, D), jnp.float32),
    ],
    compiler_params=_SC_PARAMS,
)


@jax.jit
def _run(queries, keys, values, clusters):
    offs = (jnp.arange(B, dtype=jnp.int32) // NC * CP)[:, None]
    idx3 = (clusters + offs).reshape(B, N // CH, CH)
    z64 = jnp.zeros((CP, D), jnp.float32)
    z16 = jnp.zeros((CP, 16), jnp.float32)
    ones = jnp.ones((CH, 16), jnp.float32)
    qs, ks, vs, cnt = _sc_reduce(queries, keys, values, idx3, z64, z16, ones)
    vout, a0 = _tc_attn(qs, ks, vs, cnt)
    out = _sc_gather(vout, idx3)
    return out, a0[:, :C, 0]


def kernel(queries, keys, values, clusters):
    return _run(queries, keys, values, clusters.astype(jnp.int32))

# --- scband reference (transcript-rebuilt; emitter-appended) ---
"""Pipeline reference for scband-ada-clustering-attention-17197049053474 (READ-ONLY COPY).

The authoritative reference and input builder live on the scoring server;
editing this copy changes nothing except your own understanding.
"""

import jax, jax.numpy as jnp
import numpy as np

B, N, D = 32, 8192, 64
NUM_CLUSTERS = 128
C = NUM_CLUSTERS + 1
SOFTMAX_TEMP = 1.0


def setup_inputs(seed: int = 0):
    key = jax.random.key(seed)
    k1, k2, k3, k4 = jax.random.split(key, 4)
    return {
        "queries": jax.random.normal(k1, (B, N, D), dtype=jnp.float32),
        "keys": jax.random.normal(k2, (B, N, D), dtype=jnp.float32),
        "values": jax.random.normal(k3, (B, N, D), dtype=jnp.float32),
        "clusters": jax.random.randint(k4, (B, N), 0, C, dtype=jnp.int32),
    }


def _counts(groups):
    # per-batch bincount with fixed length C (torch: bincount(minlength=c))
    return jax.vmap(lambda g: jnp.bincount(g, length=C))(groups)


def _weighted_sum(x, groups, weights):
    # center[b, c, :] = weights[b, c] * sum_{i: groups[b,i]==c} x[b, i, :]
    seg = jax.vmap(lambda xx, gg: jax.ops.segment_sum(xx, gg, num_segments=C))(x, groups)
    return seg * weights[:, :, None]


def _broadcast(center, groups):
    # x[b, i, :] = center[b, groups[b, i], :]  (gather)
    return jax.vmap(lambda c, g: c[g])(center, groups)


def _weighted_softmax(x, weight):
    ret = jax.nn.softmax(x, axis=-1)
    if weight is not None:
        ret = ret * weight[:, None, :]
        ret = ret / jnp.sum(ret, axis=-1, keepdims=True)
    return ret


def reference(queries, keys, values, clusters):
    groups = clusters.astype(jnp.int32)
    counts = _counts(groups)  # int counts per cluster, shape [B, C]
    inv_counts = 1.0 / counts.astype(jnp.float32)

    # group_q: cluster queries -> centers (weighted mean)
    q_center = _weighted_sum(queries, groups, inv_counts)
    # group_k: cluster keys and values -> centers
    k_center = _weighted_sum(keys, groups, inv_counts)
    v_center = _weighted_sum(values, groups, inv_counts)

    qk = jnp.einsum('bcd,bed->bce', q_center, k_center)
    a_full = _weighted_softmax(SOFTMAX_TEMP * qk, counts.astype(jnp.float32))
    v = jnp.einsum('bce,bed->bcd', a_full, v_center)
    # broadcast cluster outputs back to all tokens in the cluster
    out = _broadcast(v, groups)
    return (out, a_full[:, :, 0])

if __name__ == "__main__":
    import jax
    _d = setup_inputs()
    print(jax.jit(kernel)(*tuple(_d.values())))

</pallas_src>

<mosaic_0001>
#map = affine_map<(d0, d1) -> (0, 0, 0)>
#map1 = affine_map<(d0, d1) -> (0, 0)>
module attributes {stable_mosaic.version = 14 : i64} {
  func.func @_sc_reduce_body(%arg0: i32, %arg1: i32, %arg2: memref<32x8192x64xf32, #tpu.memory_space<hbm>>, %arg3: memref<32x8192x64xf32, #tpu.memory_space<hbm>>, %arg4: memref<32x8192x64xf32, #tpu.memory_space<hbm>>, %arg5: memref<32x64x128xi32, #tpu.memory_space<hbm>>, %arg6: memref<136x64xf32, #tpu.memory_space<hbm>>, %arg7: memref<136x16xf32, #tpu.memory_space<hbm>>, %arg8: memref<128x16xf32, #tpu.memory_space<hbm>>, %arg9: memref<32x136x64xf32, #tpu.memory_space<hbm>>, %arg10: memref<32x136x64xf32, #tpu.memory_space<hbm>>, %arg11: memref<32x136x64xf32, #tpu.memory_space<hbm>>, %arg12: memref<32x136x16xf32, #tpu.memory_space<hbm>>, %arg13: memref<2176x64xf32, #tpu.memory_space<vmem_shared>>, %arg14: memref<2176x64xf32, #tpu.memory_space<vmem_shared>>, %arg15: memref<2176x64xf32, #tpu.memory_space<vmem_shared>>, %arg16: memref<2176x16xf32, #tpu.memory_space<vmem_shared>>, %arg17: memref<64x128xi32, #tpu.memory_space<vmem>>, %arg18: memref<1024x64xf32, #tpu.memory_space<vmem>>, %arg19: memref<128x16xf32, #tpu.memory_space<vmem>>) attributes {dimension_semantics = [#tpu.dimension_semantics<core_parallel>, #tpu.dimension_semantics<subcore_parallel>], iteration_bounds = array<i64: 2, 16>, scalar_prefetch = 0 : i64, scratch_operands = 7 : i64, tpu.core_type = #tpu.core_type<sc_vector_subcore>, window_params = [{transform_indices = #map}, {transform_indices = #map}, {transform_indices = #map}, {transform_indices = #map}, {transform_indices = #map1}, {transform_indices = #map1}, {transform_indices = #map1}, {transform_indices = #map}, {transform_indices = #map}, {transform_indices = #map}, {transform_indices = #map}]} {
    %mul3A = arith.constant 2 : i32
    %mul3A_0 = arith.muli %arg1, %mul3A : i32
    %add3A = arith.addi %mul3A_0, %arg0 : i32
    %mul3A_1 = arith.constant 136 : i32
    %mul3A_2 = arith.muli %arg1, %mul3A_1 : i32
    "tpu.region"() ({
      %run_scoped3A = tpu.sem_alloc : memref<!tpu.dma_semaphore, #tpu.memory_space<semaphore_mem>>
      %dma_start3A = arith.constant 0 : i32
      %dma_start3A_26 = tpu.memref_slice %arg13[%mul3A_2, %dma_start3A] : memref<2176x64xf32, #tpu.memory_space<vmem_shared>> -> memref<136x64xf32, #tpu.memory_space<vmem_shared>>
      tpu.enqueue_dma source(%arg6 : memref<136x64xf32, #tpu.memory_space<hbm>>) target(%dma_start3A_26 : memref<136x64xf32, #tpu.memory_space<vmem_shared>>) target_semaphore(%run_scoped3A : memref<!tpu.dma_semaphore, #tpu.memory_space<semaphore_mem>>)
      %dma_wait3A = arith.constant 0 : i32
      %dma_wait3A_27 = tpu.memref_slice %arg13[%mul3A_2, %dma_wait3A] : memref<2176x64xf32, #tpu.memory_space<vmem_shared>> -> memref<136x64xf32, #tpu.memory_space<vmem_shared>>
      tpu.wait_dma2 semaphore(%run_scoped3A : memref<!tpu.dma_semaphore, #tpu.memory_space<semaphore_mem>>) src(%arg6 : memref<136x64xf32, #tpu.memory_space<hbm>>) dst(%dma_wait3A_27 : memref<136x64xf32, #tpu.memory_space<vmem_shared>>)
      tpu.yield
    }) : () -> ()
    "tpu.region"() ({
      %run_scoped3A = tpu.sem_alloc : memref<!tpu.dma_semaphore, #tpu.memory_space<semaphore_mem>>
      %dma_start3A = arith.constant 0 : i32
      %dma_start3A_26 = tpu.memref_slice %arg14[%mul3A_2, %dma_start3A] : memref<2176x64xf32, #tpu.memory_space<vmem_shared>> -> memref<136x64xf32, #tpu.memory_space<vmem_shared>>
      tpu.enqueue_dma source(%arg6 : memref<136x64xf32, #tpu.memory_space<hbm>>) target(%dma_start3A_26 : memref<136x64xf32, #tpu.memory_space<vmem_shared>>) target_semaphore(%run_scoped3A : memref<!tpu.dma_semaphore, #tpu.memory_space<semaphore_mem>>)
      %dma_wait3A = arith.constant 0 : i32
      %dma_wait3A_27 = tpu.memref_slice %arg14[%mul3A_2, %dma_wait3A] : memref<2176x64xf32, #tpu.memory_space<vmem_shared>> -> memref<136x64xf32, #tpu.memory_space<vmem_shared>>
      tpu.wait_dma2 semaphore(%run_scoped3A : memref<!tpu.dma_semaphore, #tpu.memory_space<semaphore_mem>>) src(%arg6 : memref<136x64xf32, #tpu.memory_space<hbm>>) dst(%dma_wait3A_27 : memref<136x64xf32, #tpu.memory_space<vmem_shared>>)
      tpu.yield
    }) : () -> ()
    "tpu.region"() ({
      %run_scoped3A = tpu.sem_alloc : memref<!tpu.dma_semaphore, #tpu.memory_space<semaphore_mem>>
      %dma_start3A = arith.constant 0 : i32
      %dma_start3A_26 = tpu.memref_slice %arg15[%mul3A_2, %dma_start3A] : memref<2176x64xf32, #tpu.memory_space<vmem_shared>> -> memref<136x64xf32, #tpu.memory_space<vmem_shared>>
      tpu.enqueue_dma source(%arg6 : memref<136x64xf32, #tpu.memory_space<hbm>>) target(%dma_start3A_26 : memref<136x64xf32, #tpu.memory_space<vmem_shared>>) target_semaphore(%run_scoped3A : memref<!tpu.dma_semaphore, #tpu.memory_space<semaphore_mem>>)
      %dma_wait3A = arith.constant 0 : i32
      %dma_wait3A_27 = tpu.memref_slice %arg15[%mul3A_2, %dma_wait3A] : memref<2176x64xf32, #tpu.memory_space<vmem_shared>> -> memref<136x64xf32, #tpu.memory_space<vmem_shared>>
      tpu.wait_dma2 semaphore(%run_scoped3A : memref<!tpu.dma_semaphore, #tpu.memory_space<semaphore_mem>>) src(%arg6 : memref<136x64xf32, #tpu.memory_space<hbm>>) dst(%dma_wait3A_27 : memref<136x64xf32, #tpu.memory_space<vmem_shared>>)
      tpu.yield
    }) : () -> ()
    "tpu.region"() ({
      %run_scoped3A = tpu.sem_alloc : memref<!tpu.dma_semaphore, #tpu.memory_space<semaphore_mem>>
      %dma_start3A = arith.constant 0 : i32
      %dma_start3A_26 = tpu.memref_slice %arg16[%mul3A_2, %dma_start3A] : memref<2176x16xf32, #tpu.memory_space<vmem_shared>> -> memref<136x16xf32, #tpu.memory_space<vmem_shared>>
      tpu.enqueue_dma source(%arg7 : memref<136x16xf32, #tpu.memory_space<hbm>>) target(%dma_start3A_26 : memref<136x16xf32, #tpu.memory_space<vmem_shared>>) target_semaphore(%run_scoped3A : memref<!tpu.dma_semaphore, #tpu.memory_space<semaphore_mem>>)
      %dma_wait3A = arith.constant 0 : i32
      %dma_wait3A_27 = tpu.memref_slice %arg16[%mul3A_2, %dma_wait3A] : memref<2176x16xf32, #tpu.memory_space<vmem_shared>> -> memref<136x16xf32, #tpu.memory_space<vmem_shared>>
      tpu.wait_dma2 semaphore(%run_scoped3A : memref<!tpu.dma_semaphore, #tpu.memory_space<semaphore_mem>>) src(%arg7 : memref<136x16xf32, #tpu.memory_space<hbm>>) dst(%dma_wait3A_27 : memref<136x16xf32, #tpu.memory_space<vmem_shared>>)
      tpu.yield
    }) : () -> ()
    "tpu.region"() ({
      %run_scoped3A = tpu.sem_alloc : memref<!tpu.dma_semaphore, #tpu.memory_space<semaphore_mem>>
      tpu.enqueue_dma source(%arg8 : memref<128x16xf32, #tpu.memory_space<hbm>>) target(%arg19 : memref<128x16xf32, #tpu.memory_space<vmem>>) target_semaphore(%run_scoped3A : memref<!tpu.dma_semaphore, #tpu.memory_space<semaphore_mem>>)
      tpu.wait_dma2 semaphore(%run_scoped3A : memref<!tpu.dma_semaphore, #tpu.memory_space<semaphore_mem>>) src(%arg8 : memref<128x16xf32, #tpu.memory_space<hbm>>) dst(%arg19 : memref<128x16xf32, #tpu.memory_space<vmem>>)
      tpu.yield
    }) : () -> ()
    "tpu.region"() ({
      %run_scoped3A = tpu.sem_alloc : memref<!tpu.dma_semaphore, #tpu.memory_space<semaphore_mem>>
      %dma_start3A = arith.constant 0 : i32
      %dma_start3A_26 = arith.constant 0 : i32
      %dma_start3A_27 = tpu.memref_slice %arg5[%add3A, %dma_start3A, %dma_start3A_26] : memref<32x64x128xi32, #tpu.memory_space<hbm>> -> memref<1x64x128xi32, #tpu.memory_space<hbm>>
      %dma_start3A_28 = tpu.memref_squeeze %dma_start3A_27 : memref<1x64x128xi32, #tpu.memory_space<hbm>> -> memref<64x128xi32, #tpu.memory_space<hbm>>
      %dma_start3A_29 = arith.constant 0 : i32
      %dma_start3A_30 = arith.constant 0 : i32
      %dma_start3A_31 = tpu.memref_slice %arg5[%add3A, %dma_start3A_29, %dma_start3A_30] : memref<32x64x128xi32, #tpu.memory_space<hbm>> -> memref<1x64x128xi32, #tpu.memory_space<hbm>>
      %dma_start3A_32 = tpu.memref_squeeze %dma_start3A_31 : memref<1x64x128xi32, #tpu.memory_space<hbm>> -> memref<64x128xi32, #tpu.memory_space<hbm>>
      tpu.enqueue_dma source(%dma_start3A_32 : memref<64x128xi32, #tpu.memory_space<hbm>>) target(%arg17 : memref<64x128xi32, #tpu.memory_space<vmem>>) target_semaphore(%run_scoped3A : memref<!tpu.dma_semaphore, #tpu.memory_space<semaphore_mem>>)
      %dma_wait3A = arith.constant 0 : i32
      %dma_wait3A_33 = arith.constant 0 : i32
      %dma_wait3A_34 = tpu.memref_slice %arg5[%add3A, %dma_wait3A, %dma_wait3A_33] : memref<32x64x128xi32, #tpu.memory_space<hbm>> -> memref<1x64x128xi32, #tpu.memory_space<hbm>>
      %dma_wait3A_35 = tpu.memref_squeeze %dma_wait3A_34 : memref<1x64x128xi32, #tpu.memory_space<hbm>> -> memref<64x128xi32, #tpu.memory_space<hbm>>
      %dma_wait3A_36 = arith.constant 0 : i32
      %dma_wait3A_37 = arith.constant 0 : i32
      %dma_wait3A_38 = tpu.memref_slice %arg5[%add3A, %dma_wait3A_36, %dma_wait3A_37] : memref<32x64x128xi32, #tpu.memory_space<hbm>> -> memref<1x64x128xi32, #tpu.memory_space<hbm>>
      %dma_wait3A_39 = tpu.memref_squeeze %dma_wait3A_38 : memref<1x64x128xi32, #tpu.memory_space<hbm>> -> memref<64x128xi32, #tpu.memory_space<hbm>>
      tpu.wait_dma2 semaphore(%run_scoped3A : memref<!tpu.dma_semaphore, #tpu.memory_space<semaphore_mem>>) src(%dma_wait3A_39 : memref<64x128xi32, #tpu.memory_space<hbm>>) dst(%arg17 : memref<64x128xi32, #tpu.memory_space<vmem>>)
      tpu.yield
    }) : () -> ()
    %scan3A = arith.constant 0 : i32
    %scan3A_3 = arith.constant 0 : i32
    %scan3A_4 = arith.constant 8 : i32
    %scan3A_5 = arith.addi %scan3A_3, %scan3A_4 : i32
    %scan3A_6 = arith.constant 1 : i32
    scf.for %scan3A_26 = %scan3A_3 to %scan3A_5 step %scan3A_6  : i32 {
      %mul3A_27 = arith.constant 1024 : i32
      %mul3A_28 = arith.muli %scan3A_26, %mul3A_27 : i32
      "tpu.region"() ({
        %run_scoped3A = tpu.sem_alloc : memref<!tpu.dma_semaphore, #tpu.memory_space<semaphore_mem>>
        %dma_start3A = arith.constant 0 : i32
        %dma_start3A_61 = tpu.memref_slice %arg2[%add3A, %mul3A_28, %dma_start3A] : memref<32x8192x64xf32, #tpu.memory_space<hbm>> -> memref<1x1024x64xf32, #tpu.memory_space<hbm>>
        %dma_start3A_62 = tpu.memref_squeeze %dma_start3A_61 : memref<1x1024x64xf32, #tpu.memory_space<hbm>> -> memref<1024x64xf32, #tpu.memory_space<hbm>>
        %dma_start3A_63 = arith.constant 0 : i32
        %dma_start3A_64 = tpu.memref_slice %arg2[%add3A, %mul3A_28, %dma_start3A_63] : memref<32x8192x64xf32, #tpu.memory_space<hbm>> -> memref<1x1024x64xf32, #tpu.memory_space<hbm>>
        %dma_start3A_65 = tpu.memref_squeeze %dma_start3A_64 : memref<1x1024x64xf32, #tpu.memory_space<hbm>> -> memref<1024x64xf32, #tpu.memory_space<hbm>>
        tpu.enqueue_dma source(%dma_start3A_65 : memref<1024x64xf32, #tpu.memory_space<hbm>>) target(%arg18 : memref<1024x64xf32, #tpu.memory_space<vmem>>) target_semaphore(%run_scoped3A : memref<!tpu.dma_semaphore, #tpu.memory_space<semaphore_mem>>)
        %dma_wait3A = arith.constant 0 : i32
        %dma_wait3A_66 = tpu.memref_slice %arg2[%add3A, %mul3A_28, %dma_wait3A] : memref<32x8192x64xf32, #tpu.memory_space<hbm>> -> memref<1x1024x64xf32, #tpu.memory_space<hbm>>
        %dma_wait3A_67 = tpu.memref_squeeze %dma_wait3A_66 : memref<1x1024x64xf32, #tpu.memory_space<hbm>> -> memref<1024x64xf32, #tpu.memory_space<hbm>>
        %dma_wait3A_68 = arith.constant 0 : i32
        %dma_wait3A_69 = tpu.memref_slice %arg2[%add3A, %mul3A_28, %dma_wait3A_68] : memref<32x8192x64xf32, #tpu.memory_space<hbm>> -> memref<1x1024x64xf32, #tpu.memory_space<hbm>>
        %dma_wait3A_70 = tpu.memref_squeeze %dma_wait3A_69 : memref<1x1024x64xf32, #tpu.memory_space<hbm>> -> memref<1024x64xf32, #tpu.memory_space<hbm>>
        tpu.wait_dma2 semaphore(%run_scoped3A : memref<!tpu.dma_semaphore, #tpu.memory_space<semaphore_mem>>) src(%dma_wait3A_70 : memref<1024x64xf32, #tpu.memory_space<hbm>>) dst(%arg18 : memref<1024x64xf32, #tpu.memory_space<vmem>>)
        tpu.yield
      }) : () -> ()
      %mul3A_29 = arith.constant 8 : i32
      %mul3A_30 = arith.muli %scan3A_26, %mul3A_29 : i32
      %add3A_31 = arith.constant 0 : i32
      %add3A_32 = arith.addi %mul3A_30, %add3A_31 : i32
      "tpu.region"() ({
        %run_scoped3A = tpu.sem_alloc : memref<!tpu.dma_semaphore, #tpu.memory_space<semaphore_mem>>
        %dma_start3A = arith.constant 0 : i32
        %dma_start3A_61 = arith.constant 0 : i32
        %dma_start3A_62 = tpu.memref_slice %arg18[%dma_start3A, %dma_start3A_61] : memref<1024x64xf32, #tpu.memory_space<vmem>> -> memref<128x64xf32, #tpu.memory_space<vmem>>
        %dma_start3A_63 = arith.constant 0 : i32
        %dma_start3A_64 = tpu.memref_slice %arg17[%add3A_32, %dma_start3A_63] : memref<64x128xi32, #tpu.memory_space<vmem>> -> memref<1x128xi32, #tpu.memory_space<vmem>>
        %dma_start3A_65 = tpu.memref_squeeze %dma_start3A_64 : memref<1x128xi32, #tpu.memory_space<vmem>> -> memref<128xi32, #tpu.memory_space<vmem>>
        %dma_start3A_66 = arith.constant 0 : i32
        %dma_start3A_67 = arith.constant 0 : i32
        %dma_start3A_68 = tpu.memref_slice %arg13[%dma_start3A_66, %dma_start3A_67] : memref<2176x64xf32, #tpu.memory_space<vmem_shared>> -> memref<2176x64xf32, #tpu.memory_space<vmem_shared>>
        tpu.enqueue_indirect_dma source(%dma_start3A_62 : memref<128x64xf32, #tpu.memory_space<vmem>>) target(%dma_start3A_68 : memref<2176x64xf32, #tpu.memory_space<vmem_shared>>) offsets(%dma_start3A_65 : memref<128xi32, #tpu.memory_space<vmem>>) semaphore(%run_scoped3A : memref<!tpu.dma_semaphore, #tpu.memory_space<semaphore_mem>>) {add = true}
        %dma_wait3A = arith.constant 0 : i32
        %dma_wait3A_69 = arith.constant 0 : i32
        %dma_wait3A_70 = tpu.memref_slice %arg18[%dma_wait3A, %dma_wait3A_69] : memref<1024x64xf32, #tpu.memory_space<vmem>> -> memref<128x64xf32, #tpu.memory_space<vmem>>
        %dma_wait3A_71 = arith.constant 0 : i32
        %dma_wait3A_72 = tpu.memref_slice %arg17[%add3A_32, %dma_wait3A_71] : memref<64x128xi32, #tpu.memory_space<vmem>> -> memref<1x128xi32, #tpu.memory_space<vmem>>
        %dma_wait3A_73 = tpu.memref_squeeze %dma_wait3A_72 : memref<1x128xi32, #tpu.memory_space<vmem>> -> memref<128xi32, #tpu.memory_space<vmem>>
        %dma_wait3A_74 = arith.constant 0 : i32
        %dma_wait3A_75 = arith.constant 0 : i32
        %dma_wait3A_76 = tpu.memref_slice %arg13[%dma_wait3A_74, %dma_wait3A_75] : memref<2176x64xf32, #tpu.memory_space<vmem_shared>> -> memref<2176x64xf32, #tpu.memory_space<vmem_shared>>
        tpu.wait_indirect_dma semaphore(%run_scoped3A : memref<!tpu.dma_semaphore, #tpu.memory_space<semaphore_mem>>) src(%dma_wait3A_70 : memref<128x64xf32, #tpu.memory_space<vmem>>) dst(%dma_wait3A_76 : memref<2176x64xf32, #tpu.memory_space<vmem_shared>>)
        tpu.yield
      }) : () -> ()
      %mul3A_33 = arith.constant 8 : i32
      %mul3A_34 = arith.muli %scan3A_26, %mul3A_33 : i32
      %add3A_35 = arith.constant 1 : i32
      %add3A_36 = arith.addi %mul3A_34, %add3A_35 : i32
      "tpu.region"() ({
        %run_scoped3A = tpu.sem_alloc : memref<!tpu.dma_semaphore, #tpu.memory_space<semaphore_mem>>
        %dma_start3A = arith.constant 128 : i32
        %dma_start3A_61 = arith.constant 0 : i32
        %dma_start3A_62 = tpu.memref_slice %arg18[%dma_start3A, %dma_start3A_61] : memref<1024x64xf32, #tpu.memory_space<vmem>> -> memref<128x64xf32, #tpu.memory_space<vmem>>
        %dma_start3A_63 = arith.constant 0 : i32
        %dma_start3A_64 = tpu.memref_slice %arg17[%add3A_36, %dma_start3A_63] : memref<64x128xi32, #tpu.memory_space<vmem>> -> memref<1x128xi32, #tpu.memory_space<vmem>>
        %dma_start3A_65 = tpu.memref_squeeze %dma_start3A_64 : memref<1x128xi32, #tpu.memory_space<vmem>> -> memref<128xi32, #tpu.memory_space<vmem>>
        %dma_start3A_66 = arith.constant 0 : i32
        %dma_start3A_67 = arith.constant 0 : i32
        %dma_start3A_68 = tpu.memref_slice %arg13[%dma_start3A_66, %dma_start3A_67] : memref<2176x64xf32, #tpu.memory_space<vmem_shared>> -> memref<2176x64xf32, #tpu.memory_space<vmem_shared>>
        tpu.enqueue_indirect_dma source(%dma_start3A_62 : memref<128x64xf32, #tpu.memory_space<vmem>>) target(%dma_start3A_68 : memref<2176x64xf32, #tpu.memory_space<vmem_shared>>) offsets(%dma_start3A_65 : memref<128xi32, #tpu.memory_space<vmem>>) semaphore(%run_scoped3A : memref<!tpu.dma_semaphore, #tpu.memory_space<semaphore_mem>>) {add = true}
        %dma_wait3A = arith.constant 128 : i32
        %dma_wait3A_69 = arith.constant 0 : i32
        %dma_wait3A_70 = tpu.memref_slice %arg18[%dma_wait3A, %dma_wait3A_69] : memref<1024x64xf32, #tpu.memory_space<vmem>> -> memref<128x64xf32, #tpu.memory_space<vmem>>
        %dma_wait3A_71 = arith.constant 0 : i32
        %dma_wait3A_72 = tpu.memref_slice %arg17[%add3A_36, %dma_wait3A_71] : memref<64x128xi32, #tpu.memory_space<vmem>> -> memref<1x128xi32, #tpu.memory_space<vmem>>
        %dma_wait3A_73 = tpu.memref_squeeze %dma_wait3A_72 : memref<1x128xi32, #tpu.memory_space<vmem>> -> memref<128xi32, #tpu.memory_space<vmem>>
        %dma_wait3A_74 = arith.constant 0 : i32
        %dma_wait3A_75 = arith.constant 0 : i32
        %dma_wait3A_76 = tpu.memref_slice %arg13[%dma_wait3A_74, %dma_wait3A_75] : memref<2176x64xf32, #tpu.memory_space<vmem_shared>> -> memref<2176x64xf32, #tpu.memory_space<vmem_shared>>
        tpu.wait_indirect_dma semaphore(%run_scoped3A : memref<!tpu.dma_semaphore, #tpu.memory_space<semaphore_mem>>) src(%dma_wait3A_70 : memref<128x64xf32, #tpu.memory_space<vmem>>) dst(%dma_wait3A_76 : memref<2176x64xf32, #tpu.memory_space<vmem_shared>>)
        tpu.yield
      }) : () -> ()
      %mul3A_37 = arith.constant 8 : i32
      %mul3A_38 = arith.muli %scan3A_26, %mul3A_37 : i32
      %add3A_39 = arith.constant 2 : i32
      %add3A_40 = arith.addi %mul3A_38, %add3A_39 : i32
      "tpu.region"() ({
        %run_scoped3A = tpu.sem_alloc : memref<!tpu.dma_semaphore, #tpu.memory_space<semaphore_mem>>
        %dma_start3A = arith.constant 256 : i32
        %dma_start3A_61 = arith.constant 0 : i32
        %dma_start3A_62 = tpu.memref_slice %arg18[%dma_start3A, %dma_start3A_61] : memref<1024x64xf32, #tpu.memory_space<vmem>> -> memref<128x64xf32, #tpu.memory_space<vmem>>
        %dma_start3A_63 = arith.constant 0 : i32
        %dma_start3A_64 = tpu.memref_slice %arg17[%add3A_40, %dma_start3A_63] : memref<64x128xi32, #tpu.memory_space<vmem>> -> memref<1x128xi32, #tpu.memory_space<vmem>>
        %dma_start3A_65 = tpu.memref_squeeze %dma_start3A_64 : memref<1x128xi32, #tpu.memory_space<vmem>> -> memref<128xi32, #tpu.memory_space<vmem>>
        %dma_start3A_66 = arith.constant 0 : i32
        %dma_start3A_67 = arith.constant 0 : i32
        %dma_start3A_68 = tpu.memref_slice %arg13[%dma_start3A_66, %dma_start3A_67] : memref<2176x64xf32, #tpu.memory_space<vmem_shared>> -> memref<2176x64xf32, #tpu.memory_space<vmem_shared>>
        tpu.enqueue_indirect_dma source(%dma_start3A_62 : memref<128x64xf32, #tpu.memory_space<vmem>>) target(%dma_start3A_68 : memref<2176x64xf32, #tpu.memory_space<vmem_shared>>) offsets(%dma_start3A_65 : memref<128xi32, #tpu.memory_space<vmem>>) semaphore(%run_scoped3A : memref<!tpu.dma_semaphore, #tpu.memory_space<semaphore_mem>>) {add = true}
        %dma_wait3A = arith.constant 256 : i32
        %dma_wait3A_69 = arith.constant 0 : i32
        %dma_wait3A_70 = tpu.memref_slice %arg18[%dma_wait3A, %dma_wait3A_69] : memref<1024x64xf32, #tpu.memory_space<vmem>> -> memref<128x64xf32, #tpu.memory_space<vmem>>
        %dma_wait3A_71 = arith.constant 0 : i32
        %dma_wait3A_72 = tpu.memref_slice %arg17[%add3A_40, %dma_wait3A_71] : memref<64x128xi32, #tpu.memory_space<vmem>> -> memref<1x128xi32, #tpu.memory_space<vmem>>
        %dma_wait3A_73 = tpu.memref_squeeze %dma_wait3A_72 : memref<1x128xi32, #tpu.memory_space<vmem>> -> memref<128xi32, #tpu.memory_space<vmem>>
        %dma_wait3A_74 = arith.constant 0 : i32
        %dma_wait3A_75 = arith.constant 0 : i32
        %dma_wait3A_76 = tpu.memref_slice %arg13[%dma_wait3A_74, %dma_wait3A_75] : memref<2176x64xf32, #tpu.memory_space<vmem_shared>> -> memref<2176x64xf32, #tpu.memory_space<vmem_shared>>
        tpu.wait_indirect_dma semaphore(%run_scoped3A : memref<!tpu.dma_semaphore, #tpu.memory_space<semaphore_mem>>) src(%dma_wait3A_70 : memref<128x64xf32, #tpu.memory_space<vmem>>) dst(%dma_wait3A_76 : memref<2176x64xf32, #tpu.memory_space<vmem_shared>>)
        tpu.yield
      }) : () -> ()
      %mul3A_41 = arith.constant 8 : i32
      %mul3A_42 = arith.muli %scan3A_26, %mul3A_41 : i32
      %add3A_43 = arith.constant 3 : i32
      %add3A_44 = arith.addi %mul3A_42, %add3A_43 : i32
      "tpu.region"() ({
        %run_scoped3A = tpu.sem_alloc : memref<!tpu.dma_semaphore, #tpu.memory_space<semaphore_mem>>
        %dma_start3A = arith.constant 384 : i32
        %dma_start3A_61 = arith.constant 0 : i32
        %dma_start3A_62 = tpu.memref_slice %arg18[%dma_start3A, %dma_start3A_61] : memref<1024x64xf32, #tpu.memory_space<vmem>> -> memref<128x64xf32, #tpu.memory_space<vmem>>
        %dma_start3A_63 = arith.constant 0 : i32
        %dma_start3A_64 = tpu.memref_slice %arg17[%add3A_44, %dma_start3A_63] : memref<64x128xi32, #tpu.memory_space<vmem>> -> memref<1x128xi32, #tpu.memory_space<vmem>>
        %dma_start3A_65 = tpu.memref_squeeze %dma_start3A_64 : memref<1x128xi32, #tpu.memory_space<vmem>> -> memref<128xi32, #tpu.memory_space<vmem>>
        %dma_start3A_66 = arith.constant 0 : i32
        %dma_start3A_67 = arith.constant 0 : i32
        %dma_start3A_68 = tpu.memref_slice %arg13[%dma_start3A_66, %dma_start3A_67] : memref<2176x64xf32, #tpu.memory_space<vmem_shared>> -> memref<2176x64xf32, #tpu.memory_space<vmem_shared>>
        tpu.enqueue_indirect_dma source(%dma_start3A_62 : memref<128x64xf32, #tpu.memory_space<vmem>>) target(%dma_start3A_68 : memref<2176x64xf32, #tpu.memory_space<vmem_shared>>) offsets(%dma_start3A_65 : memref<128xi32, #tpu.memory_space<vmem>>) semaphore(%run_scoped3A : memref<!tpu.dma_semaphore, #tpu.memory_space<semaphore_mem>>) {add = true}
        %dma_wait3A = arith.constant 384 : i32
        %dma_wait3A_69 = arith.constant 0 : i32
        %dma_wait3A_70 = tpu.memref_slice %arg18[%dma_wait3A, %dma_wait3A_69] : memref<1024x64xf32, #tpu.memory_space<vmem>> -> memref<128x64xf32, #tpu.memory_space<vmem>>
        %dma_wait3A_71 = arith.constant 0 : i32
        %dma_wait3A_72 = tpu.memref_slice %arg17[%add3A_44, %dma_wait3A_71] : memref<64x128xi32, #tpu.memory_space<vmem>> -> memref<1x128xi32, #tpu.memory_space<vmem>>
        %dma_wait3A_73 = tpu.memref_squeeze %dma_wait3A_72 : memref<1x128xi32, #tpu.memory_space<vmem>> -> memref<128xi32, #tpu.memory_space<vmem>>
        %dma_wait3A_74 = arith.constant 0 : i32
        %dma_wait3A_75 = arith.constant 0 : i32
        %dma_wait3A_76 = tpu.memref_slice %arg13[%dma_wait3A_74, %dma_wait3A_75] : memref<2176x64xf32, #tpu.memory_space<vmem_shared>> -> memref<2176x64xf32, #tpu.memory_space<vmem_shared>>
        tpu.wait_indirect_dma semaphore(%run_scoped3A : memref<!tpu.dma_semaphore, #tpu.memory_space<semaphore_mem>>) src(%dma_wait3A_70 : memref<128x64xf32, #tpu.memory_space<vmem>>) dst(%dma_wait3A_76 : memref<2176x64xf32, #tpu.memory_space<vmem_shared>>)
        tpu.yield
      }) : () -> ()
      %mul3A_45 = arith.constant 8 : i32
      %mul3A_46 = arith.muli %scan3A_26, %mul3A_45 : i32
      %add3A_47 = arith.constant 4 : i32
      %add3A_48 = arith.addi %mul3A_46, %add3A_47 : i32
      "tpu.region"() ({
        %run_scoped3A = tpu.sem_alloc : memref<!tpu.dma_semaphore, #tpu.memory_space<semaphore_mem>>
        %dma_start3A = arith.constant 512 : i32
        %dma_start3A_61 = arith.constant 0 : i32
        %dma_start3A_62 = tpu.memref_slice %arg18[%dma_start3A, %dma_start3A_61] : memref<1024x64xf32, #tpu.memory_space<vmem>> -> memref<128x64xf32, #tpu.memory_space<vmem>>
        %dma_start3A_63 = arith.constant 0 : i32
        %dma_start3A_64 = tpu.memref_slice %arg17[%add3A_48, %dma_start3A_63] : memref<64x128xi32, #tpu.memory_space<vmem>> -> memref<1x128xi32, #tpu.memory_space<vmem>>
        %dma_start3A_65 = tpu.memref_squeeze %dma_start3A_64 : memref<1x128xi32, #tpu.memory_space<vmem>> -> memref<128xi32, #tpu.memory_space<vmem>>
        %dma_start3A_66 = arith.constant 0 : i32
        %dma_start3A_67 = arith.constant 0 : i32
        %dma_start3A_68 = tpu.memref_slice %arg13[%dma_start3A_66, %dma_start3A_67] : memref<2176x64xf32, #tpu.memory_space<vmem_shared>> -> memref<2176x64xf32, #tpu.memory_space<vmem_shared>>
        tpu.enqueue_indirect_dma source(%dma_start3A_62 : memref<128x64xf32, #tpu.memory_space<vmem>>) target(%dma_start3A_68 : memref<2176x64xf32, #tpu.memory_space<vmem_shared>>) offsets(%dma_start3A_65 : memref<128xi32, #tpu.memory_space<vmem>>) semaphore(%run_scoped3A : memref<!tpu.dma_semaphore, #tpu.memory_space<semaphore_mem>>) {add = true}
        %dma_wait3A = arith.constant 512 : i32
        %dma_wait3A_69 = arith.constant 0 : i32
        %dma_wait3A_70 = tpu.memref_slice %arg18[%dma_wait3A, %dma_wait3A_69] : memref<1024x64xf32, #tpu.memory_space<vmem>> -> memref<128x64xf32, #tpu.memory_space<vmem>>
        %dma_wait3A_71 = arith.constant 0 : i32
        %dma_wait3A_72 = tpu.memref_slice %arg17[%add3A_48, %dma_wait3A_71] : memref<64x128xi32, #tpu.memory_space<vmem>> -> memref<1x128xi32, #tpu.memory_space<vmem>>
        %dma_wait3A_73 = tpu.memref_squeeze %dma_wait3A_72 : memref<1x128xi32, #tpu.memory_space<vmem>> -> memref<128xi32, #tpu.memory_space<vmem>>
        %dma_wait3A_74 = arith.constant 0 : i32
        %dma_wait3A_75 = arith.constant 0 : i32
        %dma_wait3A_76 = tpu.memref_slice %arg13[%dma_wait3A_74, %dma_wait3A_75] : memref<2176x64xf32, #tpu.memory_space<vmem_shared>> -> memref<2176x64xf32, #tpu.memory_space<vmem_shared>>
        tpu.wait_indirect_dma semaphore(%run_scoped3A : memref<!tpu.dma_semaphore, #tpu.memory_space<semaphore_mem>>) src(%dma_wait3A_70 : memref<128x64xf32, #tpu.memory_space<vmem>>) dst(%dma_wait3A_76 : memref<2176x64xf32, #tpu.memory_space<vmem_shared>>)
        tpu.yield
      }) : () -> ()
      %mul3A_49 = arith.constant 8 : i32
      %mul3A_50 = arith.muli %scan3A_26, %mul3A_49 : i32
      %add3A_51 = arith.constant 5 : i32
      %add3A_52 = arith.addi %mul3A_50, %add3A_51 : i32
      "tpu.region"() ({
        %run_scoped3A = tpu.sem_alloc : memref<!tpu.dma_semaphore, #tpu.memory_space<semaphore_mem>>
        %dma_start3A = arith.constant 640 : i32
        %dma_start3A_61 = arith.constant 0 : i32
        %dma_start3A_62 = tpu.memref_slice %arg18[%dma_start3A, %dma_start3A_61] : memref<1024x64xf32, #tpu.memory_space<vmem>> -> memref<128x64xf32, #tpu.memory_space<vmem>>
        %dma_start3A_63 = arith.constant 0 : i32
        %dma_start3A_64 = tpu.memref_slice %arg17[%add3A_52, %dma_start3A_63] : memref<64x128xi32, #tpu.memory_space<vmem>> -> memref<1x128xi32, #tpu.memory_space<vmem>>
        %dma_start3A_65 = tpu.memref_squeeze %dma_start3A_64 : memref<1x128xi32, #tpu.memory_space<vmem>> -> memref<128xi32, #tpu.memory_space<vmem>>
        %dma_start3A_66 = arith.constant 0 : i32
        %dma_start3A_67 = arith.constant 0 : i32
        %dma_start3A_68 = tpu.memref_slice %arg13[%dma_start3A_66, %dma_start3A_67] : memref<2176x64xf32, #tpu.memory_space<vmem_shared>> -> memref<2176x64xf32, #tpu.memory_space<vmem_shared>>
        tpu.enqueue_indirect_dma source(%dma_start3A_62 : memref<128x64xf32, #tpu.memory_space<vmem>>) target(%dma_start3A_68 : memref<2176x64xf32, #tpu.memory_space<vmem_shared>>) offsets(%dma_start3A_65 : memref<128xi32, #tpu.memory_space<vmem>>) semaphore(%run_scoped3A : memref<!tpu.dma_semaphore, #tpu.memory_space<semaphore_mem>>) {add = true}
        %dma_wait3A = arith.constant 640 : i32
        %dma_wait3A_69 = arith.constant 0 : i32
        %dma_wait3A_70 = tpu.memref_slice %arg18[%dma_wait3A, %dma_wait3A_69] : memref<1024x64xf32, #tpu.memory_space<vmem>> -> memref<128x64xf32, #tpu.memory_space<vmem>>
        %dma_wait3A_71 = arith.constant 0 : i32
        %dma_wait3A_72 = tpu.memref_slice %arg17[%add3A_52, %dma_wait3A_71] : memref<64x128xi32, #tpu.memory_space<vmem>> -> memref<1x128xi32, #tpu.memory_space<vmem>>
        %dma_wait3A_73 = tpu.memref_squeeze %dma_wait3A_72 : memref<1x128xi32, #tpu.memory_space<vmem>> -> memref<128xi32, #tpu.memory_space<vmem>>
        %dma_wait3A_74 = arith.constant 0 : i32
        %dma_wait3A_75 = arith.constant 0 : i32
        %dma_wait3A_76 = tpu.memref_slice %arg13[%dma_wait3A_74, %dma_wait3A_75] : memref<2176x64xf32, #tpu.memory_space<vmem_shared>> -> memref<2176x64xf32, #tpu.memory_space<vmem_shared>>
        tpu.wait_indirect_dma semaphore(%run_scoped3A : memref<!tpu.dma_semaphore, #tpu.memory_space<semaphore_mem>>) src(%dma_wait3A_70 : memref<128x64xf32, #tpu.memory_space<vmem>>) dst(%dma_wait3A_76 : memref<2176x64xf32, #tpu.memory_space<vmem_shared>>)
        tpu.yield
      }) : () -> ()
      %mul3A_53 = arith.constant 8 : i32
      %mul3A_54 = arith.muli %scan3A_26, %mul3A_53 : i32
      %add3A_55 = arith.constant 6 : i32
      %add3A_56 = arith.addi %mul3A_54, %add3A_55 : i32
      "tpu.region"() ({
        %run_scoped3A = tpu.sem_alloc : memref<!tpu.dma_semaphore, #tpu.memory_space<semaphore_mem>>
        %dma_start3A = arith.constant 768 : i32
        %dma_start3A_61 = arith.constant 0 : i32
        %dma_start3A_62 = tpu.memref_slice %arg18[%dma_start3A, %dma_start3A_61] : memref<1024x64xf32, #tpu.memory_space<vmem>> -> memref<128x64xf32, #tpu.memory_space<vmem>>
        %dma_start3A_63 = arith.constant 0 : i32
        %dma_start3A_64 = tpu.memref_slice %arg17[%add3A_56, %dma_start3A_63] : memref<64x128xi32, #tpu.memory_space<vmem>> -> memref<1x128xi32, #tpu.memory_space<vmem>>
        %dma_start3A_65 = tpu.memref_squeeze %dma_start3A_64 : memref<1x128xi32, #tpu.memory_space<vmem>> -> memref<128xi32, #tpu.memory_space<vmem>>
        %dma_start3A_66 = arith.constant 0 : i32
        %dma_start3A_67 = arith.constant 0 : i32
        %dma_start3A_68 = tpu.memref_slice %arg13[%dma_start3A_66, %dma_start3A_67] : memref<2176x64xf32, #tpu.memory_space<vmem_shared>> -> memref<2176x64xf32, #tpu.memory_space<vmem_shared>>
        tpu.enqueue_indirect_dma source(%dma_start3A_62 : memref<128x64xf32, #tpu.memory_space<vmem>>) target(%dma_start3A_68 : memref<2176x64xf32, #tpu.memory_space<vmem_shared>>) offsets(%dma_start3A_65 : memref<128xi32, #tpu.memory_space<vmem>>) semaphore(%run_scoped3A : memref<!tpu.dma_semaphore, #tpu.memory_space<semaphore_mem>>) {add = true}
        %dma_wait3A = arith.constant 768 : i32
        %dma_wait3A_69 = arith.constant 0 : i32
        %dma_wait3A_70 = tpu.memref_slice %arg18[%dma_wait3A, %dma_wait3A_69] : memref<1024x64xf32, #tpu.memory_space<vmem>> -> memref<128x64xf32, #tpu.memory_space<vmem>>
        %dma_wait3A_71 = arith.constant 0 : i32
        %dma_wait3A_72 = tpu.memref_slice %arg17[%add3A_56, %dma_wait3A_71] : memref<64x128xi32, #tpu.memory_space<vmem>> -> memref<1x128xi32, #tpu.memory_space<vmem>>
        %dma_wait3A_73 = tpu.memref_squeeze %dma_wait3A_72 : memref<1x128xi32, #tpu.memory_space<vmem>> -> memref<128xi32, #tpu.memory_space<vmem>>
        %dma_wait3A_74 = arith.constant 0 : i32
        %dma_wait3A_75 = arith.constant 0 : i32
        %dma_wait3A_76 = tpu.memref_slice %arg13[%dma_wait3A_74, %dma_wait3A_75] : memref<2176x64xf32, #tpu.memory_space<vmem_shared>> -> memref<2176x64xf32, #tpu.memory_space<vmem_shared>>
        tpu.wait_indirect_dma semaphore(%run_scoped3A : memref<!tpu.dma_semaphore, #tpu.memory_space<semaphore_mem>>) src(%dma_wait3A_70 : memref<128x64xf32, #tpu.memory_space<vmem>>) dst(%dma_wait3A_76 : memref<2176x64xf32, #tpu.memory_space<vmem_shared>>)
        tpu.yield
      }) : () -> ()
      %mul3A_57 = arith.constant 8 : i32
      %mul3A_58 = arith.muli %scan3A_26, %mul3A_57 : i32
      %add3A_59 = arith.constant 7 : i32
      %add3A_60 = arith.addi %mul3A_58, %add3A_59 : i32
      "tpu.region"() ({
        %run_scoped3A = tpu.sem_alloc : memref<!tpu.dma_semaphore, #tpu.memory_space<semaphore_mem>>
        %dma_start3A = arith.constant 896 : i32
        %dma_start3A_61 = arith.constant 0 : i32
        %dma_start3A_62 = tpu.memref_slice %arg18[%dma_start3A, %dma_start3A_61] : memref<1024x64xf32, #tpu.memory_space<vmem>> -> memref<128x64xf32, #tpu.memory_space<vmem>>
        %dma_start3A_63 = arith.constant 0 : i32
        %dma_start3A_64 = tpu.memref_slice %arg17[%add3A_60, %dma_start3A_63] : memref<64x128xi32, #tpu.memory_space<vmem>> -> memref<1x128xi32, #tpu.memory_space<vmem>>
        %dma_start3A_65 = tpu.memref_squeeze %dma_start3A_64 : memref<1x128xi32, #tpu.memory_space<vmem>> -> memref<128xi32, #tpu.memory_space<vmem>>
        %dma_start3A_66 = arith.constant 0 : i32
        %dma_start3A_67 = arith.constant 0 : i32
        %dma_start3A_68 = tpu.memref_slice %arg13[%dma_start3A_66, %dma_start3A_67] : memref<2176x64xf32, #tpu.memory_space<vmem_shared>> -> memref<2176x64xf32, #tpu.memory_space<vmem_shared>>
        tpu.enqueue_indirect_dma source(%dma_start3A_62 : memref<128x64xf32, #tpu.memory_space<vmem>>) target(%dma_start3A_68 : memref<2176x64xf32, #tpu.memory_space<vmem_shared>>) offsets(%dma_start3A_65 : memref<128xi32, #tpu.memory_space<vmem>>) semaphore(%run_scoped3A : memref<!tpu.dma_semaphore, #tpu.memory_space<semaphore_mem>>) {add = true}
        %dma_wait3A = arith.constant 896 : i32
        %dma_wait3A_69 = arith.constant 0 : i32
        %dma_wait3A_70 = tpu.memref_slice %arg18[%dma_wait3A, %dma_wait3A_69] : memref<1024x64xf32, #tpu.memory_space<vmem>> -> memref<128x64xf32, #tpu.memory_space<vmem>>
        %dma_wait3A_71 = arith.constant 0 : i32
        %dma_wait3A_72 = tpu.memref_slice %arg17[%add3A_60, %dma_wait3A_71] : memref<64x128xi32, #tpu.memory_space<vmem>> -> memref<1x128xi32, #tpu.memory_space<vmem>>
        %dma_wait3A_73 = tpu.memref_squeeze %dma_wait3A_72 : memref<1x128xi32, #tpu.memory_space<vmem>> -> memref<128xi32, #tpu.memory_space<vmem>>
        %dma_wait3A_74 = arith.constant 0 : i32
        %dma_wait3A_75 = arith.constant 0 : i32
        %dma_wait3A_76 = tpu.memref_slice %arg13[%dma_wait3A_74, %dma_wait3A_75] : memref<2176x64xf32, #tpu.memory_space<vmem_shared>> -> memref<2176x64xf32, #tpu.memory_space<vmem_shared>>
        tpu.wait_indirect_dma semaphore(%run_scoped3A : memref<!tpu.dma_semaphore, #tpu.memory_space<semaphore_mem>>) src(%dma_wait3A_70 : memref<128x64xf32, #tpu.memory_space<vmem>>) dst(%dma_wait3A_76 : memref<2176x64xf32, #tpu.memory_space<vmem_shared>>)
        tpu.yield
      }) : () -> ()
    }
    %scan3A_7 = arith.constant 8 : i32
    %scan3A_8 = arith.constant 0 : i32
    %scan3A_9 = arith.constant 0 : i32
    %scan3A_10 = arith.constant 8 : i32
    %scan3A_11 = arith.addi %scan3A_9, %scan3A_10 : i32
    %scan3A_12 = arith.constant 1 : i32
    scf.for %scan3A_26 = %scan3A_9 to %scan3A_11 step %scan3A_12  : i32 {
      %mul3A_27 = arith.constant 1024 : i32
      %mul3A_28 = arith.muli %scan3A_26, %mul3A_27 : i32
      "tpu.region"() ({
        %run_scoped3A = tpu.sem_alloc : memref<!tpu.dma_semaphore, #tpu.memory_space<semaphore_mem>>
        %dma_start3A = arith.constant 0 : i32
        %dma_start3A_61 = tpu.memref_slice %arg3[%add3A, %mul3A_28, %dma_start3A] : memref<32x8192x64xf32, #tpu.memory_space<hbm>> -> memref<1x1024x64xf32, #tpu.memory_space<hbm>>
        %dma_start3A_62 = tpu.memref_squeeze %dma_start3A_61 : memref<1x1024x64xf32, #tpu.memory_space<hbm>> -> memref<1024x64xf32, #tpu.memory_space<hbm>>
        %dma_start3A_63 = arith.constant 0 : i32
        %dma_start3A_64 = tpu.memref_slice %arg3[%add3A, %mul3A_28, %dma_start3A_63] : memref<32x8192x64xf32, #tpu.memory_space<hbm>> -> memref<1x1024x64xf32, #tpu.memory_space<hbm>>
        %dma_start3A_65 = tpu.memref_squeeze %dma_start3A_64 : memref<1x1024x64xf32, #tpu.memory_space<hbm>> -> memref<1024x64xf32, #tpu.memory_space<hbm>>
        tpu.enqueue_dma source(%dma_start3A_65 : memref<1024x64xf32, #tpu.memory_space<hbm>>) target(%arg18 : memref<1024x64xf32, #tpu.memory_space<vmem>>) target_semaphore(%run_scoped3A : memref<!tpu.dma_semaphore, #tpu.memory_space<semaphore_mem>>)
        %dma_wait3A = arith.constant 0 : i32
        %dma_wait3A_66 = tpu.memref_slice %arg3[%add3A, %mul3A_28, %dma_wait3A] : memref<32x8192x64xf32, #tpu.memory_space<hbm>> -> memref<1x1024x64xf32, #tpu.memory_space<hbm>>
        %dma_wait3A_67 = tpu.memref_squeeze %dma_wait3A_66 : memref<1x1024x64xf32, #tpu.memory_space<hbm>> -> memref<1024x64xf32, #tpu.memory_space<hbm>>
        %dma_wait3A_68 = arith.constant 0 : i32
        %dma_wait3A_69 = tpu.memref_slice %arg3[%add3A, %mul3A_28, %dma_wait3A_68] : memref<32x8192x64xf32, #tpu.memory_space<hbm>> -> memref<1x1024x64xf32, #tpu.memory_space<hbm>>
        %dma_wait3A_70 = tpu.memref_squeeze %dma_wait3A_69 : memref<1x1024x64xf32, #tpu.memory_space<hbm>> -> memref<1024x64xf32, #tpu.memory_space<hbm>>
        tpu.wait_dma2 semaphore(%run_scoped3A : memref<!tpu.dma_semaphore, #tpu.memory_space<semaphore_mem>>) src(%dma_wait3A_70 : memref<1024x64xf32, #tpu.memory_space<hbm>>) dst(%arg18 : memref<1024x64xf32, #tpu.memory_space<vmem>>)
        tpu.yield
      }) : () -> ()
      %mul3A_29 = arith.constant 8 : i32
      %mul3A_30 = arith.muli %scan3A_26, %mul3A_29 : i32
      %add3A_31 = arith.constant 0 : i32
      %add3A_32 = arith.addi %mul3A_30, %add3A_31 : i32
      "tpu.region"() ({
        %run_scoped3A = tpu.sem_alloc : memref<!tpu.dma_semaphore, #tpu.memory_space<semaphore_mem>>
        %dma_start3A = arith.constant 0 : i32
        %dma_start3A_61 = arith.constant 0 : i32
        %dma_start3A_62 = tpu.memref_slice %arg18[%dma_start3A, %dma_start3A_61] : memref<1024x64xf32, #tpu.memory_space<vmem>> -> memref<128x64xf32, #tpu.memory_space<vmem>>
        %dma_start3A_63 = arith.constant 0 : i32
        %dma_start3A_64 = tpu.memref_slice %arg17[%add3A_32, %dma_start3A_63] : memref<64x128xi32, #tpu.memory_space<vmem>> -> memref<1x128xi32, #tpu.memory_space<vmem>>
        %dma_start3A_65 = tpu.memref_squeeze %dma_start3A_64 : memref<1x128xi32, #tpu.memory_space<vmem>> -> memref<128xi32, #tpu.memory_space<vmem>>
        %dma_start3A_66 = arith.constant 0 : i32
        %dma_start3A_67 = arith.constant 0 : i32
        %dma_start3A_68 = tpu.memref_slice %arg14[%dma_start3A_66, %dma_start3A_67] : memref<2176x64xf32, #tpu.memory_space<vmem_shared>> -> memref<2176x64xf32, #tpu.memory_space<vmem_shared>>
        tpu.enqueue_indirect_dma source(%dma_start3A_62 : memref<128x64xf32, #tpu.memory_space<vmem>>) target(%dma_start3A_68 : memref<2176x64xf32, #tpu.memory_space<vmem_shared>>) offsets(%dma_start3A_65 : memref<128xi32, #tpu.memory_space<vmem>>) semaphore(%run_scoped3A : memref<!tpu.dma_semaphore, #tpu.memory_space<semaphore_mem>>) {add = true}
        %dma_wait3A = arith.constant 0 : i32
        %dma_wait3A_69 = arith.constant 0 : i32
        %dma_wait3A_70 = tpu.memref_slice %arg18[%dma_wait3A, %dma_wait3A_69] : memref<1024x64xf32, #tpu.memory_space<vmem>> -> memref<128x64xf32, #tpu.memory_space<vmem>>
        %dma_wait3A_71 = arith.constant 0 : i32
        %dma_wait3A_72 = tpu.memref_slice %arg17[%add3A_32, %dma_wait3A_71] : memref<64x128xi32, #tpu.memory_space<vmem>> -> memref<1x128xi32, #tpu.memory_space<vmem>>
        %dma_wait3A_73 = tpu.memref_squeeze %dma_wait3A_72 : memref<1x128xi32, #tpu.memory_space<vmem>> -> memref<128xi32, #tpu.memory_space<vmem>>
        %dma_wait3A_74 = arith.constant 0 : i32
        %dma_wait3A_75 = arith.constant 0 : i32
        %dma_wait3A_76 = tpu.memref_slice %arg14[%dma_wait3A_74, %dma_wait3A_75] : memref<2176x64xf32, #tpu.memory_space<vmem_shared>> -> memref<2176x64xf32, #tpu.memory_space<vmem_shared>>
        tpu.wait_indirect_dma semaphore(%run_scoped3A : memref<!tpu.dma_semaphore, #tpu.memory_space<semaphore_mem>>) src(%dma_wait3A_70 : memref<128x64xf32, #tpu.memory_space<vmem>>) dst(%dma_wait3A_76 : memref<2176x64xf32, #tpu.memory_space<vmem_shared>>)
        tpu.yield
      }) : () -> ()
      %mul3A_33 = arith.constant 8 : i32
      %mul3A_34 = arith.muli %scan3A_26, %mul3A_33 : i32
      %add3A_35 = arith.constant 1 : i32
      %add3A_36 = arith.addi %mul3A_34, %add3A_35 : i32
      "tpu.region"() ({
        %run_scoped3A = tpu.sem_alloc : memref<!tpu.dma_semaphore, #tpu.memory_space<semaphore_mem>>
        %dma_start3A = arith.constant 128 : i32
        %dma_start3A_61 = arith.constant 0 : i32
        %dma_start3A_62 = tpu.memref_slice %arg18[%dma_start3A, %dma_start3A_61] : memref<1024x64xf32, #tpu.memory_space<vmem>> -> memref<128x64xf32, #tpu.memory_space<vmem>>
        %dma_start3A_63 = arith.constant 0 : i32
        %dma_start3A_64 = tpu.memref_slice %arg17[%add3A_36, %dma_start3A_63] : memref<64x128xi32, #tpu.memory_space<vmem>> -> memref<1x128xi32, #tpu.memory_space<vmem>>
        %dma_start3A_65 = tpu.memref_squeeze %dma_start3A_64 : memref<1x128xi32, #tpu.memory_space<vmem>> -> memref<128xi32, #tpu.memory_space<vmem>>
        %dma_start3A_66 = arith.constant 0 : i32
        %dma_start3A_67 = arith.constant 0 : i32
        %dma_start3A_68 = tpu.memref_slice %arg14[%dma_start3A_66, %dma_start3A_67] : memref<2176x64xf32, #tpu.memory_space<vmem_shared>> -> memref<2176x64xf32, #tpu.memory_space<vmem_shared>>
        tpu.enqueue_indirect_dma source(%dma_start3A_62 : memref<128x64xf32, #tpu.memory_space<vmem>>) target(%dma_start3A_68 : memref<2176x64xf32, #tpu.memory_space<vmem_shared>>) offsets(%dma_start3A_65 : memref<128xi32, #tpu.memory_space<vmem>>) semaphore(%run_scoped3A : memref<!tpu.dma_semaphore, #tpu.memory_space<semaphore_mem>>) {add = true}
        %dma_wait3A = arith.constant 128 : i32
        %dma_wait3A_69 = arith.constant 0 : i32
        %dma_wait3A_70 = tpu.memref_slice %arg18[%dma_wait3A, %dma_wait3A_69] : memref<1024x64xf32, #tpu.memory_space<vmem>> -> memref<128x64xf32, #tpu.memory_space<vmem>>
        %dma_wait3A_71 = arith.constant 0 : i32
        %dma_wait3A_72 = tpu.memref_slice %arg17[%add3A_36, %dma_wait3A_71] : memref<64x128xi32, #tpu.memory_space<vmem>> -> memref<1x128xi32, #tpu.memory_space<vmem>>
        %dma_wait3A_73 = tpu.memref_squeeze %dma_wait3A_72 : memref<1x128xi32, #tpu.memory_space<vmem>> -> memref<128xi32, #tpu.memory_space<vmem>>
        %dma_wait3A_74 = arith.constant 0 : i32
        %dma_wait3A_75 = arith.constant 0 : i32
        %dma_wait3A_76 = tpu.memref_slice %arg14[%dma_wait3A_74, %dma_wait3A_75] : memref<2176x64xf32, #tpu.memory_space<vmem_shared>> -> memref<2176x64xf32, #tpu.memory_space<vmem_shared>>
        tpu.wait_indirect_dma semaphore(%run_scoped3A : memref<!tpu.dma_semaphore, #tpu.memory_space<semaphore_mem>>) src(%dma_wait3A_70 : memref<128x64xf32, #tpu.memory_space<vmem>>) dst(%dma_wait3A_76 : memref<2176x64xf32, #tpu.memory_space<vmem_shared>>)
        tpu.yield
      }) : () -> ()
      %mul3A_37 = arith.constant 8 : i32
      %mul3A_38 = arith.muli %scan3A_26, %mul3A_37 : i32
      %add3A_39 = arith.constant 2 : i32
      %add3A_40 = arith.addi %mul3A_38, %add3A_39 : i32
      "tpu.region"() ({
        %run_scoped3A = tpu.sem_alloc : memref<!tpu.dma_semaphore, #tpu.memory_space<semaphore_mem>>
        %dma_start3A = arith.constant 256 : i32
        %dma_start3A_61 = arith.constant 0 : i32
        %dma_start3A_62 = tpu.memref_slice %arg18[%dma_start3A, %dma_start3A_61] : memref<1024x64xf32, #tpu.memory_space<vmem>> -> memref<128x64xf32, #tpu.memory_space<vmem>>
        %dma_start3A_63 = arith.constant 0 : i32
        %dma_start3A_64 = tpu.memref_slice %arg17[%add3A_40, %dma_start3A_63] : memref<64x128xi32, #tpu.memory_space<vmem>> -> memref<1x128xi32, #tpu.memory_space<vmem>>
        %dma_start3A_65 = tpu.memref_squeeze %dma_start3A_64 : memref<1x128xi32, #tpu.memory_space<vmem>> -> memref<128xi32, #tpu.memory_space<vmem>>
        %dma_start3A_66 = arith.constant 0 : i32
        %dma_start3A_67 = arith.constant 0 : i32
        %dma_start3A_68 = tpu.memref_slice %arg14[%dma_start3A_66, %dma_start3A_67] : memref<2176x64xf32, #tpu.memory_space<vmem_shared>> -> memref<2176x64xf32, #tpu.memory_space<vmem_shared>>
        tpu.enqueue_indirect_dma source(%dma_start3A_62 : memref<128x64xf32, #tpu.memory_space<vmem>>) target(%dma_start3A_68 : memref<2176x64xf32, #tpu.memory_space<vmem_shared>>) offsets(%dma_start3A_65 : memref<128xi32, #tpu.memory_space<vmem>>) semaphore(%run_scoped3A : memref<!tpu.dma_semaphore, #tpu.memory_space<semaphore_mem>>) {add = true}
        %dma_wait3A = arith.constant 256 : i32
        %dma_wait3A_69 = arith.constant 0 : i32
        %dma_wait3A_70 = tpu.memref_slice %arg18[%dma_wait3A, %dma_wait3A_69] : memref<1024x64xf32, #tpu.memory_space<vmem>> -> memref<128x64xf32, #tpu.memory_space<vmem>>
        %dma_wait3A_71 = arith.constant 0 : i32
        %dma_wait3A_72 = tpu.memref_slice %arg17[%add3A_40, %dma_wait3A_71] : memref<64x128xi32, #tpu.memory_space<vmem>> -> memref<1x128xi32, #tpu.memory_space<vmem>>
        %dma_wait3A_73 = tpu.memref_squeeze %dma_wait3A_72 : memref<1x128xi32, #tpu.memory_space<vmem>> -> memref<128xi32, #tpu.memory_space<vmem>>
        %dma_wait3A_74 = arith.constant 0 : i32
        %dma_wait3A_75 = arith.constant 0 : i32
        %dma_wait3A_76 = tpu.memref_slice %arg14[%dma_wait3A_74, %dma_wait3A_75] : memref<2176x64xf32, #tpu.memory_space<vmem_shared>> -> memref<2176x64xf32, #tpu.memory_space<vmem_shared>>
        tpu.wait_indirect_dma semaphore(%run_scoped3A : memref<!tpu.dma_semaphore, #tpu.memory_space<semaphore_mem>>) src(%dma_wait3A_70 : memref<128x64xf32, #tpu.memory_space<vmem>>) dst(%dma_wait3A_76 : memref<2176x64xf32, #tpu.memory_space<vmem_shared>>)
        tpu.yield
      }) : () -> ()
      %mul3A_41 = arith.constant 8 : i32
      %mul3A_42 = arith.muli %scan3A_26, %mul3A_41 : i32
      %add3A_43 = arith.constant 3 : i32
      %add3A_44 = arith.addi %mul3A_42, %add3A_43 : i32
      "tpu.region"() ({
        %run_scoped3A = tpu.sem_alloc : memref<!tpu.dma_semaphore, #tpu.memory_space<semaphore_mem>>
        %dma_start3A = arith.constant 384 : i32
        %dma_start3A_61 = arith.constant 0 : i32
        %dma_start3A_62 = tpu.memref_slice %arg18[%dma_start3A, %dma_start3A_61] : memref<1024x64xf32, #tpu.memory_space<vmem>> -> memref<128x64xf32, #tpu.memory_space<vmem>>
        %dma_start3A_63 = arith.constant 0 : i32
        %dma_start3A_64 = tpu.memref_slice %arg17[%add3A_44, %dma_start3A_63] : memref<64x128xi32, #tpu.memory_space<vmem>> -> memref<1x128xi32, #tpu.memory_space<vmem>>
        %dma_start3A_65 = tpu.memref_squeeze %dma_start3A_64 : memref<1x128xi32, #tpu.memory_space<vmem>> -> memref<128xi32, #tpu.memory_space<vmem>>
        %dma_start3A_66 = arith.constant 0 : i32
        %dma_start3A_67 = arith.constant 0 : i32
        %dma_start3A_68 = tpu.memref_slice %arg14[%dma_start3A_66, %dma_start3A_67] : memref<2176x64xf32, #tpu.memory_space<vmem_shared>> -> memref<2176x64xf32, #tpu.memory_space<vmem_shared>>
        tpu.enqueue_indirect_dma source(%dma_start3A_62 : memref<128x64xf32, #tpu.memory_space<vmem>>) target(%dma_start3A_68 : memref<2176x64xf32, #tpu.memory_space<vmem_shared>>) offsets(%dma_start3A_65 : memref<128xi32, #tpu.memory_space<vmem>>) semaphore(%run_scoped3A : memref<!tpu.dma_semaphore, #tpu.memory_space<semaphore_mem>>) {add = true}
        %dma_wait3A = arith.constant 384 : i32
        %dma_wait3A_69 = arith.constant 0 : i32
        %dma_wait3A_70 = tpu.memref_slice %arg18[%dma_wait3A, %dma_wait3A_69] : memref<1024x64xf32, #tpu.memory_space<vmem>> -> memref<128x64xf32, #tpu.memory_space<vmem>>
        %dma_wait3A_71 = arith.constant 0 : i32
        %dma_wait3A_72 = tpu.memref_slice %arg17[%add3A_44, %dma_wait3A_71] : memref<64x128xi32, #tpu.memory_space<vmem>> -> memref<1x128xi32, #tpu.memory_space<vmem>>
        %dma_wait3A_73 = tpu.memref_squeeze %dma_wait3A_72 : memref<1x128xi32, #tpu.memory_space<vmem>> -> memref<128xi32, #tpu.memory_space<vmem>>
        %dma_wait3A_74 = arith.constant 0 : i32
        %dma_wait3A_75 = arith.constant 0 : i32
        %dma_wait3A_76 = tpu.memref_slice %arg14[%dma_wait3A_74, %dma_wait3A_75] : memref<2176x64xf32, #tpu.memory_space<vmem_shared>> -> memref<2176x64xf32, #tpu.memory_space<vmem_shared>>
        tpu.wait_indirect_dma semaphore(%run_scoped3A : memref<!tpu.dma_semaphore, #tpu.memory_space<semaphore_mem>>) src(%dma_wait3A_70 : memref<128x64xf32, #tpu.memory_space<vmem>>) dst(%dma_wait3A_76 : memref<2176x64xf32, #tpu.memory_space<vmem_shared>>)
        tpu.yield
      }) : () -> ()
      %mul3A_45 = arith.constant 8 : i32
      %mul3A_46 = arith.muli %scan3A_26, %mul3A_45 : i32
      %add3A_47 = arith.constant 4 : i32
      %add3A_48 = arith.addi %mul3A_46, %add3A_47 : i32
      "tpu.region"() ({
        %run_scoped3A = tpu.sem_alloc : memref<!tpu.dma_semaphore, #tpu.memory_space<semaphore_mem>>
        %dma_start3A = arith.constant 512 : i32
        %dma_start3A_61 = arith.constant 0 : i32
        %dma_start3A_62 = tpu.memref_slice %arg18[%dma_start3A, %dma_start3A_61] : memref<1024x64xf32, #tpu.memory_space<vmem>> -> memref<128x64xf32, #tpu.memory_space<vmem>>
        %dma_start3A_63 = arith.constant 0 : i32
        %dma_start3A_64 = tpu.memref_slice %arg17[%add3A_48, %dma_start3A_63] : memref<64x128xi32, #tpu.memory_space<vmem>> -> memref<1x128xi32, #tpu.memory_space<vmem>>
        %dma_start3A_65 = tpu.memref_squeeze %dma_start3A_64 : memref<1x128xi32, #tpu.memory_space<vmem>> -> memref<128xi32, #tpu.memory_space<vmem>>
        %dma_start3A_66 = arith.constant 0 : i32
        %dma_start3A_67 = arith.constant 0 : i32
        %dma_start3A_68 = tpu.memref_slice %arg14[%dma_start3A_66, %dma_start3A_67] : memref<2176x64xf32, #tpu.memory_space<vmem_shared>> -> memref<2176x64xf32, #tpu.memory_space<vmem_shared>>
        tpu.enqueue_indirect_dma source(%dma_start3A_62 : memref<128x64xf32, #tpu.memory_space<vmem>>) target(%dma_start3A_68 : memref<2176x64xf32, #tpu.memory_space<vmem_shared>>) offsets(%dma_start3A_65 : memref<128xi32, #tpu.memory_space<vmem>>) semaphore(%run_scoped3A : memref<!tpu.dma_semaphore, #tpu.memory_space<semaphore_mem>>) {add = true}
        %dma_wait3A = arith.constant 512 : i32
        %dma_wait3A_69 = arith.constant 0 : i32
        %dma_wait3A_70 = tpu.memref_slice %arg18[%dma_wait3A, %dma_wait3A_69] : memref<1024x64xf32, #tpu.memory_space<vmem>> -> memref<128x64xf32, #tpu.memory_space<vmem>>
        %dma_wait3A_71 = arith.constant 0 : i32
        %dma_wait3A_72 = tpu.memref_slice %arg17[%add3A_48, %dma_wait3A_71] : memref<64x128xi32, #tpu.memory_space<vmem>> -> memref<1x128xi32, #tpu.memory_space<vmem>>
        %dma_wait3A_73 = tpu.memref_squeeze %dma_wait3A_72 : memref<1x128xi32, #tpu.memory_space<vmem>> -> memref<128xi32, #tpu.memory_space<vmem>>
        %dma_wait3A_74 = arith.constant 0 : i32
        %dma_wait3A_75 = arith.constant 0 : i32
        %dma_wait3A_76 = tpu.memref_slice %arg14[%dma_wait3A_74, %dma_wait3A_75] : memref<2176x64xf32, #tpu.memory_space<vmem_shared>> -> memref<2176x64xf32, #tpu.memory_space<vmem_shared>>
        tpu.wait_indirect_dma semaphore(%run_scoped3A : memref<!tpu.dma_semaphore, #tpu.memory_space<semaphore_mem>>) src(%dma_wait3A_70 : memref<128x64xf32, #tpu.memory_space<vmem>>) dst(%dma_wait3A_76 : memref<2176x64xf32, #tpu.memory_space<vmem_shared>>)
        tpu.yield
      }) : () -> ()
      %mul3A_49 = arith.constant 8 : i32
      %mul3A_50 = arith.muli %scan3A_26, %mul3A_49 : i32
      %add3A_51 = arith.constant 5 : i32
      %add3A_52 = arith.addi %mul3A_50, %add3A_51 : i32
      "tpu.region"() ({
        %run_scoped3A = tpu.sem_alloc : memref<!tpu.dma_semaphore, #tpu.memory_space<semaphore_mem>>
        %dma_start3A = arith.constant 640 : i32
        %dma_start3A_61 = arith.constant 0 : i32
        %dma_start3A_62 = tpu.memref_slice %arg18[%dma_start3A, %dma_start3A_61] : memref<1024x64xf32, #tpu.memory_space<vmem>> -> memref<128x64xf32, #tpu.memory_space<vmem>>
        %dma_start3A_63 = arith.constant 0 : i32
        %dma_start3A_64 = tpu.memref_slice %arg17[%add3A_52, %dma_start3A_63] : memref<64x128xi32, #tpu.memory_space<vmem>> -> memref<1x128xi32, #tpu.memory_space<vmem>>
        %dma_start3A_65 = tpu.memref_squeeze %dma_start3A_64 : memref<1x128xi32, #tpu.memory_space<vmem>> -> memref<128xi32, #tpu.memory_space<vmem>>
        %dma_start3A_66 = arith.constant 0 : i32
        %dma_start3A_67 = arith.constant 0 : i32
        %dma_start3A_68 = tpu.memref_slice %arg14[%dma_start3A_66, %dma_start3A_67] : memref<2176x64xf32, #tpu.memory_space<vmem_shared>> -> memref<2176x64xf32, #tpu.memory_space<vmem_shared>>
        tpu.enqueue_indirect_dma source(%dma_start3A_62 : memref<128x64xf32, #tpu.memory_space<vmem>>) target(%dma_start3A_68 : memref<2176x64xf32, #tpu.memory_space<vmem_shared>>) offsets(%dma_start3A_65 : memref<128xi32, #tpu.memory_space<vmem>>) semaphore(%run_scoped3A : memref<!tpu.dma_semaphore, #tpu.memory_space<semaphore_mem>>) {add = true}
        %dma_wait3A = arith.constant 640 : i32
        %dma_wait3A_69 = arith.constant 0 : i32
        %dma_wait3A_70 = tpu.memref_slice %arg18[%dma_wait3A, %dma_wait3A_69] : memref<1024x64xf32, #tpu.memory_space<vmem>> -> memref<128x64xf32, #tpu.memory_space<vmem>>
        %dma_wait3A_71 = arith.constant 0 : i32
        %dma_wait3A_72 = tpu.memref_slice %arg17[%add3A_52, %dma_wait3A_71] : memref<64x128xi32, #tpu.memory_space<vmem>> -> memref<1x128xi32, #tpu.memory_space<vmem>>
        %dma_wait3A_73 = tpu.memref_squeeze %dma_wait3A_72 : memref<1x128xi32, #tpu.memory_space<vmem>> -> memref<128xi32, #tpu.memory_space<vmem>>
        %dma_wait3A_74 = arith.constant 0 : i32
        %dma_wait3A_75 = arith.constant 0 : i32
        %dma_wait3A_76 = tpu.memref_slice %arg14[%dma_wait3A_74, %dma_wait3A_75] : memref<2176x64xf32, #tpu.memory_space<vmem_shared>> -> memref<2176x64xf32, #tpu.memory_space<vmem_shared>>
        tpu.wait_indirect_dma semaphore(%run_scoped3A : memref<!tpu.dma_semaphore, #tpu.memory_space<semaphore_mem>>) src(%dma_wait3A_70 : memref<128x64xf32, #tpu.memory_space<vmem>>) dst(%dma_wait3A_76 : memref<2176x64xf32, #tpu.memory_space<vmem_shared>>)
        tpu.yield
      }) : () -> ()
      %mul3A_53 = arith.constant 8 : i32
      %mul3A_54 = arith.muli %scan3A_26, %mul3A_53 : i32
      %add3A_55 = arith.constant 6 : i32
      %add3A_56 = arith.addi %mul3A_54, %add3A_55 : i32
      "tpu.region"() ({
        %run_scoped3A = tpu.sem_alloc : memref<!tpu.dma_semaphore, #tpu.memory_space<semaphore_mem>>
        %dma_start3A = arith.constant 768 : i32
        %dma_start3A_61 = arith.constant 0 : i32
        %dma_start3A_62 = tpu.memref_slice %arg18[%dma_start3A, %dma_start3A_61] : memref<1024x64xf32, #tpu.memory_space<vmem>> -> memref<128x64xf32, #tpu.memory_space<vmem>>
        %dma_start3A_63 = arith.constant 0 : i32
        %dma_start3A_64 = tpu.memref_slice %arg17[%add3A_56, %dma_start3A_63] : memref<64x128xi32, #tpu.memory_space<vmem>> -> memref<1x128xi32, #tpu.memory_space<vmem>>
        %dma_start3A_65 = tpu.memref_squeeze %dma_start3A_64 : memref<1x128xi32, #tpu.memory_space<vmem>> -> memref<128xi32, #tpu.memory_space<vmem>>
        %dma_start3A_66 = arith.constant 0 : i32
        %dma_start3A_67 = arith.constant 0 : i32
        %dma_start3A_68 = tpu.memref_slice %arg14[%dma_start3A_66, %dma_start3A_67] : memref<2176x64xf32, #tpu.memory_space<vmem_shared>> -> memref<2176x64xf32, #tpu.memory_space<vmem_shared>>
        tpu.enqueue_indirect_dma source(%dma_start3A_62 : memref<128x64xf32, #tpu.memory_space<vmem>>) target(%dma_start3A_68 : memref<2176x64xf32, #tpu.memory_space<vmem_shared>>) offsets(%dma_start3A_65 : memref<128xi32, #tpu.memory_space<vmem>>) semaphore(%run_scoped3A : memref<!tpu.dma_semaphore, #tpu.memory_space<semaphore_mem>>) {add = true}
        %dma_wait3A = arith.constant 768 : i32
        %dma_wait3A_69 = arith.constant 0 : i32
        %dma_wait3A_70 = tpu.memref_slice %arg18[%dma_wait3A, %dma_wait3A_69] : memref<1024x64xf32, #tpu.memory_space<vmem>> -> memref<128x64xf32, #tpu.memory_space<vmem>>
        %dma_wait3A_71 = arith.constant 0 : i32
        %dma_wait3A_72 = tpu.memref_slice %arg17[%add3A_56, %dma_wait3A_71] : memref<64x128xi32, #tpu.memory_space<vmem>> -> memref<1x128xi32, #tpu.memory_space<vmem>>
        %dma_wait3A_73 = tpu.memref_squeeze %dma_wait3A_72 : memref<1x128xi32, #tpu.memory_space<vmem>> -> memref<128xi32, #tpu.memory_space<vmem>>
        %dma_wait3A_74 = arith.constant 0 : i32
        %dma_wait3A_75 = arith.constant 0 : i32
        %dma_wait3A_76 = tpu.memref_slice %arg14[%dma_wait3A_74, %dma_wait3A_75] : memref<2176x64xf32, #tpu.memory_space<vmem_shared>> -> memref<2176x64xf32, #tpu.memory_space<vmem_shared>>
        tpu.wait_indirect_dma semaphore(%run_scoped3A : memref<!tpu.dma_semaphore, #tpu.memory_space<semaphore_mem>>) src(%dma_wait3A_70 : memref<128x64xf32, #tpu.memory_space<vmem>>) dst(%dma_wait3A_76 : memref<2176x64xf32, #tpu.memory_space<vmem_shared>>)
        tpu.yield
      }) : () -> ()
      %mul3A_57 = arith.constant 8 : i32
      %mul3A_58 = arith.muli %scan3A_26, %mul3A_57 : i32
      %add3A_59 = arith.constant 7 : i32
      %add3A_60 = arith.addi %mul3A_58, %add3A_59 : i32
      "tpu.region"() ({
        %run_scoped3A = tpu.sem_alloc : memref<!tpu.dma_semaphore, #tpu.memory_space<semaphore_mem>>
        %dma_start3A = arith.constant 896 : i32
        %dma_start3A_61 = arith.constant 0 : i32
        %dma_start3A_62 = tpu.memref_slice %arg18[%dma_start3A, %dma_start3A_61] : memref<1024x64xf32, #tpu.memory_space<vmem>> -> memref<128x64xf32, #tpu.memory_space<vmem>>
        %dma_start3A_63 = arith.constant 0 : i32
        %dma_start3A_64 = tpu.memref_slice %arg17[%add3A_60, %dma_start3A_63] : memref<64x128xi32, #tpu.memory_space<vmem>> -> memref<1x128xi32, #tpu.memory_space<vmem>>
        %dma_start3A_65 = tpu.memref_squeeze %dma_start3A_64 : memref<1x128xi32, #tpu.memory_space<vmem>> -> memref<128xi32, #tpu.memory_space<vmem>>
        %dma_start3A_66 = arith.constant 0 : i32
        %dma_start3A_67 = arith.constant 0 : i32
        %dma_start3A_68 = tpu.memref_slice %arg14[%dma_start3A_66, %dma_start3A_67] : memref<2176x64xf32, #tpu.memory_space<vmem_shared>> -> memref<2176x64xf32, #tpu.memory_space<vmem_shared>>
        tpu.enqueue_indirect_dma source(%dma_start3A_62 : memref<128x64xf32, #tpu.memory_space<vmem>>) target(%dma_start3A_68 : memref<2176x64xf32, #tpu.memory_space<vmem_shared>>) offsets(%dma_start3A_65 : memref<128xi32, #tpu.memory_space<vmem>>) semaphore(%run_scoped3A : memref<!tpu.dma_semaphore, #tpu.memory_space<semaphore_mem>>) {add = true}
        %dma_wait3A = arith.constant 896 : i32
        %dma_wait3A_69 = arith.constant 0 : i32
        %dma_wait3A_70 = tpu.memref_slice %arg18[%dma_wait3A, %dma_wait3A_69] : memref<1024x64xf32, #tpu.memory_space<vmem>> -> memref<128x64xf32, #tpu.memory_space<vmem>>
        %dma_wait3A_71 = arith.constant 0 : i32
        %dma_wait3A_72 = tpu.memref_slice %arg17[%add3A_60, %dma_wait3A_71] : memref<64x128xi32, #tpu.memory_space<vmem>> -> memref<1x128xi32, #tpu.memory_space<vmem>>
        %dma_wait3A_73 = tpu.memref_squeeze %dma_wait3A_72 : memref<1x128xi32, #tpu.memory_space<vmem>> -> memref<128xi32, #tpu.memory_space<vmem>>
        %dma_wait3A_74 = arith.constant 0 : i32
        %dma_wait3A_75 = arith.constant 0 : i32
        %dma_wait3A_76 = tpu.memref_slice %arg14[%dma_wait3A_74, %dma_wait3A_75] : memref<2176x64xf32, #tpu.memory_space<vmem_shared>> -> memref<2176x64xf32, #tpu.memory_space<vmem_shared>>
        tpu.wait_indirect_dma semaphore(%run_scoped3A : memref<!tpu.dma_semaphore, #tpu.memory_space<semaphore_mem>>) src(%dma_wait3A_70 : memref<128x64xf32, #tpu.memory_space<vmem>>) dst(%dma_wait3A_76 : memref<2176x64xf32, #tpu.memory_space<vmem_shared>>)
        tpu.yield
      }) : () -> ()
    }
    %scan3A_13 = arith.constant 8 : i32
    %scan3A_14 = arith.constant 0 : i32
    %scan3A_15 = arith.constant 0 : i32
    %scan3A_16 = arith.constant 8 : i32
    %scan3A_17 = arith.addi %scan3A_15, %scan3A_16 : i32
    %scan3A_18 = arith.constant 1 : i32
    scf.for %scan3A_26 = %scan3A_15 to %scan3A_17 step %scan3A_18  : i32 {
      %mul3A_27 = arith.constant 1024 : i32
      %mul3A_28 = arith.muli %scan3A_26, %mul3A_27 : i32
      "tpu.region"() ({
        %run_scoped3A = tpu.sem_alloc : memref<!tpu.dma_semaphore, #tpu.memory_space<semaphore_mem>>
        %dma_start3A = arith.constant 0 : i32
        %dma_start3A_61 = tpu.memref_slice %arg4[%add3A, %mul3A_28, %dma_start3A] : memref<32x8192x64xf32, #tpu.memory_space<hbm>> -> memref<1x1024x64xf32, #tpu.memory_space<hbm>>
        %dma_start3A_62 = tpu.memref_squeeze %dma_start3A_61 : memref<1x1024x64xf32, #tpu.memory_space<hbm>> -> memref<1024x64xf32, #tpu.memory_space<hbm>>
        %dma_start3A_63 = arith.constant 0 : i32
        %dma_start3A_64 = tpu.memref_slice %arg4[%add3A, %mul3A_28, %dma_start3A_63] : memref<32x8192x64xf32, #tpu.memory_space<hbm>> -> memref<1x1024x64xf32, #tpu.memory_space<hbm>>
        %dma_start3A_65 = tpu.memref_squeeze %dma_start3A_64 : memref<1x1024x64xf32, #tpu.memory_space<hbm>> -> memref<1024x64xf32, #tpu.memory_space<hbm>>
        tpu.enqueue_dma source(%dma_start3A_65 : memref<1024x64xf32, #tpu.memory_space<hbm>>) target(%arg18 : memref<1024x64xf32, #tpu.memory_space<vmem>>) target_semaphore(%run_scoped3A : memref<!tpu.dma_semaphore, #tpu.memory_space<semaphore_mem>>)
        %dma_wait3A = arith.constant 0 : i32
        %dma_wait3A_66 = tpu.memref_slice %arg4[%add3A, %mul3A_28, %dma_wait3A] : memref<32x8192x64xf32, #tpu.memory_space<hbm>> -> memref<1x1024x64xf32, #tpu.memory_space<hbm>>
        %dma_wait3A_67 = tpu.memref_squeeze %dma_wait3A_66 : memref<1x1024x64xf32, #tpu.memory_space<hbm>> -> memref<1024x64xf32, #tpu.memory_space<hbm>>
        %dma_wait3A_68 = arith.constant 0 : i32
        %dma_wait3A_69 = tpu.memref_slice %arg4[%add3A, %mul3A_28, %dma_wait3A_68] : memref<32x8192x64xf32, #tpu.memory_space<hbm>> -> memref<1x1024x64xf32, #tpu.memory_space<hbm>>
        %dma_wait3A_70 = tpu.memref_squeeze %dma_wait3A_69 : memref<1x1024x64xf32, #tpu.memory_space<hbm>> -> memref<1024x64xf32, #tpu.memory_space<hbm>>
        tpu.wait_dma2 semaphore(%run_scoped3A : memref<!tpu.dma_semaphore, #tpu.memory_space<semaphore_mem>>) src(%dma_wait3A_70 : memref<1024x64xf32, #tpu.memory_space<hbm>>) dst(%arg18 : memref<1024x64xf32, #tpu.memory_space<vmem>>)
        tpu.yield
      }) : () -> ()
      %mul3A_29 = arith.constant 8 : i32
      %mul3A_30 = arith.muli %scan3A_26, %mul3A_29 : i32
      %add3A_31 = arith.constant 0 : i32
      %add3A_32 = arith.addi %mul3A_30, %add3A_31 : i32
      "tpu.region"() ({
        %run_scoped3A = tpu.sem_alloc : memref<!tpu.dma_semaphore, #tpu.memory_space<semaphore_mem>>
        %dma_start3A = arith.constant 0 : i32
        %dma_start3A_61 = arith.constant 0 : i32
        %dma_start3A_62 = tpu.memref_slice %arg18[%dma_start3A, %dma_start3A_61] : memref<1024x64xf32, #tpu.memory_space<vmem>> -> memref<128x64xf32, #tpu.memory_space<vmem>>
        %dma_start3A_63 = arith.constant 0 : i32
        %dma_start3A_64 = tpu.memref_slice %arg17[%add3A_32, %dma_start3A_63] : memref<64x128xi32, #tpu.memory_space<vmem>> -> memref<1x128xi32, #tpu.memory_space<vmem>>
        %dma_start3A_65 = tpu.memref_squeeze %dma_start3A_64 : memref<1x128xi32, #tpu.memory_space<vmem>> -> memref<128xi32, #tpu.memory_space<vmem>>
        %dma_start3A_66 = arith.constant 0 : i32
        %dma_start3A_67 = arith.constant 0 : i32
        %dma_start3A_68 = tpu.memref_slice %arg15[%dma_start3A_66, %dma_start3A_67] : memref<2176x64xf32, #tpu.memory_space<vmem_shared>> -> memref<2176x64xf32, #tpu.memory_space<vmem_shared>>
        tpu.enqueue_indirect_dma source(%dma_start3A_62 : memref<128x64xf32, #tpu.memory_space<vmem>>) target(%dma_start3A_68 : memref<2176x64xf32, #tpu.memory_space<vmem_shared>>) offsets(%dma_start3A_65 : memref<128xi32, #tpu.memory_space<vmem>>) semaphore(%run_scoped3A : memref<!tpu.dma_semaphore, #tpu.memory_space<semaphore_mem>>) {add = true}
        %dma_wait3A = arith.constant 0 : i32
        %dma_wait3A_69 = arith.constant 0 : i32
        %dma_wait3A_70 = tpu.memref_slice %arg18[%dma_wait3A, %dma_wait3A_69] : memref<1024x64xf32, #tpu.memory_space<vmem>> -> memref<128x64xf32, #tpu.memory_space<vmem>>
        %dma_wait3A_71 = arith.constant 0 : i32
        %dma_wait3A_72 = tpu.memref_slice %arg17[%add3A_32, %dma_wait3A_71] : memref<64x128xi32, #tpu.memory_space<vmem>> -> memref<1x128xi32, #tpu.memory_space<vmem>>
        %dma_wait3A_73 = tpu.memref_squeeze %dma_wait3A_72 : memref<1x128xi32, #tpu.memory_space<vmem>> -> memref<128xi32, #tpu.memory_space<vmem>>
        %dma_wait3A_74 = arith.constant 0 : i32
        %dma_wait3A_75 = arith.constant 0 : i32
        %dma_wait3A_76 = tpu.memref_slice %arg15[%dma_wait3A_74, %dma_wait3A_75] : memref<2176x64xf32, #tpu.memory_space<vmem_shared>> -> memref<2176x64xf32, #tpu.memory_space<vmem_shared>>
        tpu.wait_indirect_dma semaphore(%run_scoped3A : memref<!tpu.dma_semaphore, #tpu.memory_space<semaphore_mem>>) src(%dma_wait3A_70 : memref<128x64xf32, #tpu.memory_space<vmem>>) dst(%dma_wait3A_76 : memref<2176x64xf32, #tpu.memory_space<vmem_shared>>)
        tpu.yield
      }) : () -> ()
      %mul3A_33 = arith.constant 8 : i32
      %mul3A_34 = arith.muli %scan3A_26, %mul3A_33 : i32
      %add3A_35 = arith.constant 1 : i32
      %add3A_36 = arith.addi %mul3A_34, %add3A_35 : i32
      "tpu.region"() ({
        %run_scoped3A = tpu.sem_alloc : memref<!tpu.dma_semaphore, #tpu.memory_space<semaphore_mem>>
        %dma_start3A = arith.constant 128 : i32
        %dma_start3A_61 = arith.constant 0 : i32
        %dma_start3A_62 = tpu.memref_slice %arg18[%dma_start3A, %dma_start3A_61] : memref<1024x64xf32, #tpu.memory_space<vmem>> -> memref<128x64xf32, #tpu.memory_space<vmem>>
        %dma_start3A_63 = arith.constant 0 : i32
        %dma_start3A_64 = tpu.memref_slice %arg17[%add3A_36, %dma_start3A_63] : memref<64x128xi32, #tpu.memory_space<vmem>> -> memref<1x128xi32, #tpu.memory_space<vmem>>
        %dma_start3A_65 = tpu.memref_squeeze %dma_start3A_64 : memref<1x128xi32, #tpu.memory_space<vmem>> -> memref<128xi32, #tpu.memory_space<vmem>>
        %dma_start3A_66 = arith.constant 0 : i32
        %dma_start3A_67 = arith.constant 0 : i32
        %dma_start3A_68 = tpu.memref_slice %arg15[%dma_start3A_66, %dma_start3A_67] : memref<2176x64xf32, #tpu.memory_space<vmem_shared>> -> memref<2176x64xf32, #tpu.memory_space<vmem_shared>>
        tpu.enqueue_indirect_dma source(%dma_start3A_62 : memref<128x64xf32, #tpu.memory_space<vmem>>) target(%dma_start3A_68 : memref<2176x64xf32, #tpu.memory_space<vmem_shared>>) offsets(%dma_start3A_65 : memref<128xi32, #tpu.memory_space<vmem>>) semaphore(%run_scoped3A : memref<!tpu.dma_semaphore, #tpu.memory_space<semaphore_mem>>) {add = true}
        %dma_wait3A = arith.constant 128 : i32
        %dma_wait3A_69 = arith.constant 0 : i32
        %dma_wait3A_70 = tpu.memref_slice %arg18[%dma_wait3A, %dma_wait3A_69] : memref<1024x64xf32, #tpu.memory_space<vmem>> -> memref<128x64xf32, #tpu.memory_space<vmem>>
        %dma_wait3A_71 = arith.constant 0 : i32
        %dma_wait3A_72 = tpu.memref_slice %arg17[%add3A_36, %dma_wait3A_71] : memref<64x128xi32, #tpu.memory_space<vmem>> -> memref<1x128xi32, #tpu.memory_space<vmem>>
        %dma_wait3A_73 = tpu.memref_squeeze %dma_wait3A_72 : memref<1x128xi32, #tpu.memory_space<vmem>> -> memref<128xi32, #tpu.memory_space<vmem>>
        %dma_wait3A_74 = arith.constant 0 : i32
        %dma_wait3A_75 = arith.constant 0 : i32
        %dma_wait3A_76 = tpu.memref_slice %arg15[%dma_wait3A_74, %dma_wait3A_75] : memref<2176x64xf32, #tpu.memory_space<vmem_shared>> -> memref<2176x64xf32, #tpu.memory_space<vmem_shared>>
        tpu.wait_indirect_dma semaphore(%run_scoped3A : memref<!tpu.dma_semaphore, #tpu.memory_space<semaphore_mem>>) src(%dma_wait3A_70 : memref<128x64xf32, #tpu.memory_space<vmem>>) dst(%dma_wait3A_76 : memref<2176x64xf32, #tpu.memory_space<vmem_shared>>)
        tpu.yield
      }) : () -> ()
      %mul3A_37 = arith.constant 8 : i32
      %mul3A_38 = arith.muli %scan3A_26, %mul3A_37 : i32
      %add3A_39 = arith.constant 2 : i32
      %add3A_40 = arith.addi %mul3A_38, %add3A_39 : i32
      "tpu.region"() ({
        %run_scoped3A = tpu.sem_alloc : memref<!tpu.dma_semaphore, #tpu.memory_space<semaphore_mem>>
        %dma_start3A = arith.constant 256 : i32
        %dma_start3A_61 = arith.constant 0 : i32
        %dma_start3A_62 = tpu.memref_slice %arg18[%dma_start3A, %dma_start3A_61] : memref<1024x64xf32, #tpu.memory_space<vmem>> -> memref<128x64xf32, #tpu.memory_space<vmem>>
        %dma_start3A_63 = arith.constant 0 : i32
        %dma_start3A_64 = tpu.memref_slice %arg17[%add3A_40, %dma_start3A_63] : memref<64x128xi32, #tpu.memory_space<vmem>> -> memref<1x128xi32, #tpu.memory_space<vmem>>
        %dma_start3A_65 = tpu.memref_squeeze %dma_start3A_64 : memref<1x128xi32, #tpu.memory_space<vmem>> -> memref<128xi32, #tpu.memory_space<vmem>>
        %dma_start3A_66 = arith.constant 0 : i32
        %dma_start3A_67 = arith.constant 0 : i32
        %dma_start3A_68 = tpu.memref_slice %arg15[%dma_start3A_66, %dma_start3A_67] : memref<2176x64xf32, #tpu.memory_space<vmem_shared>> -> memref<2176x64xf32, #tpu.memory_space<vmem_shared>>
        tpu.enqueue_indirect_dma source(%dma_start3A_62 : memref<128x64xf32, #tpu.memory_space<vmem>>) target(%dma_start3A_68 : memref<2176x64xf32, #tpu.memory_space<vmem_shared>>) offsets(%dma_start3A_65 : memref<128xi32, #tpu.memory_space<vmem>>) semaphore(%run_scoped3A : memref<!tpu.dma_semaphore, #tpu.memory_space<semaphore_mem>>) {add = true}
        %dma_wait3A = arith.constant 256 : i32
        %dma_wait3A_69 = arith.constant 0 : i32
        %dma_wait3A_70 = tpu.memref_slice %arg18[%dma_wait3A, %dma_wait3A_69] : memref<1024x64xf32, #tpu.memory_space<vmem>> -> memref<128x64xf32, #tpu.memory_space<vmem>>
        %dma_wait3A_71 = arith.constant 0 : i32
        %dma_wait3A_72 = tpu.memref_slice %arg17[%add3A_40, %dma_wait3A_71] : memref<64x128xi32, #tpu.memory_space<vmem>> -> memref<1x128xi32, #tpu.memory_space<vmem>>
        %dma_wait3A_73 = tpu.memref_squeeze %dma_wait3A_72 : memref<1x128xi32, #tpu.memory_space<vmem>> -> memref<128xi32, #tpu.memory_space<vmem>>
        %dma_wait3A_74 = arith.constant 0 : i32
        %dma_wait3A_75 = arith.constant 0 : i32
        %dma_wait3A_76 = tpu.memref_slice %arg15[%dma_wait3A_74, %dma_wait3A_75] : memref<2176x64xf32, #tpu.memory_space<vmem_shared>> -> memref<2176x64xf32, #tpu.memory_space<vmem_shared>>
        tpu.wait_indirect_dma semaphore(%run_scoped3A : memref<!tpu.dma_semaphore, #tpu.memory_space<semaphore_mem>>) src(%dma_wait3A_70 : memref<128x64xf32, #tpu.memory_space<vmem>>) dst(%dma_wait3A_76 : memref<2176x64xf32, #tpu.memory_space<vmem_shared>>)
        tpu.yield
      }) : () -> ()
      %mul3A_41 = arith.constant 8 : i32
      %mul3A_42 = arith.muli %scan3A_26, %mul3A_41 : i32
      %add3A_43 = arith.constant 3 : i32
      %add3A_44 = arith.addi %mul3A_42, %add3A_43 : i32
      "tpu.region"() ({
        %run_scoped3A = tpu.sem_alloc : memref<!tpu.dma_semaphore, #tpu.memory_space<semaphore_mem>>
        %dma_start3A = arith.constant 384 : i32
        %dma_start3A_61 = arith.constant 0 : i32
        %dma_start3A_62 = tpu.memref_slice %arg18[%dma_start3A, %dma_start3A_61] : memref<1024x64xf32, #tpu.memory_space<vmem>> -> memref<128x64xf32, #tpu.memory_space<vmem>>
        %dma_start3A_63 = arith.constant 0 : i32
        %dma_start3A_64 = tpu.memref_slice %arg17[%add3A_44, %dma_start3A_63] : memref<64x128xi32, #tpu.memory_space<vmem>> -> memref<1x128xi32, #tpu.memory_space<vmem>>
        %dma_start3A_65 = tpu.memref_squeeze %dma_start3A_64 : memref<1x128xi32, #tpu.memory_space<vmem>> -> memref<128xi32, #tpu.memory_space<vmem>>
        %dma_start3A_66 = arith.constant 0 : i32
        %dma_start3A_67 = arith.constant 0 : i32
        %dma_start3A_68 = tpu.memref_slice %arg15[%dma_start3A_66, %dma_start3A_67] : memref<2176x64xf32, #tpu.memory_space<vmem_shared>> -> memref<2176x64xf32, #tpu.memory_space<vmem_shared>>
        tpu.enqueue_indirect_dma source(%dma_start3A_62 : memref<128x64xf32, #tpu.memory_space<vmem>>) target(%dma_start3A_68 : memref<2176x64xf32, #tpu.memory_space<vmem_shared>>) offsets(%dma_start3A_65 : memref<128xi32, #tpu.memory_space<vmem>>) semaphore(%run_scoped3A : memref<!tpu.dma_semaphore, #tpu.memory_space<semaphore_mem>>) {add = true}
        %dma_wait3A = arith.constant 384 : i32
        %dma_wait3A_69 = arith.constant 0 : i32
        %dma_wait3A_70 = tpu.memref_slice %arg18[%dma_wait3A, %dma_wait3A_69] : memref<1024x64xf32, #tpu.memory_space<vmem>> -> memref<128x64xf32, #tpu.memory_space<vmem>>
        %dma_wait3A_71 = arith.constant 0 : i32
        %dma_wait3A_72 = tpu.memref_slice %arg17[%add3A_44, %dma_wait3A_71] : memref<64x128xi32, #tpu.memory_space<vmem>> -> memref<1x128xi32, #tpu.memory_space<vmem>>
        %dma_wait3A_73 = tpu.memref_squeeze %dma_wait3A_72 : memref<1x128xi32, #tpu.memory_space<vmem>> -> memref<128xi32, #tpu.memory_space<vmem>>
        %dma_wait3A_74 = arith.constant 0 : i32
        %dma_wait3A_75 = arith.constant 0 : i32
        %dma_wait3A_76 = tpu.memref_slice %arg15[%dma_wait3A_74, %dma_wait3A_75] : memref<2176x64xf32, #tpu.memory_space<vmem_shared>> -> memref<2176x64xf32, #tpu.memory_space<vmem_shared>>
        tpu.wait_indirect_dma semaphore(%run_scoped3A : memref<!tpu.dma_semaphore, #tpu.memory_space<semaphore_mem>>) src(%dma_wait3A_70 : memref<128x64xf32, #tpu.memory_space<vmem>>) dst(%dma_wait3A_76 : memref<2176x64xf32, #tpu.memory_space<vmem_shared>>)
        tpu.yield
      }) : () -> ()
      %mul3A_45 = arith.constant 8 : i32
      %mul3A_46 = arith.muli %scan3A_26, %mul3A_45 : i32
      %add3A_47 = arith.constant 4 : i32
      %add3A_48 = arith.addi %mul3A_46, %add3A_47 : i32
      "tpu.region"() ({
        %run_scoped3A = tpu.sem_alloc : memref<!tpu.dma_semaphore, #tpu.memory_space<semaphore_mem>>
        %dma_start3A = arith.constant 512 : i32
        %dma_start3A_61 = arith.constant 0 : i32
        %dma_start3A_62 = tpu.memref_slice %arg18[%dma_start3A, %dma_start3A_61] : memref<1024x64xf32, #tpu.memory_space<vmem>> -> memref<128x64xf32, #tpu.memory_space<vmem>>
        %dma_start3A_63 = arith.constant 0 : i32
        %dma_start3A_64 = tpu.memref_slice %arg17[%add3A_48, %dma_start3A_63] : memref<64x128xi32, #tpu.memory_space<vmem>> -> memref<1x128xi32, #tpu.memory_space<vmem>>
        %dma_start3A_65 = tpu.memref_squeeze %dma_start3A_64 : memref<1x128xi32, #tpu.memory_space<vmem>> -> memref<128xi32, #tpu.memory_space<vmem>>
        %dma_start3A_66 = arith.constant 0 : i32
        %dma_start3A_67 = arith.constant 0 : i32
        %dma_start3A_68 = tpu.memref_slice %arg15[%dma_start3A_66, %dma_start3A_67] : memref<2176x64xf32, #tpu.memory_space<vmem_shared>> -> memref<2176x64xf32, #tpu.memory_space<vmem_shared>>
        tpu.enqueue_indirect_dma source(%dma_start3A_62 : memref<128x64xf32, #tpu.memory_space<vmem>>) target(%dma_start3A_68 : memref<2176x64xf32, #tpu.memory_space<vmem_shared>>) offsets(%dma_start3A_65 : memref<128xi32, #tpu.memory_space<vmem>>) semaphore(%run_scoped3A : memref<!tpu.dma_semaphore, #tpu.memory_space<semaphore_mem>>) {add = true}
        %dma_wait3A = arith.constant 512 : i32
        %dma_wait3A_69 = arith.constant 0 : i32
        %dma_wait3A_70 = tpu.memref_slice %arg18[%dma_wait3A, %dma_wait3A_69] : memref<1024x64xf32, #tpu.memory_space<vmem>> -> memref<128x64xf32, #tpu.memory_space<vmem>>
        %dma_wait3A_71 = arith.constant 0 : i32
        %dma_wait3A_72 = tpu.memref_slice %arg17[%add3A_48, %dma_wait3A_71] : memref<64x128xi32, #tpu.memory_space<vmem>> -> memref<1x128xi32, #tpu.memory_space<vmem>>
        %dma_wait3A_73 = tpu.memref_squeeze %dma_wait3A_72 : memref<1x128xi32, #tpu.memory_space<vmem>> -> memref<128xi32, #tpu.memory_space<vmem>>
        %dma_wait3A_74 = arith.constant 0 : i32
        %dma_wait3A_75 = arith.constant 0 : i32
        %dma_wait3A_76 = tpu.memref_slice %arg15[%dma_wait3A_74, %dma_wait3A_75] : memref<2176x64xf32, #tpu.memory_space<vmem_shared>> -> memref<2176x64xf32, #tpu.memory_space<vmem_shared>>
        tpu.wait_indirect_dma semaphore(%run_scoped3A : memref<!tpu.dma_semaphore, #tpu.memory_space<semaphore_mem>>) src(%dma_wait3A_70 : memref<128x64xf32, #tpu.memory_space<vmem>>) dst(%dma_wait3A_76 : memref<2176x64xf32, #tpu.memory_space<vmem_shared>>)
        tpu.yield
      }) : () -> ()
      %mul3A_49 = arith.constant 8 : i32
      %mul3A_50 = arith.muli %scan3A_26, %mul3A_49 : i32
      %add3A_51 = arith.constant 5 : i32
      %add3A_52 = arith.addi %mul3A_50, %add3A_51 : i32
      "tpu.region"() ({
        %run_scoped3A = tpu.sem_alloc : memref<!tpu.dma_semaphore, #tpu.memory_space<semaphore_mem>>
        %dma_start3A = arith.constant 640 : i32
        %dma_start3A_61 = arith.constant 0 : i32
        %dma_start3A_62 = tpu.memref_slice %arg18[%dma_start3A, %dma_start3A_61] : memref<1024x64xf32, #tpu.memory_space<vmem>> -> memref<128x64xf32, #tpu.memory_space<vmem>>
        %dma_start3A_63 = arith.constant 0 : i32
        %dma_start3A_64 = tpu.memref_slice %arg17[%add3A_52, %dma_start3A_63] : memref<64x128xi32, #tpu.memory_space<vmem>> -> memref<1x128xi32, #tpu.memory_space<vmem>>
        %dma_start3A_65 = tpu.memref_squeeze %dma_start3A_64 : memref<1x128xi32, #tpu.memory_space<vmem>> -> memref<128xi32, #tpu.memory_space<vmem>>
        %dma_start3A_66 = arith.constant 0 : i32
        %dma_start3A_67 = arith.constant 0 : i32
        %dma_start3A_68 = tpu.memref_slice %arg15[%dma_start3A_66, %dma_start3A_67] : memref<2176x64xf32, #tpu.memory_space<vmem_shared>> -> memref<2176x64xf32, #tpu.memory_space<vmem_shared>>
        tpu.enqueue_indirect_dma source(%dma_start3A_62 : memref<128x64xf32, #tpu.memory_space<vmem>>) target(%dma_start3A_68 : memref<2176x64xf32, #tpu.memory_space<vmem_shared>>) offsets(%dma_start3A_65 : memref<128xi32, #tpu.memory_space<vmem>>) semaphore(%run_scoped3A : memref<!tpu.dma_semaphore, #tpu.memory_space<semaphore_mem>>) {add = true}
        %dma_wait3A = arith.constant 640 : i32
        %dma_wait3A_69 = arith.constant 0 : i32
        %dma_wait3A_70 = tpu.memref_slice %arg18[%dma_wait3A, %dma_wait3A_69] : memref<1024x64xf32, #tpu.memory_space<vmem>> -> memref<128x64xf32, #tpu.memory_space<vmem>>
        %dma_wait3A_71 = arith.constant 0 : i32
        %dma_wait3A_72 = tpu.memref_slice %arg17[%add3A_52, %dma_wait3A_71] : memref<64x128xi32, #tpu.memory_space<vmem>> -> memref<1x128xi32, #tpu.memory_space<vmem>>
        %dma_wait3A_73 = tpu.memref_squeeze %dma_wait3A_72 : memref<1x128xi32, #tpu.memory_space<vmem>> -> memref<128xi32, #tpu.memory_space<vmem>>
        %dma_wait3A_74 = arith.constant 0 : i32
        %dma_wait3A_75 = arith.constant 0 : i32
        %dma_wait3A_76 = tpu.memref_slice %arg15[%dma_wait3A_74, %dma_wait3A_75] : memref<2176x64xf32, #tpu.memory_space<vmem_shared>> -> memref<2176x64xf32, #tpu.memory_space<vmem_shared>>
        tpu.wait_indirect_dma semaphore(%run_scoped3A : memref<!tpu.dma_semaphore, #tpu.memory_space<semaphore_mem>>) src(%dma_wait3A_70 : memref<128x64xf32, #tpu.memory_space<vmem>>) dst(%dma_wait3A_76 : memref<2176x64xf32, #tpu.memory_space<vmem_shared>>)
        tpu.yield
      }) : () -> ()
      %mul3A_53 = arith.constant 8 : i32
      %mul3A_54 = arith.muli %scan3A_26, %mul3A_53 : i32
      %add3A_55 = arith.constant 6 : i32
      %add3A_56 = arith.addi %mul3A_54, %add3A_55 : i32
      "tpu.region"() ({
        %run_scoped3A = tpu.sem_alloc : memref<!tpu.dma_semaphore, #tpu.memory_space<semaphore_mem>>
        %dma_start3A = arith.constant 768 : i32
        %dma_start3A_61 = arith.constant 0 : i32
        %dma_start3A_62 = tpu.memref_slice %arg18[%dma_start3A, %dma_start3A_61] : memref<1024x64xf32, #tpu.memory_space<vmem>> -> memref<128x64xf32, #tpu.memory_space<vmem>>
        %dma_start3A_63 = arith.constant 0 : i32
        %dma_start3A_64 = tpu.memref_slice %arg17[%add3A_56, %dma_start3A_63] : memref<64x128xi32, #tpu.memory_space<vmem>> -> memref<1x128xi32, #tpu.memory_space<vmem>>
        %dma_start3A_65 = tpu.memref_squeeze %dma_start3A_64 : memref<1x128xi32, #tpu.memory_space<vmem>> -> memref<128xi32, #tpu.memory_space<vmem>>
        %dma_start3A_66 = arith.constant 0 : i32
        %dma_start3A_67 = arith.constant 0 : i32
        %dma_start3A_68 = tpu.memref_slice %arg15[%dma_start3A_66, %dma_start3A_67] : memref<2176x64xf32, #tpu.memory_space<vmem_shared>> -> memref<2176x64xf32, #tpu.memory_space<vmem_shared>>
        tpu.enqueue_indirect_dma source(%dma_start3A_62 : memref<128x64xf32, #tpu.memory_space<vmem>>) target(%dma_start3A_68 : memref<2176x64xf32, #tpu.memory_space<vmem_shared>>) offsets(%dma_start3A_65 : memref<128xi32, #tpu.memory_space<vmem>>) semaphore(%run_scoped3A : memref<!tpu.dma_semaphore, #tpu.memory_space<semaphore_mem>>) {add = true}
        %dma_wait3A = arith.constant 768 : i32
        %dma_wait3A_69 = arith.constant 0 : i32
        %dma_wait3A_70 = tpu.memref_slice %arg18[%dma_wait3A, %dma_wait3A_69] : memref<1024x64xf32, #tpu.memory_space<vmem>> -> memref<128x64xf32, #tpu.memory_space<vmem>>
        %dma_wait3A_71 = arith.constant 0 : i32
        %dma_wait3A_72 = tpu.memref_slice %arg17[%add3A_56, %dma_wait3A_71] : memref<64x128xi32, #tpu.memory_space<vmem>> -> memref<1x128xi32, #tpu.memory_space<vmem>>
        %dma_wait3A_73 = tpu.memref_squeeze %dma_wait3A_72 : memref<1x128xi32, #tpu.memory_space<vmem>> -> memref<128xi32, #tpu.memory_space<vmem>>
        %dma_wait3A_74 = arith.constant 0 : i32
        %dma_wait3A_75 = arith.constant 0 : i32
        %dma_wait3A_76 = tpu.memref_slice %arg15[%dma_wait3A_74, %dma_wait3A_75] : memref<2176x64xf32, #tpu.memory_space<vmem_shared>> -> memref<2176x64xf32, #tpu.memory_space<vmem_shared>>
        tpu.wait_indirect_dma semaphore(%run_scoped3A : memref<!tpu.dma_semaphore, #tpu.memory_space<semaphore_mem>>) src(%dma_wait3A_70 : memref<128x64xf32, #tpu.memory_space<vmem>>) dst(%dma_wait3A_76 : memref<2176x64xf32, #tpu.memory_space<vmem_shared>>)
        tpu.yield
      }) : () -> ()
      %mul3A_57 = arith.constant 8 : i32
      %mul3A_58 = arith.muli %scan3A_26, %mul3A_57 : i32
      %add3A_59 = arith.constant 7 : i32
      %add3A_60 = arith.addi %mul3A_58, %add3A_59 : i32
      "tpu.region"() ({
        %run_scoped3A = tpu.sem_alloc : memref<!tpu.dma_semaphore, #tpu.memory_space<semaphore_mem>>
        %dma_start3A = arith.constant 896 : i32
        %dma_start3A_61 = arith.constant 0 : i32
        %dma_start3A_62 = tpu.memref_slice %arg18[%dma_start3A, %dma_start3A_61] : memref<1024x64xf32, #tpu.memory_space<vmem>> -> memref<128x64xf32, #tpu.memory_space<vmem>>
        %dma_start3A_63 = arith.constant 0 : i32
        %dma_start3A_64 = tpu.memref_slice %arg17[%add3A_60, %dma_start3A_63] : memref<64x128xi32, #tpu.memory_space<vmem>> -> memref<1x128xi32, #tpu.memory_space<vmem>>
        %dma_start3A_65 = tpu.memref_squeeze %dma_start3A_64 : memref<1x128xi32, #tpu.memory_space<vmem>> -> memref<128xi32, #tpu.memory_space<vmem>>
        %dma_start3A_66 = arith.constant 0 : i32
        %dma_start3A_67 = arith.constant 0 : i32
        %dma_start3A_68 = tpu.memref_slice %arg15[%dma_start3A_66, %dma_start3A_67] : memref<2176x64xf32, #tpu.memory_space<vmem_shared>> -> memref<2176x64xf32, #tpu.memory_space<vmem_shared>>
        tpu.enqueue_indirect_dma source(%dma_start3A_62 : memref<128x64xf32, #tpu.memory_space<vmem>>) target(%dma_start3A_68 : memref<2176x64xf32, #tpu.memory_space<vmem_shared>>) offsets(%dma_start3A_65 : memref<128xi32, #tpu.memory_space<vmem>>) semaphore(%run_scoped3A : memref<!tpu.dma_semaphore, #tpu.memory_space<semaphore_mem>>) {add = true}
        %dma_wait3A = arith.constant 896 : i32
        %dma_wait3A_69 = arith.constant 0 : i32
        %dma_wait3A_70 = tpu.memref_slice %arg18[%dma_wait3A, %dma_wait3A_69] : memref<1024x64xf32, #tpu.memory_space<vmem>> -> memref<128x64xf32, #tpu.memory_space<vmem>>
        %dma_wait3A_71 = arith.constant 0 : i32
        %dma_wait3A_72 = tpu.memref_slice %arg17[%add3A_60, %dma_wait3A_71] : memref<64x128xi32, #tpu.memory_space<vmem>> -> memref<1x128xi32, #tpu.memory_space<vmem>>
        %dma_wait3A_73 = tpu.memref_squeeze %dma_wait3A_72 : memref<1x128xi32, #tpu.memory_space<vmem>> -> memref<128xi32, #tpu.memory_space<vmem>>
        %dma_wait3A_74 = arith.constant 0 : i32
        %dma_wait3A_75 = arith.constant 0 : i32
        %dma_wait3A_76 = tpu.memref_slice %arg15[%dma_wait3A_74, %dma_wait3A_75] : memref<2176x64xf32, #tpu.memory_space<vmem_shared>> -> memref<2176x64xf32, #tpu.memory_space<vmem_shared>>
        tpu.wait_indirect_dma semaphore(%run_scoped3A : memref<!tpu.dma_semaphore, #tpu.memory_space<semaphore_mem>>) src(%dma_wait3A_70 : memref<128x64xf32, #tpu.memory_space<vmem>>) dst(%dma_wait3A_76 : memref<2176x64xf32, #tpu.memory_space<vmem_shared>>)
        tpu.yield
      }) : () -> ()
    }
    %scan3A_19 = arith.constant 8 : i32
    %scan3A_20 = arith.constant 0 : i32
    %scan3A_21 = arith.constant 0 : i32
    %scan3A_22 = arith.constant 64 : i32
    %scan3A_23 = arith.addi %scan3A_21, %scan3A_22 : i32
    %scan3A_24 = arith.constant 1 : i32
    scf.for %scan3A_26 = %scan3A_21 to %scan3A_23 step %scan3A_24  : i32 {
      "tpu.region"() ({
        %run_scoped3A = tpu.sem_alloc : memref<!tpu.dma_semaphore, #tpu.memory_space<semaphore_mem>>
        %dma_start3A = arith.constant 0 : i32
        %dma_start3A_27 = tpu.memref_slice %arg17[%scan3A_26, %dma_start3A] : memref<64x128xi32, #tpu.memory_space<vmem>> -> memref<1x128xi32, #tpu.memory_space<vmem>>
        %dma_start3A_28 = tpu.memref_squeeze %dma_start3A_27 : memref<1x128xi32, #tpu.memory_space<vmem>> -> memref<128xi32, #tpu.memory_space<vmem>>
        %dma_start3A_29 = arith.constant 0 : i32
        %dma_start3A_30 = arith.constant 0 : i32
        %dma_start3A_31 = tpu.memref_slice %arg16[%dma_start3A_29, %dma_start3A_30] : memref<2176x16xf32, #tpu.memory_space<vmem_shared>> -> memref<2176x16xf32, #tpu.memory_space<vmem_shared>>
        tpu.enqueue_indirect_dma source(%arg19 : memref<128x16xf32, #tpu.memory_space<vmem>>) target(%dma_start3A_31 : memref<2176x16xf32, #tpu.memory_space<vmem_shared>>) offsets(%dma_start3A_28 : memref<128xi32, #tpu.memory_space<vmem>>) semaphore(%run_scoped3A : memref<!tpu.dma_semaphore, #tpu.memory_space<semaphore_mem>>) {add = true}
        %dma_wait3A = arith.constant 0 : i32
        %dma_wait3A_32 = tpu.memref_slice %arg17[%scan3A_26, %dma_wait3A] : memref<64x128xi32, #tpu.memory_space<vmem>> -> memref<1x128xi32, #tpu.memory_space<vmem>>
        %dma_wait3A_33 = tpu.memref_squeeze %dma_wait3A_32 : memref<1x128xi32, #tpu.memory_space<vmem>> -> memref<128xi32, #tpu.memory_space<vmem>>
        %dma_wait3A_34 = arith.constant 0 : i32
        %dma_wait3A_35 = arith.constant 0 : i32
        %dma_wait3A_36 = tpu.memref_slice %arg16[%dma_wait3A_34, %dma_wait3A_35] : memref<2176x16xf32, #tpu.memory_space<vmem_shared>> -> memref<2176x16xf32, #tpu.memory_space<vmem_shared>>
        tpu.wait_indirect_dma semaphore(%run_scoped3A : memref<!tpu.dma_semaphore, #tpu.memory_space<semaphore_mem>>) src(%arg19 : memref<128x16xf32, #tpu.memory_space<vmem>>) dst(%dma_wait3A_36 : memref<2176x16xf32, #tpu.memory_space<vmem_shared>>)
        tpu.yield
      }) : () -> ()
    }
    %scan3A_25 = arith.constant 64 : i32
    "tpu.region"() ({
      %run_scoped3A = tpu.sem_alloc : memref<!tpu.dma_semaphore, #tpu.memory_space<semaphore_mem>>
      %dma_start3A = arith.constant 0 : i32
      %dma_start3A_26 = arith.constant 0 : i32
      %dma_start3A_27 = tpu.memref_slice %arg9[%add3A, %dma_start3A, %dma_start3A_26] : memref<32x136x64xf32, #tpu.memory_space<hbm>> -> memref<1x136x64xf32, #tpu.memory_space<hbm>>
      %dma_start3A_28 = tpu.memref_squeeze %dma_start3A_27 : memref<1x136x64xf32, #tpu.memory_space<hbm>> -> memref<136x64xf32, #tpu.memory_space<hbm>>
      %dma_start3A_29 = arith.constant 0 : i32
      %dma_start3A_30 = tpu.memref_slice %arg13[%mul3A_2, %dma_start3A_29] : memref<2176x64xf32, #tpu.memory_space<vmem_shared>> -> memref<136x64xf32, #tpu.memory_space<vmem_shared>>
      tpu.enqueue_dma source(%dma_start3A_30 : memref<136x64xf32, #tpu.memory_space<vmem_shared>>) target(%dma_start3A_28 : memref<136x64xf32, #tpu.memory_space<hbm>>) target_semaphore(%run_scoped3A : memref<!tpu.dma_semaphore, #tpu.memory_space<semaphore_mem>>)
      %dma_wait3A = arith.constant 0 : i32
      %dma_wait3A_31 = arith.constant 0 : i32
      %dma_wait3A_32 = tpu.memref_slice %arg9[%add3A, %dma_wait3A, %dma_wait3A_31] : memref<32x136x64xf32, #tpu.memory_space<hbm>> -> memref<1x136x64xf32, #tpu.memory_space<hbm>>
      %dma_wait3A_33 = tpu.memref_squeeze %dma_wait3A_32 : memref<1x136x64xf32, #tpu.memory_space<hbm>> -> memref<136x64xf32, #tpu.memory_space<hbm>>
      %dma_wait3A_34 = arith.constant 0 : i32
      %dma_wait3A_35 = tpu.memref_slice %arg13[%mul3A_2, %dma_wait3A_34] : memref<2176x64xf32, #tpu.memory_space<vmem_shared>> -> memref<136x64xf32, #tpu.memory_space<vmem_shared>>
      tpu.wait_dma2 semaphore(%run_scoped3A : memref<!tpu.dma_semaphore, #tpu.memory_space<semaphore_mem>>) src(%dma_wait3A_35 : memref<136x64xf32, #tpu.memory_space<vmem_shared>>) dst(%dma_wait3A_33 : memref<136x64xf32, #tpu.memory_space<hbm>>)
      tpu.yield
    }) : () -> ()
    "tpu.region"() ({
      %run_scoped3A = tpu.sem_alloc : memref<!tpu.dma_semaphore, #tpu.memory_space<semaphore_mem>>
      %dma_start3A = arith.constant 0 : i32
      %dma_start3A_26 = arith.constant 0 : i32
      %dma_start3A_27 = tpu.memref_slice %arg10[%add3A, %dma_start3A, %dma_start3A_26] : memref<32x136x64xf32, #tpu.memory_space<hbm>> -> memref<1x136x64xf32, #tpu.memory_space<hbm>>
      %dma_start3A_28 = tpu.memref_squeeze %dma_start3A_27 : memref<1x136x64xf32, #tpu.memory_space<hbm>> -> memref<136x64xf32, #tpu.memory_space<hbm>>
      %dma_start3A_29 = arith.constant 0 : i32
      %dma_start3A_30 = tpu.memref_slice %arg14[%mul3A_2, %dma_start3A_29] : memref<2176x64xf32, #tpu.memory_space<vmem_shared>> -> memref<136x64xf32, #tpu.memory_space<vmem_shared>>
      tpu.enqueue_dma source(%dma_start3A_30 : memref<136x64xf32, #tpu.memory_space<vmem_shared>>) target(%dma_start3A_28 : memref<136x64xf32, #tpu.memory_space<hbm>>) target_semaphore(%run_scoped3A : memref<!tpu.dma_semaphore, #tpu.memory_space<semaphore_mem>>)
      %dma_wait3A = arith.constant 0 : i32
      %dma_wait3A_31 = arith.constant 0 : i32
      %dma_wait3A_32 = tpu.memref_slice %arg10[%add3A, %dma_wait3A, %dma_wait3A_31] : memref<32x136x64xf32, #tpu.memory_space<hbm>> -> memref<1x136x64xf32, #tpu.memory_space<hbm>>
      %dma_wait3A_33 = tpu.memref_squeeze %dma_wait3A_32 : memref<1x136x64xf32, #tpu.memory_space<hbm>> -> memref<136x64xf32, #tpu.memory_space<hbm>>
      %dma_wait3A_34 = arith.constant 0 : i32
      %dma_wait3A_35 = tpu.memref_slice %arg14[%mul3A_2, %dma_wait3A_34] : memref<2176x64xf32, #tpu.memory_space<vmem_shared>> -> memref<136x64xf32, #tpu.memory_space<vmem_shared>>
      tpu.wait_dma2 semaphore(%run_scoped3A : memref<!tpu.dma_semaphore, #tpu.memory_space<semaphore_mem>>) src(%dma_wait3A_35 : memref<136x64xf32, #tpu.memory_space<vmem_shared>>) dst(%dma_wait3A_33 : memref<136x64xf32, #tpu.memory_space<hbm>>)
      tpu.yield
    }) : () -> ()
    "tpu.region"() ({
      %run_scoped3A = tpu.sem_alloc : memref<!tpu.dma_semaphore, #tpu.memory_space<semaphore_mem>>
      %dma_start3A = arith.constant 0 : i32
      %dma_start3A_26 = arith.constant 0 : i32
      %dma_start3A_27 = tpu.memref_slice %arg11[%add3A, %dma_start3A, %dma_start3A_26] : memref<32x136x64xf32, #tpu.memory_space<hbm>> -> memref<1x136x64xf32, #tpu.memory_space<hbm>>
      %dma_start3A_28 = tpu.memref_squeeze %dma_start3A_27 : memref<1x136x64xf32, #tpu.memory_space<hbm>> -> memref<136x64xf32, #tpu.memory_space<hbm>>
      %dma_start3A_29 = arith.constant 0 : i32
      %dma_start3A_30 = tpu.memref_slice %arg15[%mul3A_2, %dma_start3A_29] : memref<2176x64xf32, #tpu.memory_space<vmem_shared>> -> memref<136x64xf32, #tpu.memory_space<vmem_shared>>
      tpu.enqueue_dma source(%dma_start3A_30 : memref<136x64xf32, #tpu.memory_space<vmem_shared>>) target(%dma_start3A_28 : memref<136x64xf32, #tpu.memory_space<hbm>>) target_semaphore(%run_scoped3A : memref<!tpu.dma_semaphore, #tpu.memory_space<semaphore_mem>>)
      %dma_wait3A = arith.constant 0 : i32
      %dma_wait3A_31 = arith.constant 0 : i32
      %dma_wait3A_32 = tpu.memref_slice %arg11[%add3A, %dma_wait3A, %dma_wait3A_31] : memref<32x136x64xf32, #tpu.memory_space<hbm>> -> memref<1x136x64xf32, #tpu.memory_space<hbm>>
      %dma_wait3A_33 = tpu.memref_squeeze %dma_wait3A_32 : memref<1x136x64xf32, #tpu.memory_space<hbm>> -> memref<136x64xf32, #tpu.memory_space<hbm>>
      %dma_wait3A_34 = arith.constant 0 : i32
      %dma_wait3A_35 = tpu.memref_slice %arg15[%mul3A_2, %dma_wait3A_34] : memref<2176x64xf32, #tpu.memory_space<vmem_shared>> -> memref<136x64xf32, #tpu.memory_space<vmem_shared>>
      tpu.wait_dma2 semaphore(%run_scoped3A : memref<!tpu.dma_semaphore, #tpu.memory_space<semaphore_mem>>) src(%dma_wait3A_35 : memref<136x64xf32, #tpu.memory_space<vmem_shared>>) dst(%dma_wait3A_33 : memref<136x64xf32, #tpu.memory_space<hbm>>)
      tpu.yield
    }) : () -> ()
    "tpu.region"() ({
      %run_scoped3A = tpu.sem_alloc : memref<!tpu.dma_semaphore, #tpu.memory_space<semaphore_mem>>
      %dma_start3A = arith.constant 0 : i32
      %dma_start3A_26 = arith.constant 0 : i32
      %dma_start3A_27 = tpu.memref_slice %arg12[%add3A, %dma_start3A, %dma_start3A_26] : memref<32x136x16xf32, #tpu.memory_space<hbm>> -> memref<1x136x16xf32, #tpu.memory_space<hbm>>
      %dma_start3A_28 = tpu.memref_squeeze %dma_start3A_27 : memref<1x136x16xf32, #tpu.memory_space<hbm>> -> memref<136x16xf32, #tpu.memory_space<hbm>>
      %dma_start3A_29 = arith.constant 0 : i32
      %dma_start3A_30 = tpu.memref_slice %arg16[%mul3A_2, %dma_start3A_29] : memref<2176x16xf32, #tpu.memory_space<vmem_shared>> -> memref<136x16xf32, #tpu.memory_space<vmem_shared>>
      tpu.enqueue_dma source(%dma_start3A_30 : memref<136x16xf32, #tpu.memory_space<vmem_shared>>) target(%dma_start3A_28 : memref<136x16xf32, #tpu.memory_space<hbm>>) target_semaphore(%run_scoped3A : memref<!tpu.dma_semaphore, #tpu.memory_space<semaphore_mem>>)
      %dma_wait3A = arith.constant 0 : i32
      %dma_wait3A_31 = arith.constant 0 : i32
      %dma_wait3A_32 = tpu.memref_slice %arg12[%add3A, %dma_wait3A, %dma_wait3A_31] : memref<32x136x16xf32, #tpu.memory_space<hbm>> -> memref<1x136x16xf32, #tpu.memory_space<hbm>>
      %dma_wait3A_33 = tpu.memref_squeeze %dma_wait3A_32 : memref<1x136x16xf32, #tpu.memory_space<hbm>> -> memref<136x16xf32, #tpu.memory_space<hbm>>
      %dma_wait3A_34 = arith.constant 0 : i32
      %dma_wait3A_35 = tpu.memref_slice %arg16[%mul3A_2, %dma_wait3A_34] : memref<2176x16xf32, #tpu.memory_space<vmem_shared>> -> memref<136x16xf32, #tpu.memory_space<vmem_shared>>
      tpu.wait_dma2 semaphore(%run_scoped3A : memref<!tpu.dma_semaphore, #tpu.memory_space<semaphore_mem>>) src(%dma_wait3A_35 : memref<136x16xf32, #tpu.memory_space<vmem_shared>>) dst(%dma_wait3A_33 : memref<136x16xf32, #tpu.memory_space<hbm>>)
      tpu.yield
    }) : () -> ()
    return
  }
}

#map = affine_map<(d0, d1) -> (0, 0, 0)>
module attributes {stable_mosaic.version = 14 : i64} {
  func.func @_sc_gather_body(%arg0: i32, %arg1: i32, %arg2: memref<32x136x64xf32, #tpu.memory_space<hbm>>, %arg3: memref<32x64x128xi32, #tpu.memory_space<hbm>>, %arg4: memref<32x8192x64xf32, #tpu.memory_space<hbm>>, %arg5: memref<2176x64xf32, #tpu.memory_space<vmem_shared>>, %arg6: memref<64x128xi32, #tpu.memory_space<vmem>>, %arg7: memref<1024x64xf32, #tpu.memory_space<vmem>>) attributes {dimension_semantics = [#tpu.dimension_semantics<core_parallel>, #tpu.dimension_semantics<subcore_parallel>], iteration_bounds = array<i64: 2, 16>, scalar_prefetch = 0 : i64, scratch_operands = 3 : i64, tpu.core_type = #tpu.core_type<sc_vector_subcore>, window_params = [{transform_indices = #map}, {transform_indices = #map}, {transform_indices = #map}]} {
    %mul3A = arith.constant 2 : i32
    %mul3A_0 = arith.muli %arg1, %mul3A : i32
    %add3A = arith.addi %mul3A_0, %arg0 : i32
    %mul3A_1 = arith.constant 136 : i32
    %mul3A_2 = arith.muli %arg1, %mul3A_1 : i32
    "tpu.region"() ({
      %run_scoped3A = tpu.sem_alloc : memref<!tpu.dma_semaphore, #tpu.memory_space<semaphore_mem>>
      %dma_start3A = arith.constant 0 : i32
      %dma_start3A_8 = tpu.memref_slice %arg5[%mul3A_2, %dma_start3A] : memref<2176x64xf32, #tpu.memory_space<vmem_shared>> -> memref<136x64xf32, #tpu.memory_space<vmem_shared>>
      %dma_start3A_9 = arith.constant 0 : i32
      %dma_start3A_10 = arith.constant 0 : i32
      %dma_start3A_11 = tpu.memref_slice %arg2[%add3A, %dma_start3A_9, %dma_start3A_10] : memref<32x136x64xf32, #tpu.memory_space<hbm>> -> memref<1x136x64xf32, #tpu.memory_space<hbm>>
      %dma_start3A_12 = tpu.memref_squeeze %dma_start3A_11 : memref<1x136x64xf32, #tpu.memory_space<hbm>> -> memref<136x64xf32, #tpu.memory_space<hbm>>
      tpu.enqueue_dma source(%dma_start3A_12 : memref<136x64xf32, #tpu.memory_space<hbm>>) target(%dma_start3A_8 : memref<136x64xf32, #tpu.memory_space<vmem_shared>>) target_semaphore(%run_scoped3A : memref<!tpu.dma_semaphore, #tpu.memory_space<semaphore_mem>>)
      %dma_wait3A = arith.constant 0 : i32
      %dma_wait3A_13 = tpu.memref_slice %arg5[%mul3A_2, %dma_wait3A] : memref<2176x64xf32, #tpu.memory_space<vmem_shared>> -> memref<136x64xf32, #tpu.memory_space<vmem_shared>>
      %dma_wait3A_14 = arith.constant 0 : i32
      %dma_wait3A_15 = arith.constant 0 : i32
      %dma_wait3A_16 = tpu.memref_slice %arg2[%add3A, %dma_wait3A_14, %dma_wait3A_15] : memref<32x136x64xf32, #tpu.memory_space<hbm>> -> memref<1x136x64xf32, #tpu.memory_space<hbm>>
      %dma_wait3A_17 = tpu.memref_squeeze %dma_wait3A_16 : memref<1x136x64xf32, #tpu.memory_space<hbm>> -> memref<136x64xf32, #tpu.memory_space<hbm>>
      tpu.wait_dma2 semaphore(%run_scoped3A : memref<!tpu.dma_semaphore, #tpu.memory_space<semaphore_mem>>) src(%dma_wait3A_17 : memref<136x64xf32, #tpu.memory_space<hbm>>) dst(%dma_wait3A_13 : memref<136x64xf32, #tpu.memory_space<vmem_shared>>)
      tpu.yield
    }) : () -> ()
    "tpu.region"() ({
      %run_scoped3A = tpu.sem_alloc : memref<!tpu.dma_semaphore, #tpu.memory_space<semaphore_mem>>
      %dma_start3A = arith.constant 0 : i32
      %dma_start3A_8 = arith.constant 0 : i32
      %dma_start3A_9 = tpu.memref_slice %arg3[%add3A, %dma_start3A, %dma_start3A_8] : memref<32x64x128xi32, #tpu.memory_space<hbm>> -> memref<1x64x128xi32, #tpu.memory_space<hbm>>
      %dma_start3A_10 = tpu.memref_squeeze %dma_start3A_9 : memref<1x64x128xi32, #tpu.memory_space<hbm>> -> memref<64x128xi32, #tpu.memory_space<hbm>>
      %dma_start3A_11 = arith.constant 0 : i32
      %dma_start3A_12 = arith.constant 0 : i32
      %dma_start3A_13 = tpu.memref_slice %arg3[%add3A, %dma_start3A_11, %dma_start3A_12] : memref<32x64x128xi32, #tpu.memory_space<hbm>> -> memref<1x64x128xi32, #tpu.memory_space<hbm>>
      %dma_start3A_14 = tpu.memref_squeeze %dma_start3A_13 : memref<1x64x128xi32, #tpu.memory_space<hbm>> -> memref<64x128xi32, #tpu.memory_space<hbm>>
      tpu.enqueue_dma source(%dma_start3A_14 : memref<64x128xi32, #tpu.memory_space<hbm>>) target(%arg6 : memref<64x128xi32, #tpu.memory_space<vmem>>) target_semaphore(%run_scoped3A : memref<!tpu.dma_semaphore, #tpu.memory_space<semaphore_mem>>)
      %dma_wait3A = arith.constant 0 : i32
      %dma_wait3A_15 = arith.constant 0 : i32
      %dma_wait3A_16 = tpu.memref_slice %arg3[%add3A, %dma_wait3A, %dma_wait3A_15] : memref<32x64x128xi32, #tpu.memory_space<hbm>> -> memref<1x64x128xi32, #tpu.memory_space<hbm>>
      %dma_wait3A_17 = tpu.memref_squeeze %dma_wait3A_16 : memref<1x64x128xi32, #tpu.memory_space<hbm>> -> memref<64x128xi32, #tpu.memory_space<hbm>>
      %dma_wait3A_18 = arith.constant 0 : i32
      %dma_wait3A_19 = arith.constant 0 : i32
      %dma_wait3A_20 = tpu.memref_slice %arg3[%add3A, %dma_wait3A_18, %dma_wait3A_19] : memref<32x64x128xi32, #tpu.memory_space<hbm>> -> memref<1x64x128xi32, #tpu.memory_space<hbm>>
      %dma_wait3A_21 = tpu.memref_squeeze %dma_wait3A_20 : memref<1x64x128xi32, #tpu.memory_space<hbm>> -> memref<64x128xi32, #tpu.memory_space<hbm>>
      tpu.wait_dma2 semaphore(%run_scoped3A : memref<!tpu.dma_semaphore, #tpu.memory_space<semaphore_mem>>) src(%dma_wait3A_21 : memref<64x128xi32, #tpu.memory_space<hbm>>) dst(%arg6 : memref<64x128xi32, #tpu.memory_space<vmem>>)
      tpu.yield
    }) : () -> ()
    %scan3A = arith.constant 0 : i32
    %scan3A_3 = arith.constant 0 : i32
    %scan3A_4 = arith.constant 8 : i32
    %scan3A_5 = arith.addi %scan3A_3, %scan3A_4 : i32
    %scan3A_6 = arith.constant 1 : i32
    scf.for %scan3A_8 = %scan3A_3 to %scan3A_5 step %scan3A_6  : i32 {
      %mul3A_9 = arith.constant 8 : i32
      %mul3A_10 = arith.muli %scan3A_8, %mul3A_9 : i32
      %add3A_11 = arith.constant 0 : i32
      %add3A_12 = arith.addi %mul3A_10, %add3A_11 : i32
      "tpu.region"() ({
        %run_scoped3A = tpu.sem_alloc : memref<!tpu.dma_semaphore, #tpu.memory_space<semaphore_mem>>
        %dma_start3A = arith.constant 0 : i32
        %dma_start3A_43 = arith.constant 0 : i32
        %dma_start3A_44 = tpu.memref_slice %arg7[%dma_start3A, %dma_start3A_43] : memref<1024x64xf32, #tpu.memory_space<vmem>> -> memref<128x64xf32, #tpu.memory_space<vmem>>
        %dma_start3A_45 = arith.constant 0 : i32
        %dma_start3A_46 = tpu.memref_slice %arg6[%add3A_12, %dma_start3A_45] : memref<64x128xi32, #tpu.memory_space<vmem>> -> memref<1x128xi32, #tpu.memory_space<vmem>>
        %dma_start3A_47 = tpu.memref_squeeze %dma_start3A_46 : memref<1x128xi32, #tpu.memory_space<vmem>> -> memref<128xi32, #tpu.memory_space<vmem>>
        %dma_start3A_48 = arith.constant 0 : i32
        %dma_start3A_49 = arith.constant 0 : i32
        %dma_start3A_50 = tpu.memref_slice %arg5[%dma_start3A_48, %dma_start3A_49] : memref<2176x64xf32, #tpu.memory_space<vmem_shared>> -> memref<2176x64xf32, #tpu.memory_space<vmem_shared>>
        tpu.enqueue_indirect_dma source(%dma_start3A_50 : memref<2176x64xf32, #tpu.memory_space<vmem_shared>>) target(%dma_start3A_44 : memref<128x64xf32, #tpu.memory_space<vmem>>) offsets(%dma_start3A_47 : memref<128xi32, #tpu.memory_space<vmem>>) semaphore(%run_scoped3A : memref<!tpu.dma_semaphore, #tpu.memory_space<semaphore_mem>>)
        %dma_wait3A = arith.constant 0 : i32
        %dma_wait3A_51 = arith.constant 0 : i32
        %dma_wait3A_52 = tpu.memref_slice %arg7[%dma_wait3A, %dma_wait3A_51] : memref<1024x64xf32, #tpu.memory_space<vmem>> -> memref<128x64xf32, #tpu.memory_space<vmem>>
        %dma_wait3A_53 = arith.constant 0 : i32
        %dma_wait3A_54 = tpu.memref_slice %arg6[%add3A_12, %dma_wait3A_53] : memref<64x128xi32, #tpu.memory_space<vmem>> -> memref<1x128xi32, #tpu.memory_space<vmem>>
        %dma_wait3A_55 = tpu.memref_squeeze %dma_wait3A_54 : memref<1x128xi32, #tpu.memory_space<vmem>> -> memref<128xi32, #tpu.memory_space<vmem>>
        %dma_wait3A_56 = arith.constant 0 : i32
        %dma_wait3A_57 = arith.constant 0 : i32
        %dma_wait3A_58 = tpu.memref_slice %arg5[%dma_wait3A_56, %dma_wait3A_57] : memref<2176x64xf32, #tpu.memory_space<vmem_shared>> -> memref<2176x64xf32, #tpu.memory_space<vmem_shared>>
        tpu.wait_indirect_dma semaphore(%run_scoped3A : memref<!tpu.dma_semaphore, #tpu.memory_space<semaphore_mem>>) src(%dma_wait3A_58 : memref<2176x64xf32, #tpu.memory_space<vmem_shared>>) dst(%dma_wait3A_52 : memref<128x64xf32, #tpu.memory_space<vmem>>)
        tpu.yield
      }) : () -> ()
      %mul3A_13 = arith.constant 8 : i32
      %mul3A_14 = arith.muli %scan3A_8, %mul3A_13 : i32
      %add3A_15 = arith.constant 1 : i32
      %add3A_16 = arith.addi %mul3A_14, %add3A_15 : i32
      "tpu.region"() ({
        %run_scoped3A = tpu.sem_alloc : memref<!tpu.dma_semaphore, #tpu.memory_space<semaphore_mem>>
        %dma_start3A = arith.constant 128 : i32
        %dma_start3A_43 = arith.constant 0 : i32
        %dma_start3A_44 = tpu.memref_slice %arg7[%dma_start3A, %dma_start3A_43] : memref<1024x64xf32, #tpu.memory_space<vmem>> -> memref<128x64xf32, #tpu.memory_space<vmem>>
        %dma_start3A_45 = arith.constant 0 : i32
        %dma_start3A_46 = tpu.memref_slice %arg6[%add3A_16, %dma_start3A_45] : memref<64x128xi32, #tpu.memory_space<vmem>> -> memref<1x128xi32, #tpu.memory_space<vmem>>
        %dma_start3A_47 = tpu.memref_squeeze %dma_start3A_46 : memref<1x128xi32, #tpu.memory_space<vmem>> -> memref<128xi32, #tpu.memory_space<vmem>>
        %dma_start3A_48 = arith.constant 0 : i32
        %dma_start3A_49 = arith.constant 0 : i32
        %dma_start3A_50 = tpu.memref_slice %arg5[%dma_start3A_48, %dma_start3A_49] : memref<2176x64xf32, #tpu.memory_space<vmem_shared>> -> memref<2176x64xf32, #tpu.memory_space<vmem_shared>>
        tpu.enqueue_indirect_dma source(%dma_start3A_50 : memref<2176x64xf32, #tpu.memory_space<vmem_shared>>) target(%dma_start3A_44 : memref<128x64xf32, #tpu.memory_space<vmem>>) offsets(%dma_start3A_47 : memref<128xi32, #tpu.memory_space<vmem>>) semaphore(%run_scoped3A : memref<!tpu.dma_semaphore, #tpu.memory_space<semaphore_mem>>)
        %dma_wait3A = arith.constant 128 : i32
        %dma_wait3A_51 = arith.constant 0 : i32
        %dma_wait3A_52 = tpu.memref_slice %arg7[%dma_wait3A, %dma_wait3A_51] : memref<1024x64xf32, #tpu.memory_space<vmem>> -> memref<128x64xf32, #tpu.memory_space<vmem>>
        %dma_wait3A_53 = arith.constant 0 : i32
        %dma_wait3A_54 = tpu.memref_slice %arg6[%add3A_16, %dma_wait3A_53] : memref<64x128xi32, #tpu.memory_space<vmem>> -> memref<1x128xi32, #tpu.memory_space<vmem>>
        %dma_wait3A_55 = tpu.memref_squeeze %dma_wait3A_54 : memref<1x128xi32, #tpu.memory_space<vmem>> -> memref<128xi32, #tpu.memory_space<vmem>>
        %dma_wait3A_56 = arith.constant 0 : i32
        %dma_wait3A_57 = arith.constant 0 : i32
        %dma_wait3A_58 = tpu.memref_slice %arg5[%dma_wait3A_56, %dma_wait3A_57] : memref<2176x64xf32, #tpu.memory_space<vmem_shared>> -> memref<2176x64xf32, #tpu.memory_space<vmem_shared>>
        tpu.wait_indirect_dma semaphore(%run_scoped3A : memref<!tpu.dma_semaphore, #tpu.memory_space<semaphore_mem>>) src(%dma_wait3A_58 : memref<2176x64xf32, #tpu.memory_space<vmem_shared>>) dst(%dma_wait3A_52 : memref<128x64xf32, #tpu.memory_space<vmem>>)
        tpu.yield
      }) : () -> ()
      %mul3A_17 = arith.constant 8 : i32
      %mul3A_18 = arith.muli %scan3A_8, %mul3A_17 : i32
      %add3A_19 = arith.constant 2 : i32
      %add3A_20 = arith.addi %mul3A_18, %add3A_19 : i32
      "tpu.region"() ({
        %run_scoped3A = tpu.sem_alloc : memref<!tpu.dma_semaphore, #tpu.memory_space<semaphore_mem>>
        %dma_start3A = arith.constant 256 : i32
        %dma_start3A_43 = arith.constant 0 : i32
        %dma_start3A_44 = tpu.memref_slice %arg7[%dma_start3A, %dma_start3A_43] : memref<1024x64xf32, #tpu.memory_space<vmem>> -> memref<128x64xf32, #tpu.memory_space<vmem>>
        %dma_start3A_45 = arith.constant 0 : i32
        %dma_start3A_46 = tpu.memref_slice %arg6[%add3A_20, %dma_start3A_45] : memref<64x128xi32, #tpu.memory_space<vmem>> -> memref<1x128xi32, #tpu.memory_space<vmem>>
        %dma_start3A_47 = tpu.memref_squeeze %dma_start3A_46 : memref<1x128xi32, #tpu.memory_space<vmem>> -> memref<128xi32, #tpu.memory_space<vmem>>
        %dma_start3A_48 = arith.constant 0 : i32
        %dma_start3A_49 = arith.constant 0 : i32
        %dma_start3A_50 = tpu.memref_slice %arg5[%dma_start3A_48, %dma_start3A_49] : memref<2176x64xf32, #tpu.memory_space<vmem_shared>> -> memref<2176x64xf32, #tpu.memory_space<vmem_shared>>
        tpu.enqueue_indirect_dma source(%dma_start3A_50 : memref<2176x64xf32, #tpu.memory_space<vmem_shared>>) target(%dma_start3A_44 : memref<128x64xf32, #tpu.memory_space<vmem>>) offsets(%dma_start3A_47 : memref<128xi32, #tpu.memory_space<vmem>>) semaphore(%run_scoped3A : memref<!tpu.dma_semaphore, #tpu.memory_space<semaphore_mem>>)
        %dma_wait3A = arith.constant 256 : i32
        %dma_wait3A_51 = arith.constant 0 : i32
        %dma_wait3A_52 = tpu.memref_slice %arg7[%dma_wait3A, %dma_wait3A_51] : memref<1024x64xf32, #tpu.memory_space<vmem>> -> memref<128x64xf32, #tpu.memory_space<vmem>>
        %dma_wait3A_53 = arith.constant 0 : i32
        %dma_wait3A_54 = tpu.memref_slice %arg6[%add3A_20, %dma_wait3A_53] : memref<64x128xi32, #tpu.memory_space<vmem>> -> memref<1x128xi32, #tpu.memory_space<vmem>>
        %dma_wait3A_55 = tpu.memref_squeeze %dma_wait3A_54 : memref<1x128xi32, #tpu.memory_space<vmem>> -> memref<128xi32, #tpu.memory_space<vmem>>
        %dma_wait3A_56 = arith.constant 0 : i32
        %dma_wait3A_57 = arith.constant 0 : i32
        %dma_wait3A_58 = tpu.memref_slice %arg5[%dma_wait3A_56, %dma_wait3A_57] : memref<2176x64xf32, #tpu.memory_space<vmem_shared>> -> memref<2176x64xf32, #tpu.memory_space<vmem_shared>>
        tpu.wait_indirect_dma semaphore(%run_scoped3A : memref<!tpu.dma_semaphore, #tpu.memory_space<semaphore_mem>>) src(%dma_wait3A_58 : memref<2176x64xf32, #tpu.memory_space<vmem_shared>>) dst(%dma_wait3A_52 : memref<128x64xf32, #tpu.memory_space<vmem>>)
        tpu.yield
      }) : () -> ()
      %mul3A_21 = arith.constant 8 : i32
      %mul3A_22 = arith.muli %scan3A_8, %mul3A_21 : i32
      %add3A_23 = arith.constant 3 : i32
      %add3A_24 = arith.addi %mul3A_22, %add3A_23 : i32
      "tpu.region"() ({
        %run_scoped3A = tpu.sem_alloc : memref<!tpu.dma_semaphore, #tpu.memory_space<semaphore_mem>>
        %dma_start3A = arith.constant 384 : i32
        %dma_start3A_43 = arith.constant 0 : i32
        %dma_start3A_44 = tpu.memref_slice %arg7[%dma_start3A, %dma_start3A_43] : memref<1024x64xf32, #tpu.memory_space<vmem>> -> memref<128x64xf32, #tpu.memory_space<vmem>>
        %dma_start3A_45 = arith.constant 0 : i32
        %dma_start3A_46 = tpu.memref_slice %arg6[%add3A_24, %dma_start3A_45] : memref<64x128xi32, #tpu.memory_space<vmem>> -> memref<1x128xi32, #tpu.memory_space<vmem>>
        %dma_start3A_47 = tpu.memref_squeeze %dma_start3A_46 : memref<1x128xi32, #tpu.memory_space<vmem>> -> memref<128xi32, #tpu.memory_space<vmem>>
        %dma_start3A_48 = arith.constant 0 : i32
        %dma_start3A_49 = arith.constant 0 : i32
        %dma_start3A_50 = tpu.memref_slice %arg5[%dma_start3A_48, %dma_start3A_49] : memref<2176x64xf32, #tpu.memory_space<vmem_shared>> -> memref<2176x64xf32, #tpu.memory_space<vmem_shared>>
        tpu.enqueue_indirect_dma source(%dma_start3A_50 : memref<2176x64xf32, #tpu.memory_space<vmem_shared>>) target(%dma_start3A_44 : memref<128x64xf32, #tpu.memory_space<vmem>>) offsets(%dma_start3A_47 : memref<128xi32, #tpu.memory_space<vmem>>) semaphore(%run_scoped3A : memref<!tpu.dma_semaphore, #tpu.memory_space<semaphore_mem>>)
        %dma_wait3A = arith.constant 384 : i32
        %dma_wait3A_51 = arith.constant 0 : i32
        %dma_wait3A_52 = tpu.memref_slice %arg7[%dma_wait3A, %dma_wait3A_51] : memref<1024x64xf32, #tpu.memory_space<vmem>> -> memref<128x64xf32, #tpu.memory_space<vmem>>
        %dma_wait3A_53 = arith.constant 0 : i32
        %dma_wait3A_54 = tpu.memref_slice %arg6[%add3A_24, %dma_wait3A_53] : memref<64x128xi32, #tpu.memory_space<vmem>> -> memref<1x128xi32, #tpu.memory_space<vmem>>
        %dma_wait3A_55 = tpu.memref_squeeze %dma_wait3A_54 : memref<1x128xi32, #tpu.memory_space<vmem>> -> memref<128xi32, #tpu.memory_space<vmem>>
        %dma_wait3A_56 = arith.constant 0 : i32
        %dma_wait3A_57 = arith.constant 0 : i32
        %dma_wait3A_58 = tpu.memref_slice %arg5[%dma_wait3A_56, %dma_wait3A_57] : memref<2176x64xf32, #tpu.memory_space<vmem_shared>> -> memref<2176x64xf32, #tpu.memory_space<vmem_shared>>
        tpu.wait_indirect_dma semaphore(%run_scoped3A : memref<!tpu.dma_semaphore, #tpu.memory_space<semaphore_mem>>) src(%dma_wait3A_58 : memref<2176x64xf32, #tpu.memory_space<vmem_shared>>) dst(%dma_wait3A_52 : memref<128x64xf32, #tpu.memory_space<vmem>>)
        tpu.yield
      }) : () -> ()
      %mul3A_25 = arith.constant 8 : i32
      %mul3A_26 = arith.muli %scan3A_8, %mul3A_25 : i32
      %add3A_27 = arith.constant 4 : i32
      %add3A_28 = arith.addi %mul3A_26, %add3A_27 : i32
      "tpu.region"() ({
        %run_scoped3A = tpu.sem_alloc : memref<!tpu.dma_semaphore, #tpu.memory_space<semaphore_mem>>
        %dma_start3A = arith.constant 512 : i32
        %dma_start3A_43 = arith.constant 0 : i32
        %dma_start3A_44 = tpu.memref_slice %arg7[%dma_start3A, %dma_start3A_43] : memref<1024x64xf32, #tpu.memory_space<vmem>> -> memref<128x64xf32, #tpu.memory_space<vmem>>
        %dma_start3A_45 = arith.constant 0 : i32
        %dma_start3A_46 = tpu.memref_slice %arg6[%add3A_28, %dma_start3A_45] : memref<64x128xi32, #tpu.memory_space<vmem>> -> memref<1x128xi32, #tpu.memory_space<vmem>>
        %dma_start3A_47 = tpu.memref_squeeze %dma_start3A_46 : memref<1x128xi32, #tpu.memory_space<vmem>> -> memref<128xi32, #tpu.memory_space<vmem>>
        %dma_start3A_48 = arith.constant 0 : i32
        %dma_start3A_49 = arith.constant 0 : i32
        %dma_start3A_50 = tpu.memref_slice %arg5[%dma_start3A_48, %dma_start3A_49] : memref<2176x64xf32, #tpu.memory_space<vmem_shared>> -> memref<2176x64xf32, #tpu.memory_space<vmem_shared>>
        tpu.enqueue_indirect_dma source(%dma_start3A_50 : memref<2176x64xf32, #tpu.memory_space<vmem_shared>>) target(%dma_start3A_44 : memref<128x64xf32, #tpu.memory_space<vmem>>) offsets(%dma_start3A_47 : memref<128xi32, #tpu.memory_space<vmem>>) semaphore(%run_scoped3A : memref<!tpu.dma_semaphore, #tpu.memory_space<semaphore_mem>>)
        %dma_wait3A = arith.constant 512 : i32
        %dma_wait3A_51 = arith.constant 0 : i32
        %dma_wait3A_52 = tpu.memref_slice %arg7[%dma_wait3A, %dma_wait3A_51] : memref<1024x64xf32, #tpu.memory_space<vmem>> -> memref<128x64xf32, #tpu.memory_space<vmem>>
        %dma_wait3A_53 = arith.constant 0 : i32
        %dma_wait3A_54 = tpu.memref_slice %arg6[%add3A_28, %dma_wait3A_53] : memref<64x128xi32, #tpu.memory_space<vmem>> -> memref<1x128xi32, #tpu.memory_space<vmem>>
        %dma_wait3A_55 = tpu.memref_squeeze %dma_wait3A_54 : memref<1x128xi32, #tpu.memory_space<vmem>> -> memref<128xi32, #tpu.memory_space<vmem>>
        %dma_wait3A_56 = arith.constant 0 : i32
        %dma_wait3A_57 = arith.constant 0 : i32
        %dma_wait3A_58 = tpu.memref_slice %arg5[%dma_wait3A_56, %dma_wait3A_57] : memref<2176x64xf32, #tpu.memory_space<vmem_shared>> -> memref<2176x64xf32, #tpu.memory_space<vmem_shared>>
        tpu.wait_indirect_dma semaphore(%run_scoped3A : memref<!tpu.dma_semaphore, #tpu.memory_space<semaphore_mem>>) src(%dma_wait3A_58 : memref<2176x64xf32, #tpu.memory_space<vmem_shared>>) dst(%dma_wait3A_52 : memref<128x64xf32, #tpu.memory_space<vmem>>)
        tpu.yield
      }) : () -> ()
      %mul3A_29 = arith.constant 8 : i32
      %mul3A_30 = arith.muli %scan3A_8, %mul3A_29 : i32
      %add3A_31 = arith.constant 5 : i32
      %add3A_32 = arith.addi %mul3A_30, %add3A_31 : i32
      "tpu.region"() ({
        %run_scoped3A = tpu.sem_alloc : memref<!tpu.dma_semaphore, #tpu.memory_space<semaphore_mem>>
        %dma_start3A = arith.constant 640 : i32
        %dma_start3A_43 = arith.constant 0 : i32
        %dma_start3A_44 = tpu.memref_slice %arg7[%dma_start3A, %dma_start3A_43] : memref<1024x64xf32, #tpu.memory_space<vmem>> -> memref<128x64xf32, #tpu.memory_space<vmem>>
        %dma_start3A_45 = arith.constant 0 : i32
        %dma_start3A_46 = tpu.memref_slice %arg6[%add3A_32, %dma_start3A_45] : memref<64x128xi32, #tpu.memory_space<vmem>> -> memref<1x128xi32, #tpu.memory_space<vmem>>
        %dma_start3A_47 = tpu.memref_squeeze %dma_start3A_46 : memref<1x128xi32, #tpu.memory_space<vmem>> -> memref<128xi32, #tpu.memory_space<vmem>>
        %dma_start3A_48 = arith.constant 0 : i32
        %dma_start3A_49 = arith.constant 0 : i32
        %dma_start3A_50 = tpu.memref_slice %arg5[%dma_start3A_48, %dma_start3A_49] : memref<2176x64xf32, #tpu.memory_space<vmem_shared>> -> memref<2176x64xf32, #tpu.memory_space<vmem_shared>>
        tpu.enqueue_indirect_dma source(%dma_start3A_50 : memref<2176x64xf32, #tpu.memory_space<vmem_shared>>) target(%dma_start3A_44 : memref<128x64xf32, #tpu.memory_space<vmem>>) offsets(%dma_start3A_47 : memref<128xi32, #tpu.memory_space<vmem>>) semaphore(%run_scoped3A : memref<!tpu.dma_semaphore, #tpu.memory_space<semaphore_mem>>)
        %dma_wait3A = arith.constant 640 : i32
        %dma_wait3A_51 = arith.constant 0 : i32
        %dma_wait3A_52 = tpu.memref_slice %arg7[%dma_wait3A, %dma_wait3A_51] : memref<1024x64xf32, #tpu.memory_space<vmem>> -> memref<128x64xf32, #tpu.memory_space<vmem>>
        %dma_wait3A_53 = arith.constant 0 : i32
        %dma_wait3A_54 = tpu.memref_slice %arg6[%add3A_32, %dma_wait3A_53] : memref<64x128xi32, #tpu.memory_space<vmem>> -> memref<1x128xi32, #tpu.memory_space<vmem>>
        %dma_wait3A_55 = tpu.memref_squeeze %dma_wait3A_54 : memref<1x128xi32, #tpu.memory_space<vmem>> -> memref<128xi32, #tpu.memory_space<vmem>>
        %dma_wait3A_56 = arith.constant 0 : i32
        %dma_wait3A_57 = arith.constant 0 : i32
        %dma_wait3A_58 = tpu.memref_slice %arg5[%dma_wait3A_56, %dma_wait3A_57] : memref<2176x64xf32, #tpu.memory_space<vmem_shared>> -> memref<2176x64xf32, #tpu.memory_space<vmem_shared>>
        tpu.wait_indirect_dma semaphore(%run_scoped3A : memref<!tpu.dma_semaphore, #tpu.memory_space<semaphore_mem>>) src(%dma_wait3A_58 : memref<2176x64xf32, #tpu.memory_space<vmem_shared>>) dst(%dma_wait3A_52 : memref<128x64xf32, #tpu.memory_space<vmem>>)
        tpu.yield
      }) : () -> ()
      %mul3A_33 = arith.constant 8 : i32
      %mul3A_34 = arith.muli %scan3A_8, %mul3A_33 : i32
      %add3A_35 = arith.constant 6 : i32
      %add3A_36 = arith.addi %mul3A_34, %add3A_35 : i32
      "tpu.region"() ({
        %run_scoped3A = tpu.sem_alloc : memref<!tpu.dma_semaphore, #tpu.memory_space<semaphore_mem>>
        %dma_start3A = arith.constant 768 : i32
        %dma_start3A_43 = arith.constant 0 : i32
        %dma_start3A_44 = tpu.memref_slice %arg7[%dma_start3A, %dma_start3A_43] : memref<1024x64xf32, #tpu.memory_space<vmem>> -> memref<128x64xf32, #tpu.memory_space<vmem>>
        %dma_start3A_45 = arith.constant 0 : i32
        %dma_start3A_46 = tpu.memref_slice %arg6[%add3A_36, %dma_start3A_45] : memref<64x128xi32, #tpu.memory_space<vmem>> -> memref<1x128xi32, #tpu.memory_space<vmem>>
        %dma_start3A_47 = tpu.memref_squeeze %dma_start3A_46 : memref<1x128xi32, #tpu.memory_space<vmem>> -> memref<128xi32, #tpu.memory_space<vmem>>
        %dma_start3A_48 = arith.constant 0 : i32
        %dma_start3A_49 = arith.constant 0 : i32
        %dma_start3A_50 = tpu.memref_slice %arg5[%dma_start3A_48, %dma_start3A_49] : memref<2176x64xf32, #tpu.memory_space<vmem_shared>> -> memref<2176x64xf32, #tpu.memory_space<vmem_shared>>
        tpu.enqueue_indirect_dma source(%dma_start3A_50 : memref<2176x64xf32, #tpu.memory_space<vmem_shared>>) target(%dma_start3A_44 : memref<128x64xf32, #tpu.memory_space<vmem>>) offsets(%dma_start3A_47 : memref<128xi32, #tpu.memory_space<vmem>>) semaphore(%run_scoped3A : memref<!tpu.dma_semaphore, #tpu.memory_space<semaphore_mem>>)
        %dma_wait3A = arith.constant 768 : i32
        %dma_wait3A_51 = arith.constant 0 : i32
        %dma_wait3A_52 = tpu.memref_slice %arg7[%dma_wait3A, %dma_wait3A_51] : memref<1024x64xf32, #tpu.memory_space<vmem>> -> memref<128x64xf32, #tpu.memory_space<vmem>>
        %dma_wait3A_53 = arith.constant 0 : i32
        %dma_wait3A_54 = tpu.memref_slice %arg6[%add3A_36, %dma_wait3A_53] : memref<64x128xi32, #tpu.memory_space<vmem>> -> memref<1x128xi32, #tpu.memory_space<vmem>>
        %dma_wait3A_55 = tpu.memref_squeeze %dma_wait3A_54 : memref<1x128xi32, #tpu.memory_space<vmem>> -> memref<128xi32, #tpu.memory_space<vmem>>
        %dma_wait3A_56 = arith.constant 0 : i32
        %dma_wait3A_57 = arith.constant 0 : i32
        %dma_wait3A_58 = tpu.memref_slice %arg5[%dma_wait3A_56, %dma_wait3A_57] : memref<2176x64xf32, #tpu.memory_space<vmem_shared>> -> memref<2176x64xf32, #tpu.memory_space<vmem_shared>>
        tpu.wait_indirect_dma semaphore(%run_scoped3A : memref<!tpu.dma_semaphore, #tpu.memory_space<semaphore_mem>>) src(%dma_wait3A_58 : memref<2176x64xf32, #tpu.memory_space<vmem_shared>>) dst(%dma_wait3A_52 : memref<128x64xf32, #tpu.memory_space<vmem>>)
        tpu.yield
      }) : () -> ()
      %mul3A_37 = arith.constant 8 : i32
      %mul3A_38 = arith.muli %scan3A_8, %mul3A_37 : i32
      %add3A_39 = arith.constant 7 : i32
      %add3A_40 = arith.addi %mul3A_38, %add3A_39 : i32
      "tpu.region"() ({
        %run_scoped3A = tpu.sem_alloc : memref<!tpu.dma_semaphore, #tpu.memory_space<semaphore_mem>>
        %dma_start3A = arith.constant 896 : i32
        %dma_start3A_43 = arith.constant 0 : i32
        %dma_start3A_44 = tpu.memref_slice %arg7[%dma_start3A, %dma_start3A_43] : memref<1024x64xf32, #tpu.memory_space<vmem>> -> memref<128x64xf32, #tpu.memory_space<vmem>>
        %dma_start3A_45 = arith.constant 0 : i32
        %dma_start3A_46 = tpu.memref_slice %arg6[%add3A_40, %dma_start3A_45] : memref<64x128xi32, #tpu.memory_space<vmem>> -> memref<1x128xi32, #tpu.memory_space<vmem>>
        %dma_start3A_47 = tpu.memref_squeeze %dma_start3A_46 : memref<1x128xi32, #tpu.memory_space<vmem>> -> memref<128xi32, #tpu.memory_space<vmem>>
        %dma_start3A_48 = arith.constant 0 : i32
        %dma_start3A_49 = arith.constant 0 : i32
        %dma_start3A_50 = tpu.memref_slice %arg5[%dma_start3A_48, %dma_start3A_49] : memref<2176x64xf32, #tpu.memory_space<vmem_shared>> -> memref<2176x64xf32, #tpu.memory_space<vmem_shared>>
        tpu.enqueue_indirect_dma source(%dma_start3A_50 : memref<2176x64xf32, #tpu.memory_space<vmem_shared>>) target(%dma_start3A_44 : memref<128x64xf32, #tpu.memory_space<vmem>>) offsets(%dma_start3A_47 : memref<128xi32, #tpu.memory_space<vmem>>) semaphore(%run_scoped3A : memref<!tpu.dma_semaphore, #tpu.memory_space<semaphore_mem>>)
        %dma_wait3A = arith.constant 896 : i32
        %dma_wait3A_51 = arith.constant 0 : i32
        %dma_wait3A_52 = tpu.memref_slice %arg7[%dma_wait3A, %dma_wait3A_51] : memref<1024x64xf32, #tpu.memory_space<vmem>> -> memref<128x64xf32, #tpu.memory_space<vmem>>
        %dma_wait3A_53 = arith.constant 0 : i32
        %dma_wait3A_54 = tpu.memref_slice %arg6[%add3A_40, %dma_wait3A_53] : memref<64x128xi32, #tpu.memory_space<vmem>> -> memref<1x128xi32, #tpu.memory_space<vmem>>
        %dma_wait3A_55 = tpu.memref_squeeze %dma_wait3A_54 : memref<1x128xi32, #tpu.memory_space<vmem>> -> memref<128xi32, #tpu.memory_space<vmem>>
        %dma_wait3A_56 = arith.constant 0 : i32
        %dma_wait3A_57 = arith.constant 0 : i32
        %dma_wait3A_58 = tpu.memref_slice %arg5[%dma_wait3A_56, %dma_wait3A_57] : memref<2176x64xf32, #tpu.memory_space<vmem_shared>> -> memref<2176x64xf32, #tpu.memory_space<vmem_shared>>
        tpu.wait_indirect_dma semaphore(%run_scoped3A : memref<!tpu.dma_semaphore, #tpu.memory_space<semaphore_mem>>) src(%dma_wait3A_58 : memref<2176x64xf32, #tpu.memory_space<vmem_shared>>) dst(%dma_wait3A_52 : memref<128x64xf32, #tpu.memory_space<vmem>>)
        tpu.yield
      }) : () -> ()
      %mul3A_41 = arith.constant 1024 : i32
      %mul3A_42 = arith.muli %scan3A_8, %mul3A_41 : i32
      "tpu.region"() ({
        %run_scoped3A = tpu.sem_alloc : memref<!tpu.dma_semaphore, #tpu.memory_space<semaphore_mem>>
        %dma_start3A = arith.constant 0 : i32
        %dma_start3A_43 = tpu.memref_slice %arg4[%add3A, %mul3A_42, %dma_start3A] : memref<32x8192x64xf32, #tpu.memory_space<hbm>> -> memref<1x1024x64xf32, #tpu.memory_space<hbm>>
        %dma_start3A_44 = tpu.memref_squeeze %dma_start3A_43 : memref<1x1024x64xf32, #tpu.memory_space<hbm>> -> memref<1024x64xf32, #tpu.memory_space<hbm>>
        %dma_start3A_45 = arith.constant 0 : i32
        %dma_start3A_46 = tpu.memref_slice %arg4[%add3A, %mul3A_42, %dma_start3A_45] : memref<32x8192x64xf32, #tpu.memory_space<hbm>> -> memref<1x1024x64xf32, #tpu.memory_space<hbm>>
        %dma_start3A_47 = tpu.memref_squeeze %dma_start3A_46 : memref<1x1024x64xf32, #tpu.memory_space<hbm>> -> memref<1024x64xf32, #tpu.memory_space<hbm>>
        tpu.enqueue_dma source(%arg7 : memref<1024x64xf32, #tpu.memory_space<vmem>>) target(%dma_start3A_47 : memref<1024x64xf32, #tpu.memory_space<hbm>>) target_semaphore(%run_scoped3A : memref<!tpu.dma_semaphore, #tpu.memory_space<semaphore_mem>>)
        %dma_wait3A = arith.constant 0 : i32
        %dma_wait3A_48 = tpu.memref_slice %arg4[%add3A, %mul3A_42, %dma_wait3A] : memref<32x8192x64xf32, #tpu.memory_space<hbm>> -> memref<1x1024x64xf32, #tpu.memory_space<hbm>>
        %dma_wait3A_49 = tpu.memref_squeeze %dma_wait3A_48 : memref<1x1024x64xf32, #tpu.memory_space<hbm>> -> memref<1024x64xf32, #tpu.memory_space<hbm>>
        %dma_wait3A_50 = arith.constant 0 : i32
        %dma_wait3A_51 = tpu.memref_slice %arg4[%add3A, %mul3A_42, %dma_wait3A_50] : memref<32x8192x64xf32, #tpu.memory_space<hbm>> -> memref<1x1024x64xf32, #tpu.memory_space<hbm>>
        %dma_wait3A_52 = tpu.memref_squeeze %dma_wait3A_51 : memref<1x1024x64xf32, #tpu.memory_space<hbm>> -> memref<1024x64xf32, #tpu.memory_space<hbm>>
        tpu.wait_dma2 semaphore(%run_scoped3A : memref<!tpu.dma_semaphore, #tpu.memory_space<semaphore_mem>>) src(%arg7 : memref<1024x64xf32, #tpu.memory_space<vmem>>) dst(%dma_wait3A_52 : memref<1024x64xf32, #tpu.memory_space<hbm>>)
        tpu.yield
      }) : () -> ()
    }
    %scan3A_7 = arith.constant 8 : i32
    return
  }
}

module attributes {stable_mosaic.version = 14 : i64} {
  func.func @_tc_attn_body(%arg0: i32, %arg1: memref<1x136x64xf32, #tpu.memory_space<vmem>>, %arg2: memref<1x136x64xf32, #tpu.memory_space<vmem>>, %arg3: memref<1x136x64xf32, #tpu.memory_space<vmem>>, %arg4: memref<1x136x16xf32, #tpu.memory_space<vmem>>, %arg5: memref<1x136x64xf32, #tpu.memory_space<vmem>>, %arg6: memref<1x136x1xf32, #tpu.memory_space<vmem>>) attributes {dimension_semantics = [#tpu.dimension_semantics<arbitrary>], iteration_bounds = array<i64: 32>, scalar_prefetch = 0 : i64, scratch_operands = 0 : i64, tpu.core_type = #tpu.core_type<tc>, window_params = [{transform_indices = @transform_0, window_bounds = array<i64: 1, 136, 64>}, {transform_indices = @transform_1, window_bounds = array<i64: 1, 136, 64>}, {transform_indices = @transform_2, window_bounds = array<i64: 1, 136, 64>}, {transform_indices = @transform_3, window_bounds = array<i64: 1, 136, 16>}, {transform_indices = @transform_4, window_bounds = array<i64: 1, 136, 64>}, {transform_indices = @transform_5, window_bounds = array<i64: 1, 136, 1>}]} {
    %get3A = arith.constant 0 : index
    %get3A_0 = arith.constant 0 : index
    %get3A_1 = arith.constant 0 : index
    %get3A_2 = vector.load %arg4[%get3A, %get3A_0, %get3A_1] : memref<1x136x16xf32, #tpu.memory_space<vmem>>, vector<1x136x16xf32>
    %get3A_3 = vector.shape_cast %get3A_2 : vector<1x136x16xf32> to vector<136x16xf32>
    %slice3A = vector.extract_strided_slice %get3A_3 {offsets = [0, 0], sizes = [136, 1], strides = [1, 1]} : vector<136x16xf32> to vector<136x1xf32>
    %get3A_4 = arith.constant 0 : index
    %get3A_5 = arith.constant 0 : index
    %get3A_6 = arith.constant 0 : index
    %get3A_7 = vector.load %arg4[%get3A_4, %get3A_5, %get3A_6] : memref<1x136x16xf32, #tpu.memory_space<vmem>>, vector<1x136x16xf32>
    %get3A_8 = vector.shape_cast %get3A_7 : vector<1x136x16xf32> to vector<136x16xf32>
    %slice3A_9 = vector.extract_strided_slice %get3A_8 {offsets = [0, 0], sizes = [136, 1], strides = [1, 1]} : vector<136x16xf32> to vector<136x1xf32>
    %squeeze3A = vector.shape_cast %slice3A_9 : vector<136x1xf32> to vector<136xf32>
    %reshape3A = vector.shape_cast %squeeze3A : vector<136xf32> to vector<1x136xf32>
    %max3A = arith.constant 1.000000e+00 : f32
    %max3A_10 = vector.broadcast %max3A : f32 to vector<136x1xf32>
    %max3A_11 = arith.maximumf %slice3A, %max3A_10 : vector<136x1xf32>
    %div3A = arith.constant 1.000000e+00 : f32
    %div3A_12 = vector.broadcast %div3A : f32 to vector<136x1xf32>
    %div3A_13 = arith.divf %div3A_12, %max3A_11 : vector<136x1xf32>
    %get3A_14 = arith.constant 0 : index
    %get3A_15 = arith.constant 0 : index
    %get3A_16 = arith.constant 0 : index
    %get3A_17 = vector.load %arg1[%get3A_14, %get3A_15, %get3A_16] : memref<1x136x64xf32, #tpu.memory_space<vmem>>, vector<1x136x64xf32>
    %get3A_18 = vector.shape_cast %get3A_17 : vector<1x136x64xf32> to vector<136x64xf32>
    %mul3A = vector.broadcast %div3A_13 : vector<136x1xf32> to vector<136x64xf32>
    %mul3A_19 = arith.mulf %get3A_18, %mul3A : vector<136x64xf32>
    %get3A_20 = arith.constant 0 : index
    %get3A_21 = arith.constant 0 : index
    %get3A_22 = arith.constant 0 : index
    %get3A_23 = vector.load %arg2[%get3A_20, %get3A_21, %get3A_22] : memref<1x136x64xf32, #tpu.memory_space<vmem>>, vector<1x136x64xf32>
    %get3A_24 = vector.shape_cast %get3A_23 : vector<1x136x64xf32> to vector<136x64xf32>
    %mul3A_25 = vector.broadcast %div3A_13 : vector<136x1xf32> to vector<136x64xf32>
    %mul3A_26 = arith.mulf %get3A_24, %mul3A_25 : vector<136x64xf32>
    %get3A_27 = arith.constant 0 : index
    %get3A_28 = arith.constant 0 : index
    %get3A_29 = arith.constant 0 : index
    %get3A_30 = vector.load %arg3[%get3A_27, %get3A_28, %get3A_29] : memref<1x136x64xf32, #tpu.memory_space<vmem>>, vector<1x136x64xf32>
    %get3A_31 = vector.shape_cast %get3A_30 : vector<1x136x64xf32> to vector<136x64xf32>
    %mul3A_32 = vector.broadcast %div3A_13 : vector<136x1xf32> to vector<136x64xf32>
    %mul3A_33 = arith.mulf %get3A_31, %mul3A_32 : vector<136x64xf32>
    %dot_general3A = arith.constant dense<0.000000e+00> : vector<136x136xf32>
    %dot_general3A_34 = tpu.matmul %mul3A_19, %mul3A_26, %dot_general3A {dimension_numbers = #tpu.dot_dimension_numbers<[1], [1], [0], [0], [0, 0, 1, 0], [], []>, transpose_lhs_hint = false} : vector<136x64xf32>, vector<136x64xf32>, vector<136x136xf32> -> vector<136x136xf32>
    %reduce_max3A = arith.constant dense<0xFF800000> : vector<136xf32>
    %reduce_max3A_35 = vector.multi_reduction <maximumf>, %dot_general3A_34, %reduce_max3A [1] : vector<136x136xf32> to vector<136xf32>
    %broadcast_in_dim3A = vector.shape_cast %reduce_max3A_35 : vector<136xf32> to vector<136x1xf32>
    %sub3A = vector.broadcast %broadcast_in_dim3A : vector<136x1xf32> to vector<136x136xf32>
    %sub3A_36 = arith.subf %dot_general3A_34, %sub3A : vector<136x136xf32>
    %exp3A = math.exp %sub3A_36 : vector<136x136xf32>
    %mul3A_37 = vector.broadcast %reshape3A : vector<1x136xf32> to vector<136x136xf32>
    %mul3A_38 = arith.mulf %exp3A, %mul3A_37 : vector<136x136xf32>
    %reduce_sum3A = arith.constant dense<0.000000e+00> : vector<136xf32>
    %reduce_sum3A_39 = vector.multi_reduction <add>, %mul3A_38, %reduce_sum3A [1] : vector<136x136xf32> to vector<136xf32>
    %broadcast_in_dim3A_40 = vector.shape_cast %reduce_sum3A_39 : vector<136xf32> to vector<136x1xf32>
    %div3A_41 = vector.broadcast %broadcast_in_dim3A_40 : vector<136x1xf32> to vector<136x136xf32>
    %div3A_42 = arith.divf %mul3A_38, %div3A_41 : vector<136x136xf32>
    %dot_general3A_43 = arith.constant dense<0.000000e+00> : vector<136x64xf32>
    %dot_general3A_44 = tpu.matmul %div3A_42, %mul3A_33, %dot_general3A_43 {dimension_numbers = #tpu.dot_dimension_numbers<[1], [0], [0], [1], [0, 0, 1, 1], [], []>, transpose_lhs_hint = false} : vector<136x136xf32>, vector<136x64xf32>, vector<136x64xf32> -> vector<136x64xf32>
    %swap3A = arith.constant 0 : index
    %swap3A_45 = arith.constant 0 : index
    %swap3A_46 = arith.constant 0 : index
    %swap3A_47 = vector.load %arg5[%swap3A, %swap3A_45, %swap3A_46] : memref<1x136x64xf32, #tpu.memory_space<vmem>>, vector<1x136x64xf32>
    %swap3A_48 = vector.shape_cast %swap3A_47 : vector<1x136x64xf32> to vector<136x64xf32>
    %swap3A_49 = vector.shape_cast %dot_general3A_44 : vector<136x64xf32> to vector<1x136x64xf32>
    tpu.vector_store %arg5[%swap3A, %swap3A_45, %swap3A_46], %swap3A_49 {strides = array<i32>} : memref<1x136x64xf32, #tpu.memory_space<vmem>>, vector<1x136x64xf32>,
    %slice3A_50 = vector.extract_strided_slice %div3A_42 {offsets = [0, 0], sizes = [136, 1], strides = [1, 1]} : vector<136x136xf32> to vector<136x1xf32>
    %swap3A_51 = arith.constant 0 : index
    %swap3A_52 = arith.constant 0 : index
    %swap3A_53 = arith.constant 0 : index
    %swap3A_54 = vector.load %arg6[%swap3A_51, %swap3A_52, %swap3A_53] : memref<1x136x1xf32, #tpu.memory_space<vmem>>, vector<1x136x1xf32>
    %swap3A_55 = vector.shape_cast %swap3A_54 : vector<1x136x1xf32> to vector<136x1xf32>
    %swap3A_56 = vector.shape_cast %slice3A_50 : vector<136x1xf32> to vector<1x136x1xf32>
    tpu.vector_store %arg6[%swap3A_51, %swap3A_52, %swap3A_53], %swap3A_56 {strides = array<i32>} : memref<1x136x1xf32, #tpu.memory_space<vmem>>, vector<1x136x1xf32>,
    return
  }
  func.func @transform_0(%arg0: i32) -> (i32, i32, i32) {
    %c0_i32 = arith.constant 0 : i32
    %c0_i32_0 = arith.constant 0 : i32
    %c0_i32_1 = arith.constant 0 : i32
    return %arg0, %c0_i32, %c0_i32_0 : i32, i32, i32
  }
  func.func @transform_1(%arg0: i32) -> (i32, i32, i32) {
    %c0_i32 = arith.constant 0 : i32
    %c0_i32_0 = arith.constant 0 : i32
    %c0_i32_1 = arith.constant 0 : i32
    return %arg0, %c0_i32, %c0_i32_0 : i32, i32, i32
  }
  func.func @transform_2(%arg0: i32) -> (i32, i32, i32) {
    %c0_i32 = arith.constant 0 : i32
    %c0_i32_0 = arith.constant 0 : i32
    %c0_i32_1 = arith.constant 0 : i32
    return %arg0, %c0_i32, %c0_i32_0 : i32, i32, i32
  }
  func.func @transform_3(%arg0: i32) -> (i32, i32, i32) {
    %c0_i32 = arith.constant 0 : i32
    %c0_i32_0 = arith.constant 0 : i32
    %c0_i32_1 = arith.constant 0 : i32
    return %arg0, %c0_i32, %c0_i32_0 : i32, i32, i32
  }
  func.func @transform_4(%arg0: i32) -> (i32, i32, i32) {
    %c0_i32 = arith.constant 0 : i32
    %c0_i32_0 = arith.constant 0 : i32
    %c0_i32_1 = arith.constant 0 : i32
    return %arg0, %c0_i32, %c0_i32_0 : i32, i32, i32
  }
  func.func @transform_5(%arg0: i32) -> (i32, i32, i32) {
    %c0_i32 = arith.constant 0 : i32
    %c0_i32_0 = arith.constant 0 : i32
    %c0_i32_1 = arith.constant 0 : i32
    return %arg0, %c0_i32, %c0_i32_0 : i32, i32, i32
  }
}

</mosaic_0001>

<sc_bundles>
// kernel: _run.5.cloned.1.call-start
scs
__scs_entry_jumppad:
0x0: {  	(pc) =	sbr.rel $0x88, $3  }
0x1: {  	(tag) =	ssettag $0x0;
	lr =	simm.s32 $0x1  }
0x2: {  	[smem:$0x3F9D] =	sst lr;
	_ =	strace $0xD0000000  }
0x3: {  	_ = 	snop  }
0x4: {  	_ = 	snop  }
0x5: {  	_ = 	snop  }
0x6: {  	_ = 	snop  }
0x7: {  	_ = 	snop  }
__scs_overlays_trampoline_lowered:
0x8: {  	[smem:$0x3FAC] =	sst s0  }
0x9: {  	[smem:$0x3FAD] =	sst s1  }
0xa: {  	[smem:$0x3FAE] =	sst s2  }
0xb: {  	[smem:$0x3FAF] =	sst s3  }
0xc: {  	[smem:$0x3FB0] =	sst s4  }
0xd: {  	[smem:$0x3FB1] =	sst s5  }
0xe: {  	[smem:$0x3FB2] =	sst s6  }
0xf: {  	[smem:$0x3FB3] =	sst s7  }
0x10: {  	[smem:$0x3FB4] =	sst s8  }
0x11: {  	[smem:$0x3FB5] =	sst s9;
	s0 =	simm.s32 @!p0 $0x0  }
0x12: {  	s1 =	sld [smem:$0x3F9B];
	s0 =	simm.s32 @p0 $0x1  }
0x13: {  	[smem:$0x3FB6] =	sst s0;
	s0 =	simm.s32 @!p1 $0x0  }
0x14: {  	s2 =	sld [smem:$0x3F9A];
	s0 =	simm.s32 @p1 $0x1  }
0x15: {  	[smem:$0x3FB7] =	sst s0;
	s0 =	simm.s32 @!p2 $0x0  }
0x16: {  	s3 =	sld [smem:$0x3FDB];
	s0 =	simm.s32 @p2 $0x1  }
0x17: {  	s4 =	simm.s32 $0x1BF5;
	[smem:$0x3FB9] =	sst s0  }
0x18: {  	s0 =	sld [smem:$0x3F9C];
	_ =	swait.ge [sflag:s4], $0x0  }
0x19: {  	s7 =	sld [smem:$0x3F9D]  }
0x1a: {  	s8 =	sadd.s32 $0xFFFFE003, lr  }
0x1b: {  	s9 =	sadd.s32 $0xFFFFFEF7, lr;
	s5 =	simm.s32 $0xFFFFFFFF;
	p2 =	slt.u32 s8, $0xFFFFF086  }
0x1c: {  	p1 =	slt.u32 s9, $0xF7A;
	s5 =	simm.s32 @!p2 $0x0  }
0x1d: {  	s5 =	simm.s32 @p1 $0x1;
	p0 =	seq.s32 s7, s2  }
0x1e: {  	s7 =	smul.u32 @!p0 $0xF7A, s2;
	p2 =	seq.s32 @!p0 s5, $0x0  }
0x1f: {  	s9 =	smul.u32 $0xF7A, s1;
	s8 =	simm.s32 @!p0 $0x1BF5;
	p2 =	por !p2, p0  }
0x20: {  	[sflag:s8] =	ssyncset.s32 @!p0 $0xFFFFF086;
	s6 =	sadd.s32 @!p0 s3, s7;
	s7 =	simm.s32 @!p0 $0x108  }
0x21: {  	s3 =	sadd.s32 s3, s9;
	s6 =	sadd.s32 @!p0 $0x88, s6;
	s7 =	simm.s32 @p2 $0x1082  }
0x22: {  	[simem:s7], [sflag:s8] =	dma.local @!p0 [hbm:s6], $0xF7A  }
0x23: {  	s9 =	sor.u32 $0xD0000000, s2;
	s6 =	simm.s32 $0x108;
	_ =	swait.ge @!p0 [sflag:s8], $0x0  }
0x24: {  	s3 =	sadd.s32 $0x88, s3;
	s6 =	simm.s32 @!p1 $0x1082;
	[sflag:s4] =	ssyncset.s32 $0xFFFFF086  }
0x25: {  	[simem:s6], [sflag:s4] =	dma.local [hbm:s3], $0xF7A  }
0x26: {  	[smem:$0x3F9D] =	sst s1;
	(tag) =	ssettag s2;
	_ =	strace s9  }
0x27: {  	s1 =	sld [smem:$0x3FAD]  }
0x28: {  	s2 =	sld [smem:$0x3FAE]  }
0x29: {  	s4 =	sld [smem:$0x3FB0]  }
0x2a: {  	p0 =	seq.s32 s5, $0x0;
	s5 =	sld [smem:$0x3FB1]  }
0x2b: {  	s6 =	sld [smem:$0x3FB2]  }
0x2c: {  	s7 =	sld [smem:$0x3FB3]  }
0x2d: {  	s3 =	simm.s32 $0x108;
	s8 =	sld [smem:$0x3FB4]  }
0x2e: {  	s3 =	simm.s32 @!p0 $0x1082;
	s9 =	sld [smem:$0x3FB5]  }
0x2f: {  	lr =	sadd.s32 s0, s3;
	s0 =	sld [smem:$0x3FAC]  }
0x30: {  	s3 =	sld [smem:$0x3FAF]  }
0x31: {  	[smem:$0x3FB8] =	sst s10  }
0x32: {  	s10 =	sld [smem:$0x3FB6];
	_ =	sdelay $0x3  }
0x33: {  	p0 =	seq.s32 s10, $0x1;
	s10 =	sld [smem:$0x3FB8];
	_ =	sdelay $0x3  }
0x34: {  	[smem:$0x3FB8] =	sst s10  }
0x35: {  	s10 =	sld [smem:$0x3FB7];
	_ =	sdelay $0x3  }
0x36: {  	p1 =	seq.s32 s10, $0x1;
	s10 =	sld [smem:$0x3FB8];
	_ =	sdelay $0x3  }
0x37: {  	[smem:$0x3FB8] =	sst s10  }
0x38: {  	s10 =	sld [smem:$0x3FB9]  }
0x39: {  	_ = 	snop;
	(pc) =	sbr.ind lr, $3  }
0x3a: {  	_ = 	snop  }
0x3b: {  	_ = 	snop  }
0x3c: {  	p2 =	seq.s32 s10, $0x1;
	s10 =	sld [smem:$0x3FB8]  }
0x3d: {  	_ =	shalt  }
0x3e: {  	_ =	shalt  }
0x3f: {  	_ =	shalt  }
0x40: {  	_ =	shalt  }
0x41: {  	_ =	shalt  }
0x42: {  	_ =	shalt  }
0x43: {  	_ =	shalt  }
0x44: {  	_ =	shalt  }
0x45: {  	_ =	shalt  }
0x46: {  	_ =	shalt  }
0x47: {  	_ =	shalt  }
0x48: {  	_ =	shalt  }
0x49: {  	_ =	shalt  }
0x4a: {  	_ =	shalt  }
0x4b: {  	_ =	shalt  }
0x4c: {  	_ =	shalt  }
0x4d: {  	_ =	shalt  }
0x4e: {  	_ =	shalt  }
0x4f: {  	_ =	shalt  }
0x50: {  	_ =	shalt  }
0x51: {  	_ =	shalt  }
0x52: {  	_ =	shalt  }
0x53: {  	_ =	shalt  }
0x54: {  	_ =	shalt  }
0x55: {  	_ =	shalt  }
0x56: {  	_ =	shalt  }
0x57: {  	_ =	shalt  }
0x58: {  	_ =	shalt  }
0x59: {  	_ =	shalt  }
0x5a: {  	_ =	shalt  }
0x5b: {  	_ =	shalt  }
0x5c: {  	_ =	shalt  }
0x5d: {  	_ =	shalt  }
0x5e: {  	_ =	shalt  }
0x5f: {  	_ =	shalt  }
0x60: {  	_ =	shalt  }
0x61: {  	_ =	shalt  }
0x62: {  	_ =	shalt  }
0x63: {  	_ =	shalt  }
0x64: {  	_ =	shalt  }
0x65: {  	_ =	shalt  }
0x66: {  	_ =	shalt  }
0x67: {  	_ =	shalt  }
0x68: {  	_ =	shalt  }
0x69: {  	_ =	shalt  }
0x6a: {  	_ =	shalt  }
0x6b: {  	_ =	shalt  }
0x6c: {  	_ =	shalt  }
0x6d: {  	_ =	shalt  }
0x6e: {  	_ =	shalt  }
0x6f: {  	_ =	shalt  }
0x70: {  	_ =	shalt  }
0x71: {  	_ =	shalt  }
0x72: {  	_ =	shalt  }
0x73: {  	_ =	shalt  }
0x74: {  	_ =	shalt  }
0x75: {  	_ =	shalt  }
0x76: {  	_ =	shalt  }
0x77: {  	_ =	shalt  }
0x78: {  	_ =	shalt  }
0x79: {  	_ =	shalt  }
0x7a: {  	_ =	shalt  }
0x7b: {  	_ =	shalt  }
0x7c: {  	_ =	shalt  }
0x7d: {  	_ =	shalt  }
0x7e: {  	_ =	shalt  }
0x7f: {  	_ =	shalt  }
0x80: {  	_ =	shalt  }
0x81: {  	_ =	shalt  }
0x82: {  	_ =	shalt  }
0x83: {  	_ =	shalt  }
0x84: {  	_ =	shalt  }
0x85: {  	_ =	shalt  }
0x86: {  	_ =	shalt  }
0x87: {  	_ =	shalt  }
.Lfunc_end0:
.L_simem_size_0:
called_computation.1_lowered:
.L_overlay_start_0:
0x88: {  	s2 =	sld [smem:$0x3FD9]  }
0x89: {  	s3 =	sld [smem:$0x3FFE];
	_ =	sdelay $0x1  }
0x8a: {  	s1 =	srdreg.scid  }
0x8b: {  	s0 =	sand.u32 $0x1, s1  }
0x8c: {  	s14 =	sshll.u32 s0, $0xA;
	s2 =	sadd.s32 s3, s2  }
0x8d: {  	s2 =	sadd.s32 s2, s14  }
0x8e: {  	[smem:$0x3FC4] =	sst s2  }
0x8f: {  	_ = 	snop  }
0x90: {  	s2 =	sld [smem:$0x3FD0];
	_ =	sdelay $0x2  }
0x91: {  	s15 =	simm.s32 $0xA;
	s4 =	simm.s32 $0x10  }
0x92: {  	[smem:s4], [sflag:s15] =	dma.local [hbm:s2], $0x1  }
0x93: {  	_ =	swait.eq [sflag:s15], $0x1  }
0x94: {  	[sflag:s15] =	ssyncset.done $0x0  }
0x95: {  	s16 =	sld [smem:$0x10];
	[sflag:s15] =	ssyncadd.s32 $0xFFFFFFFF  }
0x96: {  	s17 =	sld [smem:$0x11];
	(tm) =	ssettm $0x1  }
0x97: {  	s18 =	sld [smem:$0x3FFB];
	_ =	sdelay $0x3  }
0x98: {  	_ =	strace s18  }
0x99: {  	s4 =	sld [smem:$0x3FFC];
	_ =	sdelay $0x3  }
0x9a: {  	_ =	strace s4  }
0x9b: {  	s4 =	sld [smem:$0x3FFD];
	_ =	sdelay $0x3  }
0x9c: {  	_ =	strace s4  }
0x9d: {  	_ =	strace $0x8FFFFFFF  }
0x9e: {  	s19 =	sld [smem:$0x3FDB];
	_ =	sdelay $0x1  }
0x9f: {  	s5 =	simm.s32 $_scs_section_size  }
0xa0: {  	s6 =	simm.s32 $_size__tile_overlayer_lowered;
	s7 =	simm.s32 $_tile_overlayer_lowered  }
0xa1: {  	s22 =	simm.s32 $0x1BFF;
	s21 =	sshll.u32 s7, $0x1;
	s4 =	sadd.s32 s5, s19  }
0xa2: {  	s8 =	simm.s32 $0x0;
	s20 =	sshll.u32 s6, $0x1;
	s6 =	sadd.s32 s21, s4  }
0xa3: {  	[timem:s8], [sflag:s22] =	dma.local [hbm:s6], s20  }
0xa4: {  	_ =	swait.ge [sflag:s22], s20  }
0xa5: {  	s5 =	ssub.s32 $0x0, s20;
	[sflag:s22] =	ssyncset.done $0x0  }
0xa6: {  	[sflag:s22] =	ssyncadd.s32 s5;
	_ =	sdelay $0x1  }
0xa7: {  	s23 =	simm.s32 $0x1B8B  }
0xa8: {  	_ =	swait.ge [sflag:s23], $0x1  }
0xa9: {  	[sflag:s23] =	ssyncset.done $0x0  }
0xaa: {  	s25 =	simm.s32 $0x1B8E;
	s24 =	sld [smem:$0x3FFE];
	[sflag:s23] =	ssyncadd.s32 $0xFFFFFFFF  }
0xab: {  	s26 =	simm.s32 $execute0_lowered;
	[smem:$0x3FD2] =	sst s25  }
0xac: {  	s6 =	sshll.u32 s26, $0x1;
	_ =	strace $0x80000046;
	[dreg:$0x1] =	wrdreg $0xFFFFFFFF  }
0xad: {  	s28 =	simm.s32 $_size_execute0_lowered;
	s4 =	sadd.s32 s4, s6;
	[dreg:$0x0] =	wrdreg $0x0  }
0xae: {  	s6 =	sshll.u32 s28, $0x1;
	[dreg:$0x2] =	wrdreg s4  }
0xaf: {  	[dreg:$0x3] =	wrdreg s6  }
0xb0: {  	[dreg:$0x4] =	wrdreg $0xC0  }
0xb1: {  	_ =	task [dreg:s8], $0x5FFFF  }
0xb2: {  	[dreg:$0x1] =	wrdreg $0xFFFFFFFF  }
0xb3: {  	[dreg:$0x0] =	wrdreg $0x60  }
0xb4: {  	[dreg:$0x2] =	wrdreg s16  }
0xb5: {  	[dreg:$0x3] =	wrdreg s24  }
0xb6: {  	[dreg:$0x4] =	wrdreg s17  }
0xb7: {  	[dreg:$0x5] =	wrdreg $0x0  }
0xb8: {  	[dreg:$0x6] =	wrdreg $0x22000  }
0xb9: {  	[dreg:$0x7] =	wrdreg $0x44000  }
0xba: {  	[dreg:$0x8] =	wrdreg $0x66000  }
0xbb: {  	[dreg:$0x9] =	wrdreg $0x9  }
0xbc: {  	_ =	task.clear_ibuf [dreg:s8], $0xAFFFF;
	_ =	strace $0x90000046  }
0xbd: {  	s29 =	simm.s32 $0x9;
	_ =	strace $0x80000048  }
0xbe: {  	_ =	swait.ge [sflag:s29], $0x1  }
0xbf: {  	[sflag:s29] =	ssyncadd.s32 $0xFFFFFFFF  }
0xc0: {  	_ =	strace $0x90000048  }
0xc1: {  	_ =	sfence  }
0xc2: {  	s30 =	sld [smem:$0x0];
	_ =	sdelay $0x2  }
0xc3: {  	s31 =	sshll.u32 s1, $0xD;
	s1 =	sshrl.u32 s1, $0x2  }
0xc4: {  	s3 =	sand.u32 $0x4000, s31;
	s1 =	sadd.s32 s1, s30  }
0xc5: {  	s0 =	sor.u32 s3, s0;
	s1 =	sshll.u32 s1, $0x11  }
0xc6: {  	s0 =	sor.u32 s1, s0  }
0xc7: {  	s0 =	sadd.s32 $0x8F2B, s0  }
0xc8: {  	[sflag:s0] =	ssyncadd.remote.s32 $0x1  }
0xc9: {  	_ =	sfence.sel $0xFFFF  }
0xca: {  	[dreg:$0x0] =	wrdreg $0xFFFFFFFF;
	(pc) =	sbr.abs _section_cstart, $3  }
0xcb: {  	[dreg:$0x1] =	wrdreg $0xFFFFFFFF  }
0xcc: {  	_ =	task.clear_ibuf [dreg:s8], $0x2FFFF;
	_ =	strace $0x9FFFFFFF  }
0xcd: {  	(tm) =	ssettm $0x7FFFFFFF  }
tec
execute0_lowered:
.L_overlay_start_1:
0x0: {  	(tag) =	ssettag $0x1  }
0x1: {  	s0 =	rddreg [dreg:$0x0]  }
0x2: {  	s1 =	rddreg [dreg:$0x1]  }
0x3: {  	s2 =	rddreg [dreg:$0x3]  }
0x4: {  	s3 =	rddreg [dreg:$0x4]  }
0x5: {  	s5 =	rddreg [dreg:$0x5]  }
0x6: {  	s6 =	rddreg [dreg:$0x6];
	s8 =	simm.s32 $0x0  }
0x7: {  	s7 =	stileid.u32;
	s4 =	srdreg.scid;
	s28 =	simm.s32 $0x8E80  }
0x8: {  	s29 =	simm.s32 $0x80;
	s30 =	simm.s32 $0xAE80;
	s31 =	simm.s32 $0xCE80  }
0x9: {  	[smem:$0x7FF] =	sst s8;
	s4 =	sand.u32 $0x1, s4;
	s23 =	sshll.u32 s7, $0x1  }
0xa: {  	s9 =	sshll.u32 s7, $0x11;
	s14 =	sadd.s32 $0x9C00, s1;
	s15 =	smul.u32 $0x2200, s7  }
0xb: {  	s7 =	sshll.u32 s7, $0x6;
	_ =	strace $0x80000047;
	s10 =	sor.u32 s4, s23  }
0xc: {  	s12 =	sadd.s32 s9, s1;
	[dreg:$0x8] =	wrdreg s14;
	s24 =	ssub.s32 $0x2, s4  }
0xd: {  	s0 =	sadd.s32 s9, s0;
	s9 =	simm.s32 $0x16E80;
	s11 =	smul.u32 $0x440, s10  }
0xe: {  	s8 =	sshll.u32 s10, $0xA;
	s10 =	smul.u32 $0x110, s10;
	s26 =	sadd.s32 s15, s2  }
0xf: {  	s25 =	sshrl.u32 s24, $0x1;
	s14 =	sadd.s32 s15, s3;
	[dreg:$0x9] =	wrdreg s26  }
0x10: {  	s17 =	sshrl.u32 s15, $0x2;
	s18 =	sadd.s32 s15, s5;
	[dreg:$0xa] =	wrdreg s14  }
0x11: {  	s13 =	sadd.s32 s8, s1;
	s8 =	sadd.s32 $0x9600, s1;
	[dreg:$0xb] =	wrdreg s18  }
0x12: {  	s19 =	sadd.s32 s17, s6;
	s16 =	sadd.s32 s11, s1;
	s1 =	sadd.s32 s10, s1  }
0x13: {  	s10 =	ssub.s32 s24, s25;
	[dreg:$0xc] =	wrdreg s19;
	s20 =	sadd.s32 $0x1600, s13  }
0x14: {  	s11 =	sor.u32 $0x1C01, s7;
	[dreg:$0xd] =	wrdreg s20;
	s21 =	sadd.s32 $0x9E00, s16  }
0x15: {  	s24 =	sshll.u32 s4, $0x10;
	s22 =	sadd.s32 $0x12600, s16;
	[dreg:$0xe] =	wrdreg s21  }
0x16: {  	s4 =	simm.s32 $0x10E80;
	s23 =	sadd.s32 $0x1AE00, s16;
	[dreg:$0xf] =	wrdreg s22  }
0x17: {  	s1 =	sadd.s32 $0x23600, s1;
	s25 =	smax.u32 s10, $0x1;
	[dreg:$0x10] =	wrdreg s23  }
0x18: {  	s26 =	sadd.s32 s24, s12;
	s10 =	simm.s32 $0x0;
	[dreg:$0x11] =	wrdreg s1  }
0x19: {  	[dreg:$0x12] =	wrdreg s25;
	s21 =	sadd.s32 s24, s0;
	s22 =	sadd.s32 $0x401600, s26  }
0x1a: {  	s18 =	sadd.s32 $0x601600, s26;
	s24 =	simm.s32 $0x1;
	s25 =	simm.s32 $0x18E80  }
0x1b: {  	s0 =	simm.s32 $0xEE80;
	s1 =	simm.s32 $0x12E80;
	s26 =	simm.s32 $0x14E80  }
.LBB2_1:
0x1c: {  	s7 =	rddreg [dreg:$0x9]  }
0x1d: {  	s12 =	sshrl.u32 s7, $0x3  }
0x1e: {  	[spmem:s12], [sflag:s11] =	dma.local [hbm:s8], $0x440  }
0x1f: {  	_ =	swait.ge [sflag:s24], $0x440  }
0x20: {  	[sflag:s24] =	ssyncset.done $0x0;
	s15 =	rddreg [dreg:$0xa]  }
0x21: {  	[sflag:s24] =	ssyncadd.s32 $0xFFFFFBC0;
	s13 =	sshrl.u32 s15, $0x3  }
0x22: {  	[spmem:s13], [sflag:s11] =	dma.local [hbm:s8], $0x440  }
0x23: {  	_ =	swait.ge [sflag:s24], $0x440  }
0x24: {  	[sflag:s24] =	ssyncset.done $0x0;
	s16 =	rddreg [dreg:$0xb]  }
0x25: {  	[sflag:s24] =	ssyncadd.s32 $0xFFFFFBC0;
	s14 =	sshrl.u32 s16, $0x3  }
0x26: {  	[spmem:s14], [sflag:s11] =	dma.local [hbm:s8], $0x440  }
0x27: {  	_ =	swait.ge [sflag:s24], $0x440  }
0x28: {  	[sflag:s24] =	ssyncset.done $0x0  }
0x29: {  	s17 =	rddreg [dreg:$0xc];
	[sflag:s24] =	ssyncadd.s32 $0xFFFFFBC0  }
0x2a: {  	s15 =	sshrl.u32 s17, $0x3;
	s19 =	rddreg [dreg:$0x2]  }
0x2b: {  	[spmem:s15], [sflag:s11] =	dma.local [hbm:s19], $0x110  }
0x2c: {  	_ =	swait.ge [sflag:s24], $0x110  }
0x2d: {  	[sflag:s24] =	ssyncset.done $0x0  }
0x2e: {  	s20 =	simm.s32 $0x0;
	s16 =	rddreg [dreg:$0x8];
	[sflag:s24] =	ssyncadd.s32 $0xFFFFFEF0  }
0x2f: {  	[tilespmem:s25], [sflag:$0x1] =	stream.linear.gather [hbm4b:s16+s20], $0x800, $0x38;
	[tilespmem:$0x19680] =	vst v63  }
0x30: {  	_ =	swait.ge [sflag:s24], $0x800  }
0x31: {  	[sflag:s24] =	ssyncset.done $0x0  }
0x32: {  	s17 =	simm.s32 $0x6E80;
	s23 =	rddreg [dreg:$0xd];
	[sflag:s24] =	ssyncadd.s32 $0xFFFFF800  }
0x33: {  	[tilespmem:s17], [sflag:$0x1] =	stream.linear.gather [hbm4b:s23+s20], $0x2000, $0x38;
	[tilespmem:$0x19680] =	vst v63  }
0x34: {  	_ =	swait.ge [sflag:s24], $0x2000  }
0x35: {  	[sflag:s24] =	ssyncset.done $0x0  }
0x36: {  	[sflag:s24] =	ssyncadd.s32 $0xFFFFE000  }
0x37: {  	[tilespmem:s28], [sflag:$0x1] =	stream.linear.gather [hbm4b:s21+s20], $0x10000, $0x38;
	[tilespmem:$0x19680] =	vst v63  }
0x38: {  	_ =	swait.ge [sflag:s24], $0x10000  }
0x39: {  	[sflag:s24] =	ssyncset.done $0x0  }
0x3a: {  	s19 =	simm.s32 $0x6E80;
	[sflag:s24] =	ssyncadd.s32 $0xFFFF0000  }
0x3b: {  	[spmem:s2] =	stream.indirect.scatter.add.f32 [tilespmem:s28], [sflag:$0x1], $0x40, s19, s29, $0xb8;
	[tilespmem:$0x19680] =	vst v63  }
0x3c: {  	_ =	swait.ge [sflag:s24], $0x2000  }
0x3d: {  	[sflag:s24] =	ssyncset.done $0x0  }
0x3e: {  	s20 =	simm.s32 $0x6F00;
	[sflag:s24] =	ssyncadd.s32 $0xFFFFE000  }
0x3f: {  	[spmem:s2] =	stream.indirect.scatter.add.f32 [tilespmem:s30], [sflag:$0x1], $0x40, s20, s29, $0xb8;
	[tilespmem:$0x19680] =	vst v63  }
0x40: {  	_ =	swait.ge [sflag:s24], $0x2000  }
0x41: {  	[sflag:s24] =	ssyncset.done $0x0  }
0x42: {  	s23 =	simm.s32 $0x6F80;
	[sflag:s24] =	ssyncadd.s32 $0xFFFFE000  }
0x43: {  	[spmem:s2] =	stream.indirect.scatter.add.f32 [tilespmem:s31], [sflag:$0x1], $0x40, s23, s29, $0xb8;
	[tilespmem:$0x19680] =	vst v63  }
0x44: {  	_ =	swait.ge [sflag:s24], $0x2000  }
0x45: {  	[sflag:s24] =	ssyncset.done $0x0  }
0x46: {  	s7 =	simm.s32 $0x7000;
	[sflag:s24] =	ssyncadd.s32 $0xFFFFE000  }
0x47: {  	[spmem:s2] =	stream.indirect.scatter.add.f32 [tilespmem:s0], [sflag:$0x1], $0x40, s7, s29, $0xb8;
	[tilespmem:$0x19680] =	vst v63  }
0x48: {  	_ =	swait.ge [sflag:s24], $0x2000  }
0x49: {  	[sflag:s24] =	ssyncset.done $0x0  }
0x4a: {  	s17 =	simm.s32 $0x7080;
	[sflag:s24] =	ssyncadd.s32 $0xFFFFE000  }
0x4b: {  	[spmem:s2] =	stream.indirect.scatter.add.f32 [tilespmem:s4], [sflag:$0x1], $0x40, s17, s29, $0xb8;
	[tilespmem:$0x19680] =	vst v63  }
0x4c: {  	_ =	swait.ge [sflag:s24], $0x2000  }
0x4d: {  	[sflag:s24] =	ssyncset.done $0x0  }
0x4e: {  	s19 =	simm.s32 $0x7100;
	[sflag:s24] =	ssyncadd.s32 $0xFFFFE000  }
0x4f: {  	[spmem:s2] =	stream.indirect.scatter.add.f32 [tilespmem:s1], [sflag:$0x1], $0x40, s19, s29, $0xb8;
	[tilespmem:$0x19680] =	vst v63  }
0x50: {  	_ =	swait.ge [sflag:s24], $0x2000  }
0x51: {  	[sflag:s24] =	ssyncset.done $0x0  }
0x52: {  	s20 =	simm.s32 $0x7180;
	[sflag:s24] =	ssyncadd.s32 $0xFFFFE000  }
0x53: {  	[spmem:s2] =	stream.indirect.scatter.add.f32 [tilespmem:s26], [sflag:$0x1], $0x40, s20, s29, $0xb8;
	[tilespmem:$0x19680] =	vst v63  }
0x54: {  	_ =	swait.ge [sflag:s24], $0x2000  }
0x55: {  	[sflag:s24] =	ssyncset.done $0x0  }
0x56: {  	s23 =	simm.s32 $0x7200;
	[sflag:s24] =	ssyncadd.s32 $0xFFFFE000  }
0x57: {  	[spmem:s2] =	stream.indirect.scatter.add.f32 [tilespmem:s9], [sflag:$0x1], $0x40, s23, s29, $0xb8;
	[tilespmem:$0x19680] =	vst v63  }
0x58: {  	s16 =	simm.s32 $0x1000;
	_ =	swait.ge [sflag:s24], $0x2000  }
0x59: {  	s19 =	simm.s32 $0x2000;
	s23 =	smov.u32 s21;
	[sflag:s24] =	ssyncset.done $0x0  }
.LBB2_2:
0x5a: {  	s17 =	simm.s32 $0x0  }
0x5b: {  	[sflag:s24] =	ssyncadd.s32 $0xFFFFE000;
	s23 =	sadd.s32 $0x2000, s23;
	s7 =	smov.u32 s19  }
0x5c: {  	[tilespmem:s28], [sflag:$0x1] =	stream.linear.gather [hbm4b:s23+s17], $0x10000, $0x38;
	[tilespmem:$0x19680] =	vst v63  }
0x5d: {  	p0 =	sne.s32 s19, $0x7000;
	s19 =	sadd.s32 $0x1000, s19;
	_ =	swait.ge [sflag:s24], $0x10000  }
0x5e: {  	s20 =	sshra.s32 s16, $0x2;
	s16 =	smov.u32 s7;
	[sflag:s24] =	ssyncset.done $0x0  }
0x5f: {  	s7 =	sadd.s32 $0x6E80, s20;
	[sflag:s24] =	ssyncadd.s32 $0xFFFF0000  }
0x60: {  	[spmem:s2] =	stream.indirect.scatter.add.f32 [tilespmem:s28], [sflag:$0x1], $0x40, s7, s29, $0xb8;
	[tilespmem:$0x19680] =	vst v63  }
0x61: {  	_ =	swait.ge [sflag:s24], $0x2000  }
0x62: {  	[sflag:s24] =	ssyncset.done $0x0  }
0x63: {  	s7 =	sadd.s32 $0x6F00, s20;
	[sflag:s24] =	ssyncadd.s32 $0xFFFFE000  }
0x64: {  	[spmem:s2] =	stream.indirect.scatter.add.f32 [tilespmem:s30], [sflag:$0x1], $0x40, s7, s29, $0xb8;
	[tilespmem:$0x19680] =	vst v63  }
0x65: {  	_ =	swait.ge [sflag:s24], $0x2000  }
0x66: {  	[sflag:s24] =	ssyncset.done $0x0  }
0x67: {  	s7 =	sadd.s32 $0x6F80, s20;
	[sflag:s24] =	ssyncadd.s32 $0xFFFFE000  }
0x68: {  	[spmem:s2] =	stream.indirect.scatter.add.f32 [tilespmem:s31], [sflag:$0x1], $0x40, s7, s29, $0xb8;
	[tilespmem:$0x19680] =	vst v63  }
0x69: {  	_ =	swait.ge [sflag:s24], $0x2000  }
0x6a: {  	[sflag:s24] =	ssyncset.done $0x0  }
0x6b: {  	s7 =	sadd.s32 $0x7000, s20;
	[sflag:s24] =	ssyncadd.s32 $0xFFFFE000  }
0x6c: {  	[spmem:s2] =	stream.indirect.scatter.add.f32 [tilespmem:s0], [sflag:$0x1], $0x40, s7, s29, $0xb8;
	[tilespmem:$0x19680] =	vst v63  }
0x6d: {  	_ =	swait.ge [sflag:s24], $0x2000  }
0x6e: {  	[sflag:s24] =	ssyncset.done $0x0  }
0x6f: {  	s7 =	sadd.s32 $0x7080, s20;
	[sflag:s24] =	ssyncadd.s32 $0xFFFFE000  }
0x70: {  	[spmem:s2] =	stream.indirect.scatter.add.f32 [tilespmem:s4], [sflag:$0x1], $0x40, s7, s29, $0xb8;
	[tilespmem:$0x19680] =	vst v63  }
0x71: {  	_ =	swait.ge [sflag:s24], $0x2000  }
0x72: {  	[sflag:s24] =	ssyncset.done $0x0  }
0x73: {  	s7 =	sadd.s32 $0x7100, s20;
	[sflag:s24] =	ssyncadd.s32 $0xFFFFE000  }
0x74: {  	[spmem:s2] =	stream.indirect.scatter.add.f32 [tilespmem:s1], [sflag:$0x1], $0x40, s7, s29, $0xb8;
	[tilespmem:$0x19680] =	vst v63  }
0x75: {  	_ =	swait.ge [sflag:s24], $0x2000  }
0x76: {  	[sflag:s24] =	ssyncset.done $0x0  }
0x77: {  	s7 =	sadd.s32 $0x7180, s20;
	[sflag:s24] =	ssyncadd.s32 $0xFFFFE000  }
0x78: {  	[spmem:s2] =	stream.indirect.scatter.add.f32 [tilespmem:s26], [sflag:$0x1], $0x40, s7, s29, $0xb8;
	[tilespmem:$0x19680] =	vst v63  }
0x79: {  	_ =	swait.ge [sflag:s24], $0x2000  }
.Ltmp0:
0x7a: {  	[sflag:s24] =	ssyncset.done $0x0;
	(pc) =	sbr.rel @p0 .LBB2_2-.Ltmp0, $4  }
0x7b: {  	s7 =	sadd.s32 $0x7200, s20;
	[sflag:s24] =	ssyncadd.s32 $0xFFFFE000  }
0x7c: {  	[spmem:s2] =	stream.indirect.scatter.add.f32 [tilespmem:s9], [sflag:$0x1], $0x40, s7, s29, $0xb8;
	[tilespmem:$0x19680] =	vst v63  }
0x7d: {  	_ =	swait.ge [sflag:s24], $0x2000  }
0x7e: {  	[sflag:s24] =	ssyncset.done $0x0  }
0x7f: {  	[sflag:s24] =	ssyncadd.s32 $0xFFFFE000;
	s7 =	sadd.s32 $0x2000, s23  }
0x80: {  	[tilespmem:s28], [sflag:$0x1] =	stream.linear.gather [hbm4b:s7+s17], $0x10000, $0x38;
	[tilespmem:$0x19680] =	vst v63  }
0x81: {  	_ =	swait.ge [sflag:s24], $0x10000  }
0x82: {  	s7 =	sshra.s32 s16, $0x2;
	[sflag:s24] =	ssyncset.done $0x0  }
0x83: {  	s16 =	sadd.s32 $0x6E80, s7;
	[sflag:s24] =	ssyncadd.s32 $0xFFFF0000  }
0x84: {  	[spmem:s2] =	stream.indirect.scatter.add.f32 [tilespmem:s28], [sflag:$0x1], $0x40, s16, s29, $0xb8;
	[tilespmem:$0x19680] =	vst v63  }
0x85: {  	_ =	swait.ge [sflag:s24], $0x2000  }
0x86: {  	[sflag:s24] =	ssyncset.done $0x0  }
0x87: {  	s19 =	sadd.s32 $0x6F00, s7;
	[sflag:s24] =	ssyncadd.s32 $0xFFFFE000  }
0x88: {  	[spmem:s2] =	stream.indirect.scatter.add.f32 [tilespmem:s30], [sflag:$0x1], $0x40, s19, s29, $0xb8;
	[tilespmem:$0x19680] =	vst v63  }
0x89: {  	_ =	swait.ge [sflag:s24], $0x2000  }
0x8a: {  	[sflag:s24] =	ssyncset.done $0x0  }
0x8b: {  	s20 =	sadd.s32 $0x6F80, s7;
	[sflag:s24] =	ssyncadd.s32 $0xFFFFE000  }
0x8c: {  	[spmem:s2] =	stream.indirect.scatter.add.f32 [tilespmem:s31], [sflag:$0x1], $0x40, s20, s29, $0xb8;
	[tilespmem:$0x19680] =	vst v63  }
0x8d: {  	_ =	swait.ge [sflag:s24], $0x2000  }
0x8e: {  	[sflag:s24] =	ssyncset.done $0x0  }
0x8f: {  	s23 =	sadd.s32 $0x7000, s7;
	[sflag:s24] =	ssyncadd.s32 $0xFFFFE000  }
0x90: {  	[spmem:s2] =	stream.indirect.scatter.add.f32 [tilespmem:s0], [sflag:$0x1], $0x40, s23, s29, $0xb8;
	[tilespmem:$0x19680] =	vst v63  }
0x91: {  	_ =	swait.ge [sflag:s24], $0x2000  }
0x92: {  	[sflag:s24] =	ssyncset.done $0x0  }
0x93: {  	s19 =	sadd.s32 $0x7080, s7;
	[sflag:s24] =	ssyncadd.s32 $0xFFFFE000  }
0x94: {  	[spmem:s2] =	stream.indirect.scatter.add.f32 [tilespmem:s4], [sflag:$0x1], $0x40, s19, s29, $0xb8;
	[tilespmem:$0x19680] =	vst v63  }
0x95: {  	_ =	swait.ge [sflag:s24], $0x2000  }
0x96: {  	[sflag:s24] =	ssyncset.done $0x0  }
0x97: {  	s20 =	sadd.s32 $0x7100, s7;
	[sflag:s24] =	ssyncadd.s32 $0xFFFFE000  }
0x98: {  	[spmem:s2] =	stream.indirect.scatter.add.f32 [tilespmem:s1], [sflag:$0x1], $0x40, s20, s29, $0xb8;
	[tilespmem:$0x19680] =	vst v63  }
0x99: {  	_ =	swait.ge [sflag:s24], $0x2000  }
0x9a: {  	[sflag:s24] =	ssyncset.done $0x0  }
0x9b: {  	s23 =	sadd.s32 $0x7180, s7;
	[sflag:s24] =	ssyncadd.s32 $0xFFFFE000  }
0x9c: {  	[spmem:s2] =	stream.indirect.scatter.add.f32 [tilespmem:s26], [sflag:$0x1], $0x40, s23, s29, $0xb8;
	[tilespmem:$0x19680] =	vst v63  }
0x9d: {  	_ =	swait.ge [sflag:s24], $0x2000  }
0x9e: {  	[sflag:s24] =	ssyncset.done $0x0  }
0x9f: {  	s7 =	sadd.s32 $0x7200, s7;
	[sflag:s24] =	ssyncadd.s32 $0xFFFFE000  }
0xa0: {  	[spmem:s2] =	stream.indirect.scatter.add.f32 [tilespmem:s9], [sflag:$0x1], $0x40, s7, s29, $0xb8;
	[tilespmem:$0x19680] =	vst v63  }
0xa1: {  	_ =	swait.ge [sflag:s24], $0x2000  }
0xa2: {  	[sflag:s24] =	ssyncset.done $0x0  }
0xa3: {  	[sflag:s24] =	ssyncadd.s32 $0xFFFFE000  }
0xa4: {  	[tilespmem:s28], [sflag:$0x1] =	stream.linear.gather [hbm4b:s22+s17], $0x10000, $0x38;
	[tilespmem:$0x19680] =	vst v63  }
0xa5: {  	_ =	swait.ge [sflag:s24], $0x10000  }
0xa6: {  	[sflag:s24] =	ssyncset.done $0x0  }
0xa7: {  	s16 =	simm.s32 $0x6E80;
	[sflag:s24] =	ssyncadd.s32 $0xFFFF0000  }
0xa8: {  	[spmem:s3] =	stream.indirect.scatter.add.f32 [tilespmem:s28], [sflag:$0x1], $0x40, s16, s29, $0xb8;
	[tilespmem:$0x19680] =	vst v63  }
0xa9: {  	_ =	swait.ge [sflag:s24], $0x2000  }
0xaa: {  	[sflag:s24] =	ssyncset.done $0x0  }
0xab: {  	s19 =	simm.s32 $0x6F00;
	[sflag:s24] =	ssyncadd.s32 $0xFFFFE000  }
0xac: {  	[spmem:s3] =	stream.indirect.scatter.add.f32 [tilespmem:s30], [sflag:$0x1], $0x40, s19, s29, $0xb8;
	[tilespmem:$0x19680] =	vst v63  }
0xad: {  	_ =	swait.ge [sflag:s24], $0x2000  }
0xae: {  	[sflag:s24] =	ssyncset.done $0x0  }
0xaf: {  	s20 =	simm.s32 $0x6F80;
	[sflag:s24] =	ssyncadd.s32 $0xFFFFE000  }
0xb0: {  	[spmem:s3] =	stream.indirect.scatter.add.f32 [tilespmem:s31], [sflag:$0x1], $0x40, s20, s29, $0xb8;
	[tilespmem:$0x19680] =	vst v63  }
0xb1: {  	_ =	swait.ge [sflag:s24], $0x2000  }
0xb2: {  	[sflag:s24] =	ssyncset.done $0x0  }
0xb3: {  	s23 =	simm.s32 $0x7000;
	[sflag:s24] =	ssyncadd.s32 $0xFFFFE000  }
0xb4: {  	[spmem:s3] =	stream.indirect.scatter.add.f32 [tilespmem:s0], [sflag:$0x1], $0x40, s23, s29, $0xb8;
	[tilespmem:$0x19680] =	vst v63  }
0xb5: {  	_ =	swait.ge [sflag:s24], $0x2000  }
0xb6: {  	[sflag:s24] =	ssyncset.done $0x0  }
0xb7: {  	s16 =	simm.s32 $0x7080;
	[sflag:s24] =	ssyncadd.s32 $0xFFFFE000  }
0xb8: {  	[spmem:s3] =	stream.indirect.scatter.add.f32 [tilespmem:s4], [sflag:$0x1], $0x40, s16, s29, $0xb8;
	[tilespmem:$0x19680] =	vst v63  }
0xb9: {  	_ =	swait.ge [sflag:s24], $0x2000  }
0xba: {  	[sflag:s24] =	ssyncset.done $0x0  }
0xbb: {  	s19 =	simm.s32 $0x7100;
	[sflag:s24] =	ssyncadd.s32 $0xFFFFE000  }
0xbc: {  	[spmem:s3] =	stream.indirect.scatter.add.f32 [tilespmem:s1], [sflag:$0x1], $0x40, s19, s29, $0xb8;
	[tilespmem:$0x19680] =	vst v63  }
0xbd: {  	_ =	swait.ge [sflag:s24], $0x2000  }
0xbe: {  	[sflag:s24] =	ssyncset.done $0x0  }
0xbf: {  	s20 =	simm.s32 $0x7180;
	[sflag:s24] =	ssyncadd.s32 $0xFFFFE000  }
0xc0: {  	[spmem:s3] =	stream.indirect.scatter.add.f32 [tilespmem:s26], [sflag:$0x1], $0x40, s20, s29, $0xb8;
	[tilespmem:$0x19680] =	vst v63  }
0xc1: {  	p1 =	por $0x1, $0x1;
	_ =	swait.ge [sflag:s24], $0x2000  }
.Ltmp1:
0xc2: {  	[sflag:s24] =	ssyncset.done $0x0;
	(pc) =	sbr.rel @!p1 .LBB2_5-.Ltmp1, $4  }
0xc3: {  	s23 =	simm.s32 $0x7200;
	[sflag:s24] =	ssyncadd.s32 $0xFFFFE000  }
0xc4: {  	[spmem:s3] =	stream.indirect.scatter.add.f32 [tilespmem:s9], [sflag:$0x1], $0x40, s23, s29, $0xb8;
	[tilespmem:$0x19680] =	vst v63  }
0xc5: {  	_ =	swait.ge [sflag:s24], $0x2000  }
0xc6: {  	s16 =	simm.s32 $0x1000;
	s19 =	smov.u32 s22;
	[sflag:s24] =	ssyncset.done $0x0  }
.LBB2_4:
0xc7: {  	p0 =	sne.s32 s16, $0x7000;
	[sflag:s24] =	ssyncadd.s32 $0xFFFFE000;
	s19 =	sadd.s32 $0x2000, s19  }
0xc8: {  	[tilespmem:s28], [sflag:$0x1] =	stream.linear.gather [hbm4b:s19+s17], $0x10000, $0x38;
	[tilespmem:$0x19680] =	vst v63  }
0xc9: {  	s7 =	smov.u32 s16;
	s16 =	sadd.s32 $0x1000, s16;
	_ =	swait.ge [sflag:s24], $0x10000  }
0xca: {  	s20 =	sshra.s32 s7, $0x2;
	[sflag:s24] =	ssyncset.done $0x0  }
0xcb: {  	s7 =	sadd.s32 $0x6E80, s20;
	[sflag:s24] =	ssyncadd.s32 $0xFFFF0000  }
0xcc: {  	[spmem:s3] =	stream.indirect.scatter.add.f32 [tilespmem:s28], [sflag:$0x1], $0x40, s7, s29, $0xb8;
	[tilespmem:$0x19680] =	vst v63  }
0xcd: {  	_ =	swait.ge [sflag:s24], $0x2000  }
0xce: {  	[sflag:s24] =	ssyncset.done $0x0  }
0xcf: {  	s7 =	sadd.s32 $0x6F00, s20;
	[sflag:s24] =	ssyncadd.s32 $0xFFFFE000  }
0xd0: {  	[spmem:s3] =	stream.indirect.scatter.add.f32 [tilespmem:s30], [sflag:$0x1], $0x40, s7, s29, $0xb8;
	[tilespmem:$0x19680] =	vst v63  }
0xd1: {  	_ =	swait.ge [sflag:s24], $0x2000  }
0xd2: {  	[sflag:s24] =	ssyncset.done $0x0  }
0xd3: {  	s7 =	sadd.s32 $0x6F80, s20;
	[sflag:s24] =	ssyncadd.s32 $0xFFFFE000  }
0xd4: {  	[spmem:s3] =	stream.indirect.scatter.add.f32 [tilespmem:s31], [sflag:$0x1], $0x40, s7, s29, $0xb8;
	[tilespmem:$0x19680] =	vst v63  }
0xd5: {  	_ =	swait.ge [sflag:s24], $0x2000  }
0xd6: {  	[sflag:s24] =	ssyncset.done $0x0  }
0xd7: {  	s7 =	sadd.s32 $0x7000, s20;
	[sflag:s24] =	ssyncadd.s32 $0xFFFFE000  }
0xd8: {  	[spmem:s3] =	stream.indirect.scatter.add.f32 [tilespmem:s0], [sflag:$0x1], $0x40, s7, s29, $0xb8;
	[tilespmem:$0x19680] =	vst v63  }
0xd9: {  	_ =	swait.ge [sflag:s24], $0x2000  }
0xda: {  	[sflag:s24] =	ssyncset.done $0x0  }
0xdb: {  	s7 =	sadd.s32 $0x7080, s20;
	[sflag:s24] =	ssyncadd.s32 $0xFFFFE000  }
0xdc: {  	[spmem:s3] =	stream.indirect.scatter.add.f32 [tilespmem:s4], [sflag:$0x1], $0x40, s7, s29, $0xb8;
	[tilespmem:$0x19680] =	vst v63  }
0xdd: {  	_ =	swait.ge [sflag:s24], $0x2000  }
0xde: {  	[sflag:s24] =	ssyncset.done $0x0  }
0xdf: {  	s7 =	sadd.s32 $0x7100, s20;
	[sflag:s24] =	ssyncadd.s32 $0xFFFFE000  }
0xe0: {  	[spmem:s3] =	stream.indirect.scatter.add.f32 [tilespmem:s1], [sflag:$0x1], $0x40, s7, s29, $0xb8;
	[tilespmem:$0x19680] =	vst v63  }
0xe1: {  	_ =	swait.ge [sflag:s24], $0x2000  }
0xe2: {  	[sflag:s24] =	ssyncset.done $0x0  }
0xe3: {  	s7 =	sadd.s32 $0x7180, s20;
	[sflag:s24] =	ssyncadd.s32 $0xFFFFE000  }
0xe4: {  	[spmem:s3] =	stream.indirect.scatter.add.f32 [tilespmem:s26], [sflag:$0x1], $0x40, s7, s29, $0xb8;
	[tilespmem:$0x19680] =	vst v63  }
0xe5: {  	_ =	swait.ge [sflag:s24], $0x2000  }
.Ltmp2:
0xe6: {  	[sflag:s24] =	ssyncset.done $0x0;
	(pc) =	sbr.rel @p0 .LBB2_4-.Ltmp2, $4  }
0xe7: {  	s7 =	sadd.s32 $0x7200, s20;
	[sflag:s24] =	ssyncadd.s32 $0xFFFFE000  }
0xe8: {  	[spmem:s3] =	stream.indirect.scatter.add.f32 [tilespmem:s9], [sflag:$0x1], $0x40, s7, s29, $0xb8;
	[tilespmem:$0x19680] =	vst v63  }
0xe9: {  	_ =	swait.ge [sflag:s24], $0x2000  }
0xea: {  	[sflag:s24] =	ssyncset.done $0x0  }
.LBB2_5:
.Ltmp3:
0xeb: {  	(pc) =	sbr.rel @!p1 .LBB2_10-.Ltmp3, $3  }
0xec: {  	_ =	sdelay $0x1  }
0xed: {  	[sflag:s24] =	ssyncadd.s32 $0xFFFFE000  }
0xee: {  	s16 =	simm.s32 $0x1000;
	p0 =	por $0x0, $0x0;
	s23 =	smov.u32 s18  }
0xef: {  	s17 =	simm.s32 $0x0  }
0xf0: {  	[tilespmem:s28], [sflag:$0x1] =	stream.linear.gather [hbm4b:s18+s17], $0x10000, $0x38;
	[tilespmem:$0x19680] =	vst v63  }
0xf1: {  	_ =	swait.ge [sflag:s24], $0x10000  }
0xf2: {  	[sflag:s24] =	ssyncset.done $0x0  }
0xf3: {  	s7 =	simm.s32 $0x6E80;
	[sflag:s24] =	ssyncadd.s32 $0xFFFF0000  }
0xf4: {  	[spmem:s5] =	stream.indirect.scatter.add.f32 [tilespmem:s28], [sflag:$0x1], $0x40, s7, s29, $0xb8;
	[tilespmem:$0x19680] =	vst v63  }
0xf5: {  	_ =	swait.ge [sflag:s24], $0x2000  }
0xf6: {  	[sflag:s24] =	ssyncset.done $0x0  }
0xf7: {  	s23 =	simm.s32 $0x6F00;
	[sflag:s24] =	ssyncadd.s32 $0xFFFFE000  }
0xf8: {  	[spmem:s5] =	stream.indirect.scatter.add.f32 [tilespmem:s30], [sflag:$0x1], $0x40, s23, s29, $0xb8;
	[tilespmem:$0x19680] =	vst v63  }
0xf9: {  	_ =	swait.ge [sflag:s24], $0x2000  }
0xfa: {  	[sflag:s24] =	ssyncset.done $0x0  }
0xfb: {  	s19 =	simm.s32 $0x6F80;
	[sflag:s24] =	ssyncadd.s32 $0xFFFFE000  }
0xfc: {  	[spmem:s5] =	stream.indirect.scatter.add.f32 [tilespmem:s31], [sflag:$0x1], $0x40, s19, s29, $0xb8;
	[tilespmem:$0x19680] =	vst v63  }
0xfd: {  	_ =	swait.ge [sflag:s24], $0x2000  }
0xfe: {  	[sflag:s24] =	ssyncset.done $0x0  }
0xff: {  	s20 =	simm.s32 $0x7000;
	[sflag:s24] =	ssyncadd.s32 $0xFFFFE000  }
0x100: {  	[spmem:s5] =	stream.indirect.scatter.add.f32 [tilespmem:s0], [sflag:$0x1], $0x40, s20, s29, $0xb8;
	[tilespmem:$0x19680] =	vst v63  }
0x101: {  	_ =	swait.ge [sflag:s24], $0x2000  }
0x102: {  	[sflag:s24] =	ssyncset.done $0x0  }
0x103: {  	s23 =	simm.s32 $0x7080;
	[sflag:s24] =	ssyncadd.s32 $0xFFFFE000  }
0x104: {  	[spmem:s5] =	stream.indirect.scatter.add.f32 [tilespmem:s4], [sflag:$0x1], $0x40, s23, s29, $0xb8;
	[tilespmem:$0x19680] =	vst v63  }
0x105: {  	_ =	swait.ge [sflag:s24], $0x2000  }
0x106: {  	[sflag:s24] =	ssyncset.done $0x0  }
0x107: {  	s19 =	simm.s32 $0x7100;
	[sflag:s24] =	ssyncadd.s32 $0xFFFFE000  }
0x108: {  	[spmem:s5] =	stream.indirect.scatter.add.f32 [tilespmem:s1], [sflag:$0x1], $0x40, s19, s29, $0xb8;
	[tilespmem:$0x19680] =	vst v63  }
0x109: {  	_ =	swait.ge [sflag:s24], $0x2000  }
0x10a: {  	[sflag:s24] =	ssyncset.done $0x0  }
0x10b: {  	s20 =	simm.s32 $0x7180;
	[sflag:s24] =	ssyncadd.s32 $0xFFFFE000  }
0x10c: {  	[spmem:s5] =	stream.indirect.scatter.add.f32 [tilespmem:s26], [sflag:$0x1], $0x40, s20, s29, $0xb8;
	[tilespmem:$0x19680] =	vst v63  }
0x10d: {  	p1 =	por $0x1, $0x1;
	_ =	swait.ge [sflag:s24], $0x2000  }
.Ltmp4:
0x10e: {  	[sflag:s24] =	ssyncset.done $0x0;
	(pc) =	sbr.rel @!p1 .LBB2_7-.Ltmp4, $4  }
0x10f: {  	s23 =	simm.s32 $0x7200;
	[sflag:s24] =	ssyncadd.s32 $0xFFFFE000  }
0x110: {  	[spmem:s5] =	stream.indirect.scatter.add.f32 [tilespmem:s9], [sflag:$0x1], $0x40, s23, s29, $0xb8;
	[tilespmem:$0x19680] =	vst v63  }
0x111: {  	p0 =	por $0x1, $0x1;
	_ =	swait.ge [sflag:s24], $0x2000  }
0x112: {  	s19 =	simm.s32 $0x2000;
	s23 =	smov.u32 s18;
	[sflag:s24] =	ssyncset.done $0x0  }
.LBB2_8:
0x113: {  	[sflag:s24] =	ssyncadd.s32 $0xFFFFE000;
	s23 =	sadd.s32 $0x2000, s23;
	s7 =	smov.u32 s19  }
0x114: {  	[tilespmem:s28], [sflag:$0x1] =	stream.linear.gather [hbm4b:s23+s17], $0x10000, $0x38;
	[tilespmem:$0x19680] =	vst v63  }
0x115: {  	p1 =	sne.s32 s19, $0x7000;
	s19 =	sadd.s32 $0x1000, s19;
	_ =	swait.ge [sflag:s24], $0x10000  }
0x116: {  	s20 =	sshra.s32 s16, $0x2;
	s16 =	smov.u32 s7;
	[sflag:s24] =	ssyncset.done $0x0  }
0x117: {  	s7 =	sadd.s32 $0x6E80, s20;
	[sflag:s24] =	ssyncadd.s32 $0xFFFF0000  }
0x118: {  	[spmem:s5] =	stream.indirect.scatter.add.f32 [tilespmem:s28], [sflag:$0x1], $0x40, s7, s29, $0xb8;
	[tilespmem:$0x19680] =	vst v63  }
0x119: {  	_ =	swait.ge [sflag:s24], $0x2000  }
0x11a: {  	[sflag:s24] =	ssyncset.done $0x0  }
0x11b: {  	s7 =	sadd.s32 $0x6F00, s20;
	[sflag:s24] =	ssyncadd.s32 $0xFFFFE000  }
0x11c: {  	[spmem:s5] =	stream.indirect.scatter.add.f32 [tilespmem:s30], [sflag:$0x1], $0x40, s7, s29, $0xb8;
	[tilespmem:$0x19680] =	vst v63  }
0x11d: {  	_ =	swait.ge [sflag:s24], $0x2000  }
0x11e: {  	[sflag:s24] =	ssyncset.done $0x0  }
0x11f: {  	s7 =	sadd.s32 $0x6F80, s20;
	[sflag:s24] =	ssyncadd.s32 $0xFFFFE000  }
0x120: {  	[spmem:s5] =	stream.indirect.scatter.add.f32 [tilespmem:s31], [sflag:$0x1], $0x40, s7, s29, $0xb8;
	[tilespmem:$0x19680] =	vst v63  }
0x121: {  	_ =	swait.ge [sflag:s24], $0x2000  }
0x122: {  	[sflag:s24] =	ssyncset.done $0x0  }
0x123: {  	s7 =	sadd.s32 $0x7000, s20;
	[sflag:s24] =	ssyncadd.s32 $0xFFFFE000  }
0x124: {  	[spmem:s5] =	stream.indirect.scatter.add.f32 [tilespmem:s0], [sflag:$0x1], $0x40, s7, s29, $0xb8;
	[tilespmem:$0x19680] =	vst v63  }
0x125: {  	_ =	swait.ge [sflag:s24], $0x2000  }
0x126: {  	[sflag:s24] =	ssyncset.done $0x0  }
0x127: {  	s7 =	sadd.s32 $0x7080, s20;
	[sflag:s24] =	ssyncadd.s32 $0xFFFFE000  }
0x128: {  	[spmem:s5] =	stream.indirect.scatter.add.f32 [tilespmem:s4], [sflag:$0x1], $0x40, s7, s29, $0xb8;
	[tilespmem:$0x19680] =	vst v63  }
0x129: {  	_ =	swait.ge [sflag:s24], $0x2000  }
0x12a: {  	[sflag:s24] =	ssyncset.done $0x0  }
0x12b: {  	s7 =	sadd.s32 $0x7100, s20;
	[sflag:s24] =	ssyncadd.s32 $0xFFFFE000  }
0x12c: {  	[spmem:s5] =	stream.indirect.scatter.add.f32 [tilespmem:s1], [sflag:$0x1], $0x40, s7, s29, $0xb8;
	[tilespmem:$0x19680] =	vst v63  }
0x12d: {  	_ =	swait.ge [sflag:s24], $0x2000  }
0x12e: {  	[sflag:s24] =	ssyncset.done $0x0  }
0x12f: {  	s7 =	sadd.s32 $0x7180, s20;
	[sflag:s24] =	ssyncadd.s32 $0xFFFFE000  }
0x130: {  	[spmem:s5] =	stream.indirect.scatter.add.f32 [tilespmem:s26], [sflag:$0x1], $0x40, s7, s29, $0xb8;
	[tilespmem:$0x19680] =	vst v63  }
0x131: {  	_ =	swait.ge [sflag:s24], $0x2000  }
.Ltmp5:
0x132: {  	[sflag:s24] =	ssyncset.done $0x0;
	(pc) =	sbr.rel @p1 .LBB2_8-.Ltmp5, $4  }
0x133: {  	s7 =	sadd.s32 $0x7200, s20;
	[sflag:s24] =	ssyncadd.s32 $0xFFFFE000  }
0x134: {  	[spmem:s5] =	stream.indirect.scatter.add.f32 [tilespmem:s9], [sflag:$0x1], $0x40, s7, s29, $0xb8;
	[tilespmem:$0x19680] =	vst v63  }
0x135: {  	_ =	swait.ge [sflag:s24], $0x2000  }
0x136: {  	[sflag:s24] =	ssyncset.done $0x0  }
0x137: {  	s17 =	smov.u32 s16  }
.LBB2_10:
0x138: {  	s7 =	sadd.s32 @p0 $0x2000, s23;
	s16 =	smov.u32 s18  }
0x139: {  	s19 =	simm.s32 $0x0;
	[sflag:s24] =	ssyncadd.s32 @p0 $0xFFFFE000;
	s16 =	smov.u32 @p0 s7  }
0x13a: {  	[tilespmem:s28], [sflag:$0x1] =	stream.linear.gather [hbm4b:s16+s19], $0x10000, $0x38;
	[tilespmem:$0x19680] =	vst v63  }
0x13b: {  	_ =	swait.ge [sflag:s24], $0x10000  }
0x13c: {  	s7 =	sshra.s32 s17, $0x2;
	[sflag:s24] =	ssyncset.done $0x0  }
0x13d: {  	s17 =	sadd.s32 $0x6E80, s7;
	[sflag:s24] =	ssyncadd.s32 $0xFFFF0000  }
0x13e: {  	[spmem:s5] =	stream.indirect.scatter.add.f32 [tilespmem:s28], [sflag:$0x1], $0x40, s17, s29, $0xb8;
	[tilespmem:$0x19680] =	vst v63  }
0x13f: {  	_ =	swait.ge [sflag:s24], $0x2000  }
0x140: {  	[sflag:s24] =	ssyncset.done $0x0  }
0x141: {  	s19 =	sadd.s32 $0x6F00, s7;
	[sflag:s24] =	ssyncadd.s32 $0xFFFFE000  }
0x142: {  	[spmem:s5] =	stream.indirect.scatter.add.f32 [tilespmem:s30], [sflag:$0x1], $0x40, s19, s29, $0xb8;
	[tilespmem:$0x19680] =	vst v63  }
0x143: {  	_ =	swait.ge [sflag:s24], $0x2000  }
0x144: {  	[sflag:s24] =	ssyncset.done $0x0  }
0x145: {  	s20 =	sadd.s32 $0x6F80, s7;
	[sflag:s24] =	ssyncadd.s32 $0xFFFFE000  }
0x146: {  	[spmem:s5] =	stream.indirect.scatter.add.f32 [tilespmem:s31], [sflag:$0x1], $0x40, s20, s29, $0xb8;
	[tilespmem:$0x19680] =	vst v63  }
0x147: {  	_ =	swait.ge [sflag:s24], $0x2000  }
0x148: {  	[sflag:s24] =	ssyncset.done $0x0  }
0x149: {  	s23 =	sadd.s32 $0x7000, s7;
	[sflag:s24] =	ssyncadd.s32 $0xFFFFE000  }
0x14a: {  	[spmem:s5] =	stream.indirect.scatter.add.f32 [tilespmem:s0], [sflag:$0x1], $0x40, s23, s29, $0xb8;
	[tilespmem:$0x19680] =	vst v63  }
0x14b: {  	_ =	swait.ge [sflag:s24], $0x2000  }
0x14c: {  	[sflag:s24] =	ssyncset.done $0x0  }
0x14d: {  	s17 =	sadd.s32 $0x7080, s7;
	[sflag:s24] =	ssyncadd.s32 $0xFFFFE000  }
0x14e: {  	[spmem:s5] =	stream.indirect.scatter.add.f32 [tilespmem:s4], [sflag:$0x1], $0x40, s17, s29, $0xb8;
	[tilespmem:$0x19680] =	vst v63  }
0x14f: {  	_ =	swait.ge [sflag:s24], $0x2000  }
0x150: {  	[sflag:s24] =	ssyncset.done $0x0  }
0x151: {  	s19 =	sadd.s32 $0x7100, s7;
	[sflag:s24] =	ssyncadd.s32 $0xFFFFE000  }
0x152: {  	[spmem:s5] =	stream.indirect.scatter.add.f32 [tilespmem:s1], [sflag:$0x1], $0x40, s19, s29, $0xb8;
	[tilespmem:$0x19680] =	vst v63  }
0x153: {  	_ =	swait.ge [sflag:s24], $0x2000  }
0x154: {  	[sflag:s24] =	ssyncset.done $0x0  }
0x155: {  	s20 =	sadd.s32 $0x7180, s7;
	[sflag:s24] =	ssyncadd.s32 $0xFFFFE000  }
0x156: {  	[spmem:s5] =	stream.indirect.scatter.add.f32 [tilespmem:s26], [sflag:$0x1], $0x40, s20, s29, $0xb8;
	[tilespmem:$0x19680] =	vst v63  }
0x157: {  	_ =	swait.ge [sflag:s24], $0x2000  }
0x158: {  	[sflag:s24] =	ssyncset.done $0x0  }
0x159: {  	p0 =	por $0x1, $0x1;
	s7 =	sadd.s32 $0x7200, s7;
	[sflag:s24] =	ssyncadd.s32 $0xFFFFE000  }
0x15a: {  	[spmem:s5] =	stream.indirect.scatter.add.f32 [tilespmem:s9], [sflag:$0x1], $0x40, s7, s29, $0xb8;
	[tilespmem:$0x19680] =	vst v63  }
.Ltmp6:
0x15b: {  	_ =	swait.ge [sflag:s24], $0x2000;
	(pc) =	sbr.rel @!p0 .LBB2_12-.Ltmp6, $4  }
0x15c: {  	[sflag:s24] =	ssyncset.done $0x0  }
0x15d: {  	s23 =	simm.s32 $0x6E80;
	[sflag:s24] =	ssyncadd.s32 $0xFFFFE000  }
0x15e: {  	[spmem:s6] =	stream.indirect.scatter.add.f32 [tilespmem:s25], [sflag:$0x1], $0x10, s23, s29, $0xb8;
	[tilespmem:$0x19680] =	vst v63  }
0x15f: {  	s16 =	simm.s32 $0x200;
	_ =	swait.ge [sflag:s24], $0x800  }
.LBB2_11:
0x160: {  	s7 =	sshra.s32 s16, $0x2;
	[sflag:s24] =	ssyncset.done $0x0;
	p0 =	sne.s32 s16, $0x7E00  }
.Ltmp7:
0x161: {  	s7 =	sadd.s32 $0x6E80, s7;
	[sflag:s24] =	ssyncadd.s32 $0xFFFFF800;
	(pc) =	sbr.rel @p0 .LBB2_11-.Ltmp7, $3  }
0x162: {  	[spmem:s6] =	stream.indirect.scatter.add.f32 [tilespmem:s25], [sflag:$0x1], $0x10, s7, s29, $0xb8;
	[tilespmem:$0x19680] =	vst v63  }
0x163: {  	s16 =	sadd.s32 $0x200, s16;
	_ =	sdelay $0x1  }
0x164: {  	_ =	swait.ge [sflag:s24], $0x800  }
.LBB2_12:
0x165: {  	[sflag:s24] =	ssyncset.done $0x0  }
0x166: {  	s7 =	rddreg [dreg:$0xe];
	[sflag:s24] =	ssyncadd.s32 $0xFFFFF800  }
0x167: {  	[hbm:s7], [sflag:s11] =	dma.local [spmem:s12], $0x440  }
0x168: {  	_ =	swait.ge [sflag:s24], $0x440  }
0x169: {  	[sflag:s24] =	ssyncset.done $0x0  }
0x16a: {  	s17 =	rddreg [dreg:$0xf];
	[sflag:s24] =	ssyncadd.s32 $0xFFFFFBC0  }
0x16b: {  	[hbm:s17], [sflag:s11] =	dma.local [spmem:s13], $0x440  }
0x16c: {  	_ =	swait.ge [sflag:s24], $0x440  }
0x16d: {  	[sflag:s24] =	ssyncset.done $0x0  }
0x16e: {  	s19 =	rddreg [dreg:$0x10];
	[sflag:s24] =	ssyncadd.s32 $0xFFFFFBC0  }
0x16f: {  	[hbm:s19], [sflag:s11] =	dma.local [spmem:s14], $0x440  }
0x170: {  	_ =	swait.ge [sflag:s24], $0x440  }
0x171: {  	[sflag:s24] =	ssyncset.done $0x0  }
0x172: {  	s20 =	rddreg [dreg:$0x11];
	[sflag:s24] =	ssyncadd.s32 $0xFFFFFBC0  }
0x173: {  	[hbm:s20], [sflag:s11] =	dma.local [spmem:s15], $0x110  }
0x174: {  	_ =	swait.ge [sflag:s24], $0x110  }
0x175: {  	s10 =	sadd.s32 $0x1, s10;
	s23 =	rddreg [dreg:$0x12]  }
0x176: {  	p0 =	sne.s32 s10, s23  }
.Ltmp8:
0x177: {  	_ = 	snop;
	(pc) =	sbr.rel @p0 .LBB2_1-.Ltmp8, $4  }
.Ltmp9:
0x178: {  	_ = 	snop;
	(pc) =	sbr.rel @!p0 .LBB2_13-.Ltmp9, $4  }
0x179: {  	_ = 	snop  }
0x17a: {  	[sflag:s24] =	ssyncset.done $0x0  }
0x17b: {  	[sflag:s24] =	ssyncadd.s32 $0xFFFFFEF0  }
0x17c: {  	_ = 	snop  }
.LBB2_7:
.Ltmp10:
0x17d: {  	(pc) =	sbr.rel .LBB2_10-.Ltmp10, $2  }
0x17e: {  	_ =	sdelay $0x2  }
0x17f: {  	s23 =	smov.u32 s18;
	s17 =	simm.s32 $0x1000  }
.LBB2_13:
0x180: {  	_ =	sfence.sel $0x180000  }
0x181: {  	[bflag:$0x0] =	sbarrier.arrive $0xFFFF  }
0x182: {  	_ =	strace $0x90000047  }
0x183: {  	s0 =	stileid.u32;
	[bflag:$0x2] =	sbarrier.arrive $0xFFFF  }
0x184: {  	p0 =	sne.s32 s0, $0x0;
	s0 =	rddreg [dreg:$0x7]  }
0x185: {  	s0 =	sadd.s32 @!p0 $0x100000, s0  }
0x186: {  	[sflag:s0] =	ssyncadd.tile.s32 @!p0 $0x1;
	_ =	shalt  }
.Lfunc_end2:
_tile_overlayer_lowered:
.L_overlay_start_2:
0x187: {  	(tag) =	ssettag $0x2  }
0x188: {  	s0 =	rddreg [dreg:$0x0];
	s2 =	stileid.u32  }
0x189: {  	s1 =	rddreg [dreg:$0x1];
	p0 =	sne.s32 s2, $0x0  }
0x18a: {  	s3 =	rddreg [dreg:$0x2];
	[bflag:$0x3] =	sbarrier.arrive $0xFFFF;
	s2 =	simm.s32 @!p0 $0x1C01  }
0x18b: {  	[timem:s3], [sflag:s2] =	dma.local @!p0 [hbm:s0], s1  }
0x18c: {  	s0 =	simm.s32 @!p0 $0x1  }
0x18d: {  	_ =	swait.ge @!p0 [sflag:s0], s1  }
0x18e: {  	s1 =	ssub.s32 @!p0 $0x0, s1;
	[sflag:s0] =	ssyncset.done @!p0 $0x0  }
0x18f: {  	[sflag:s0] =	ssyncadd.s32 @!p0 s1  }
0x190: {  	[bflag:$0x3] =	sbarrier.arrive $0xFFFF  }
0x191: {  	_ =	shalt  }

// kernel: _run.8.cloned.1.call-start
scs
__scs_entry_jumppad:
0x0: {  	(pc) =	sbr.rel $0x88, $3  }
0x1: {  	(tag) =	ssettag $0x0;
	lr =	simm.s32 $0x1  }
0x2: {  	[smem:$0x3F9D] =	sst lr;
	_ =	strace $0xD0000000  }
0x3: {  	_ = 	snop  }
0x4: {  	_ = 	snop  }
0x5: {  	_ = 	snop  }
0x6: {  	_ = 	snop  }
0x7: {  	_ = 	snop  }
__scs_overlays_trampoline_lowered:
0x8: {  	[smem:$0x3FAC] =	sst s0  }
0x9: {  	[smem:$0x3FAD] =	sst s1  }
0xa: {  	[smem:$0x3FAE] =	sst s2  }
0xb: {  	[smem:$0x3FAF] =	sst s3  }
0xc: {  	[smem:$0x3FB0] =	sst s4  }
0xd: {  	[smem:$0x3FB1] =	sst s5  }
0xe: {  	[smem:$0x3FB2] =	sst s6  }
0xf: {  	[smem:$0x3FB3] =	sst s7  }
0x10: {  	[smem:$0x3FB4] =	sst s8  }
0x11: {  	[smem:$0x3FB5] =	sst s9;
	s0 =	simm.s32 @!p0 $0x0  }
0x12: {  	s1 =	sld [smem:$0x3F9B];
	s0 =	simm.s32 @p0 $0x1  }
0x13: {  	[smem:$0x3FB6] =	sst s0;
	s0 =	simm.s32 @!p1 $0x0  }
0x14: {  	s2 =	sld [smem:$0x3F9A];
	s0 =	simm.s32 @p1 $0x1  }
0x15: {  	[smem:$0x3FB7] =	sst s0;
	s0 =	simm.s32 @!p2 $0x0  }
0x16: {  	s3 =	sld [smem:$0x3FDB];
	s0 =	simm.s32 @p2 $0x1  }
0x17: {  	s4 =	simm.s32 $0x1BF5;
	[smem:$0x3FB9] =	sst s0  }
0x18: {  	s0 =	sld [smem:$0x3F9C];
	_ =	swait.ge [sflag:s4], $0x0  }
0x19: {  	s7 =	sld [smem:$0x3F9D]  }
0x1a: {  	s8 =	sadd.s32 $0xFFFFE003, lr  }
0x1b: {  	s9 =	sadd.s32 $0xFFFFFEF7, lr;
	s5 =	simm.s32 $0xFFFFFFFF;
	p2 =	slt.u32 s8, $0xFFFFF086  }
0x1c: {  	p1 =	slt.u32 s9, $0xF7A;
	s5 =	simm.s32 @!p2 $0x0  }
0x1d: {  	s5 =	simm.s32 @p1 $0x1;
	p0 =	seq.s32 s7, s2  }
0x1e: {  	s7 =	smul.u32 @!p0 $0xF7A, s2;
	p2 =	seq.s32 @!p0 s5, $0x0  }
0x1f: {  	s9 =	smul.u32 $0xF7A, s1;
	s8 =	simm.s32 @!p0 $0x1BF5;
	p2 =	por !p2, p0  }
0x20: {  	[sflag:s8] =	ssyncset.s32 @!p0 $0xFFFFF086;
	s6 =	sadd.s32 @!p0 s3, s7;
	s7 =	simm.s32 @!p0 $0x108  }
0x21: {  	s3 =	sadd.s32 s3, s9;
	s6 =	sadd.s32 @!p0 $0x88, s6;
	s7 =	simm.s32 @p2 $0x1082  }
0x22: {  	[simem:s7], [sflag:s8] =	dma.local @!p0 [hbm:s6], $0xF7A  }
0x23: {  	s9 =	sor.u32 $0xD0000000, s2;
	s6 =	simm.s32 $0x108;
	_ =	swait.ge @!p0 [sflag:s8], $0x0  }
0x24: {  	s3 =	sadd.s32 $0x88, s3;
	s6 =	simm.s32 @!p1 $0x1082;
	[sflag:s4] =	ssyncset.s32 $0xFFFFF086  }
0x25: {  	[simem:s6], [sflag:s4] =	dma.local [hbm:s3], $0xF7A  }
0x26: {  	[smem:$0x3F9D] =	sst s1;
	(tag) =	ssettag s2;
	_ =	strace s9  }
0x27: {  	s1 =	sld [smem:$0x3FAD]  }
0x28: {  	s2 =	sld [smem:$0x3FAE]  }
0x29: {  	s4 =	sld [smem:$0x3FB0]  }
0x2a: {  	p0 =	seq.s32 s5, $0x0;
	s5 =	sld [smem:$0x3FB1]  }
0x2b: {  	s6 =	sld [smem:$0x3FB2]  }
0x2c: {  	s7 =	sld [smem:$0x3FB3]  }
0x2d: {  	s3 =	simm.s32 $0x108;
	s8 =	sld [smem:$0x3FB4]  }
0x2e: {  	s3 =	simm.s32 @!p0 $0x1082;
	s9 =	sld [smem:$0x3FB5]  }
0x2f: {  	lr =	sadd.s32 s0, s3;
	s0 =	sld [smem:$0x3FAC]  }
0x30: {  	s3 =	sld [smem:$0x3FAF]  }
0x31: {  	[smem:$0x3FB8] =	sst s10  }
0x32: {  	s10 =	sld [smem:$0x3FB6];
	_ =	sdelay $0x3  }
0x33: {  	p0 =	seq.s32 s10, $0x1;
	s10 =	sld [smem:$0x3FB8];
	_ =	sdelay $0x3  }
0x34: {  	[smem:$0x3FB8] =	sst s10  }
0x35: {  	s10 =	sld [smem:$0x3FB7];
	_ =	sdelay $0x3  }
0x36: {  	p1 =	seq.s32 s10, $0x1;
	s10 =	sld [smem:$0x3FB8];
	_ =	sdelay $0x3  }
0x37: {  	[smem:$0x3FB8] =	sst s10  }
0x38: {  	s10 =	sld [smem:$0x3FB9]  }
0x39: {  	_ = 	snop;
	(pc) =	sbr.ind lr, $3  }
0x3a: {  	_ = 	snop  }
0x3b: {  	_ = 	snop  }
0x3c: {  	p2 =	seq.s32 s10, $0x1;
	s10 =	sld [smem:$0x3FB8]  }
0x3d: {  	_ =	shalt  }
0x3e: {  	_ =	shalt  }
0x3f: {  	_ =	shalt  }
0x40: {  	_ =	shalt  }
0x41: {  	_ =	shalt  }
0x42: {  	_ =	shalt  }
0x43: {  	_ =	shalt  }
0x44: {  	_ =	shalt  }
0x45: {  	_ =	shalt  }
0x46: {  	_ =	shalt  }
0x47: {  	_ =	shalt  }
0x48: {  	_ =	shalt  }
0x49: {  	_ =	shalt  }
0x4a: {  	_ =	shalt  }
0x4b: {  	_ =	shalt  }
0x4c: {  	_ =	shalt  }
0x4d: {  	_ =	shalt  }
0x4e: {  	_ =	shalt  }
0x4f: {  	_ =	shalt  }
0x50: {  	_ =	shalt  }
0x51: {  	_ =	shalt  }
0x52: {  	_ =	shalt  }
0x53: {  	_ =	shalt  }
0x54: {  	_ =	shalt  }
0x55: {  	_ =	shalt  }
0x56: {  	_ =	shalt  }
0x57: {  	_ =	shalt  }
0x58: {  	_ =	shalt  }
0x59: {  	_ =	shalt  }
0x5a: {  	_ =	shalt  }
0x5b: {  	_ =	shalt  }
0x5c: {  	_ =	shalt  }
0x5d: {  	_ =	shalt  }
0x5e: {  	_ =	shalt  }
0x5f: {  	_ =	shalt  }
0x60: {  	_ =	shalt  }
0x61: {  	_ =	shalt  }
0x62: {  	_ =	shalt  }
0x63: {  	_ =	shalt  }
0x64: {  	_ =	shalt  }
0x65: {  	_ =	shalt  }
0x66: {  	_ =	shalt  }
0x67: {  	_ =	shalt  }
0x68: {  	_ =	shalt  }
0x69: {  	_ =	shalt  }
0x6a: {  	_ =	shalt  }
0x6b: {  	_ =	shalt  }
0x6c: {  	_ =	shalt  }
0x6d: {  	_ =	shalt  }
0x6e: {  	_ =	shalt  }
0x6f: {  	_ =	shalt  }
0x70: {  	_ =	shalt  }
0x71: {  	_ =	shalt  }
0x72: {  	_ =	shalt  }
0x73: {  	_ =	shalt  }
0x74: {  	_ =	shalt  }
0x75: {  	_ =	shalt  }
0x76: {  	_ =	shalt  }
0x77: {  	_ =	shalt  }
0x78: {  	_ =	shalt  }
0x79: {  	_ =	shalt  }
0x7a: {  	_ =	shalt  }
0x7b: {  	_ =	shalt  }
0x7c: {  	_ =	shalt  }
0x7d: {  	_ =	shalt  }
0x7e: {  	_ =	shalt  }
0x7f: {  	_ =	shalt  }
0x80: {  	_ =	shalt  }
0x81: {  	_ =	shalt  }
0x82: {  	_ =	shalt  }
0x83: {  	_ =	shalt  }
0x84: {  	_ =	shalt  }
0x85: {  	_ =	shalt  }
0x86: {  	_ =	shalt  }
0x87: {  	_ =	shalt  }
.Lfunc_end0:
.L_simem_size_0:
called_computation.2_lowered:
.L_overlay_start_0:
0x88: {  	s2 =	sld [smem:$0x3FD9]  }
0x89: {  	s3 =	sld [smem:$0x3FFE];
	_ =	sdelay $0x1  }
0x8a: {  	s1 =	srdreg.scid  }
0x8b: {  	s0 =	sand.u32 $0x1, s1  }
0x8c: {  	s14 =	sshll.u32 s0, $0xA;
	s2 =	sadd.s32 s3, s2  }
0x8d: {  	s2 =	sadd.s32 s2, s14  }
0x8e: {  	[smem:$0x3FC4] =	sst s2  }
0x8f: {  	_ = 	snop  }
0x90: {  	s2 =	sld [smem:$0x3FD0];
	_ =	sdelay $0x2  }
0x91: {  	s15 =	simm.s32 $0xA;
	s4 =	simm.s32 $0x10  }
0x92: {  	[smem:s4], [sflag:s15] =	dma.local [hbm:s2], $0x1  }
0x93: {  	_ =	swait.eq [sflag:s15], $0x1  }
0x94: {  	[sflag:s15] =	ssyncset.done $0x0  }
0x95: {  	[sflag:s15] =	ssyncadd.s32 $0xFFFFFFFF  }
0x96: {  	s16 =	sld [smem:$0x10];
	(tm) =	ssettm $0x1  }
0x97: {  	s17 =	sld [smem:$0x3FFB];
	_ =	sdelay $0x3  }
0x98: {  	_ =	strace s17  }
0x99: {  	s3 =	sld [smem:$0x3FFC];
	_ =	sdelay $0x3  }
0x9a: {  	_ =	strace s3  }
0x9b: {  	s3 =	sld [smem:$0x3FFD];
	_ =	sdelay $0x3  }
0x9c: {  	_ =	strace s3  }
0x9d: {  	_ =	strace $0x8FFFFFFF  }
0x9e: {  	s18 =	sld [smem:$0x3FDB];
	_ =	sdelay $0x1  }
0x9f: {  	s19 =	simm.s32 $_scs_section_size  }
0xa0: {  	s5 =	simm.s32 $_size__tile_overlayer_lowered;
	s6 =	simm.s32 $_tile_overlayer_lowered  }
0xa1: {  	s22 =	simm.s32 $0x1BFF;
	s21 =	sshll.u32 s6, $0x1;
	s3 =	sadd.s32 s19, s18  }
0xa2: {  	s7 =	simm.s32 $0x0;
	s20 =	sshll.u32 s5, $0x1;
	s5 =	sadd.s32 s21, s3  }
0xa3: {  	[timem:s7], [sflag:s22] =	dma.local [hbm:s5], s20  }
0xa4: {  	_ =	swait.ge [sflag:s22], s20  }
0xa5: {  	s4 =	ssub.s32 $0x0, s20;
	[sflag:s22] =	ssyncset.done $0x0  }
0xa6: {  	[sflag:s22] =	ssyncadd.s32 s4;
	_ =	sdelay $0x1  }
0xa7: {  	s23 =	simm.s32 $0x1B8B  }
0xa8: {  	_ =	swait.ge [sflag:s23], $0x1  }
0xa9: {  	[sflag:s23] =	ssyncset.done $0x0  }
0xaa: {  	s25 =	simm.s32 $0x1B8E;
	s24 =	sld [smem:$0x3FFE];
	[sflag:s23] =	ssyncadd.s32 $0xFFFFFFFF  }
0xab: {  	s26 =	simm.s32 $execute0_lowered;
	[smem:$0x3FD2] =	sst s25  }
0xac: {  	s5 =	sshll.u32 s26, $0x1;
	_ =	strace $0x80000049;
	[dreg:$0x1] =	wrdreg $0xFFFFFFFF  }
0xad: {  	s28 =	simm.s32 $_size_execute0_lowered;
	s3 =	sadd.s32 s3, s5;
	[dreg:$0x0] =	wrdreg $0x0  }
0xae: {  	s5 =	sshll.u32 s28, $0x1;
	[dreg:$0x2] =	wrdreg s3  }
0xaf: {  	[dreg:$0x3] =	wrdreg s5  }
0xb0: {  	[dreg:$0x4] =	wrdreg $0xC0  }
0xb1: {  	_ =	task [dreg:s7], $0x5FFFF  }
0xb2: {  	[dreg:$0x1] =	wrdreg $0xFFFFFFFF  }
0xb3: {  	[dreg:$0x0] =	wrdreg $0x60  }
0xb4: {  	[dreg:$0x2] =	wrdreg s24  }
0xb5: {  	[dreg:$0x3] =	wrdreg s16  }
0xb6: {  	[dreg:$0x4] =	wrdreg $0x0  }
0xb7: {  	[dreg:$0x5] =	wrdreg $0x9  }
0xb8: {  	_ =	task.clear_ibuf [dreg:s7], $0x6FFFF;
	_ =	strace $0x90000049  }
0xb9: {  	s29 =	simm.s32 $0x9;
	_ =	strace $0x8000004B  }
0xba: {  	_ =	swait.ge [sflag:s29], $0x1  }
0xbb: {  	[sflag:s29] =	ssyncadd.s32 $0xFFFFFFFF  }
0xbc: {  	_ =	strace $0x9000004B  }
0xbd: {  	_ =	sfence  }
0xbe: {  	s30 =	sld [smem:$0x0];
	_ =	sdelay $0x2  }
0xbf: {  	s31 =	sshll.u32 s1, $0xD;
	s1 =	sshrl.u32 s1, $0x2  }
0xc0: {  	s3 =	sand.u32 $0x4000, s31;
	s1 =	sadd.s32 s1, s30  }
0xc1: {  	s0 =	sor.u32 s3, s0;
	s1 =	sshll.u32 s1, $0x11  }
0xc2: {  	s0 =	sor.u32 s1, s0  }
0xc3: {  	s0 =	sadd.s32 $0x8F2B, s0  }
0xc4: {  	[sflag:s0] =	ssyncadd.remote.s32 $0x1  }
0xc5: {  	_ =	sfence.sel $0xFFFF  }
0xc6: {  	[dreg:$0x0] =	wrdreg $0xFFFFFFFF;
	(pc) =	sbr.abs _section_cstart, $3  }
0xc7: {  	[dreg:$0x1] =	wrdreg $0xFFFFFFFF  }
0xc8: {  	_ =	task.clear_ibuf [dreg:s7], $0x2FFFF;
	_ =	strace $0x9FFFFFFF  }
0xc9: {  	(tm) =	ssettm $0x7FFFFFFF  }
tec
execute0_lowered:
.L_overlay_start_1:
0x0: {  	(tag) =	ssettag $0x1  }
0x1: {  	s4 =	rddreg [dreg:$0x0]  }
0x2: {  	s7 =	rddreg [dreg:$0x1];
	s1 =	srdreg.scid  }
0x3: {  	s0 =	stileid.u32;
	s2 =	rddreg [dreg:$0x2]  }
0x4: {  	s3 =	simm.s32 $0x0;
	s13 =	simm.s32 $0x4200;
	s14 =	simm.s32 $0x6200  }
0x5: {  	s15 =	simm.s32 $0x8200;
	s16 =	simm.s32 $0xA200;
	s17 =	simm.s32 $0xC200  }
0x6: {  	s18 =	simm.s32 $0xE200;
	s19 =	simm.s32 $0x10200;
	s20 =	simm.s32 $0x12200  }
0x7: {  	s21 =	simm.s32 $0x0;
	s8 =	sand.u32 $0x1, s1;
	s1 =	rddreg [dreg:$0x3]  }
0x8: {  	s5 =	sshll.u32 s0, $0x1;
	[smem:$0x7FF] =	sst s3;
	s9 =	smul.u32 $0x8800, s0  }
0x9: {  	s30 =	sshll.u32 s0, $0x6;
	s12 =	sshll.u32 s0, $0x11;
	s5 =	sor.u32 s8, s5  }
0xa: {  	_ =	strace $0x8000004A;
	s10 =	ssub.s32 $0x2, s8;
	s31 =	sadd.s32 s12, s7  }
0xb: {  	s8 =	sshll.u32 s8, $0x10;
	s12 =	simm.s32 $0x80;
	s6 =	smul.u32 $0x440, s5  }
0xc: {  	s5 =	sshll.u32 s5, $0xA;
	s25 =	sshrl.u32 s10, $0x1;
	s26 =	sshrl.u32 s9, $0x2  }
0xd: {  	s8 =	sadd.s32 s8, s31;
	s11 =	sadd.s32 s5, s4;
	s28 =	ssub.s32 s10, s25  }
0xe: {  	s29 =	sadd.s32 s26, s2;
	s5 =	sor.u32 $0x1C01, s30;
	s10 =	simm.s32 $0x1  }
0xf: {  	s6 =	sadd.s32 s6, s4;
	s7 =	smax.u32 s28, $0x1;
	s9 =	sshrl.u32 s29, $0x3  }
0x10: {  	s4 =	sadd.s32 $0x1A600, s6;
	s6 =	sadd.s32 $0x1600, s11;
	s11 =	simm.s32 $0x2200  }
.LBB2_1:
0x11: {  	[spmem:s9], [sflag:s5] =	dma.local [hbm:s4], $0x440  }
0x12: {  	_ =	swait.ge [sflag:s10], $0x440  }
0x13: {  	[sflag:s10] =	ssyncset.done $0x0  }
0x14: {  	[sflag:s10] =	ssyncadd.s32 $0xFFFFFBC0  }
0x15: {  	[tilespmem:s11], [sflag:$0x1] =	stream.linear.gather [hbm4b:s6+s3], $0x2000, $0x38;
	[tilespmem:$0x14200] =	vst v63  }
0x16: {  	_ =	swait.ge [sflag:s10], $0x2000  }
0x17: {  	[sflag:s10] =	ssyncset.done $0x0  }
0x18: {  	s22 =	simm.s32 $0x2200;
	[sflag:s10] =	ssyncadd.s32 $0xFFFFE000  }
0x19: {  	[tilespmem:s13], [sflag:$0x1] =	stream.indirect.gather [spmem:s2], $0x40, s22, s12, $0xb8;
	[tilespmem:$0x14200] =	vst v63  }
0x1a: {  	_ =	swait.ge [sflag:s10], $0x2000  }
0x1b: {  	[sflag:s10] =	ssyncset.done $0x0  }
0x1c: {  	s24 =	simm.s32 $0x2280;
	[sflag:s10] =	ssyncadd.s32 $0xFFFFE000  }
0x1d: {  	[tilespmem:s14], [sflag:$0x1] =	stream.indirect.gather [spmem:s2], $0x40, s24, s12, $0xb8;
	[tilespmem:$0x14200] =	vst v63  }
0x1e: {  	_ =	swait.ge [sflag:s10], $0x2000  }
0x1f: {  	[sflag:s10] =	ssyncset.done $0x0  }
0x20: {  	s25 =	simm.s32 $0x2300;
	[sflag:s10] =	ssyncadd.s32 $0xFFFFE000  }
0x21: {  	[tilespmem:s15], [sflag:$0x1] =	stream.indirect.gather [spmem:s2], $0x40, s25, s12, $0xb8;
	[tilespmem:$0x14200] =	vst v63  }
0x22: {  	_ =	swait.ge [sflag:s10], $0x2000  }
0x23: {  	[sflag:s10] =	ssyncset.done $0x0  }
0x24: {  	s26 =	simm.s32 $0x2380;
	[sflag:s10] =	ssyncadd.s32 $0xFFFFE000  }
0x25: {  	[tilespmem:s16], [sflag:$0x1] =	stream.indirect.gather [spmem:s2], $0x40, s26, s12, $0xb8;
	[tilespmem:$0x14200] =	vst v63  }
0x26: {  	_ =	swait.ge [sflag:s10], $0x2000  }
0x27: {  	[sflag:s10] =	ssyncset.done $0x0  }
0x28: {  	s28 =	simm.s32 $0x2400;
	[sflag:s10] =	ssyncadd.s32 $0xFFFFE000  }
0x29: {  	[tilespmem:s17], [sflag:$0x1] =	stream.indirect.gather [spmem:s2], $0x40, s28, s12, $0xb8;
	[tilespmem:$0x14200] =	vst v63  }
0x2a: {  	_ =	swait.ge [sflag:s10], $0x2000  }
0x2b: {  	[sflag:s10] =	ssyncset.done $0x0  }
0x2c: {  	s29 =	simm.s32 $0x2480;
	[sflag:s10] =	ssyncadd.s32 $0xFFFFE000  }
0x2d: {  	[tilespmem:s18], [sflag:$0x1] =	stream.indirect.gather [spmem:s2], $0x40, s29, s12, $0xb8;
	[tilespmem:$0x14200] =	vst v63  }
0x2e: {  	_ =	swait.ge [sflag:s10], $0x2000  }
0x2f: {  	[sflag:s10] =	ssyncset.done $0x0  }
0x30: {  	s30 =	simm.s32 $0x2500;
	[sflag:s10] =	ssyncadd.s32 $0xFFFFE000  }
0x31: {  	[tilespmem:s19], [sflag:$0x1] =	stream.indirect.gather [spmem:s2], $0x40, s30, s12, $0xb8;
	[tilespmem:$0x14200] =	vst v63  }
0x32: {  	_ =	swait.ge [sflag:s10], $0x2000  }
0x33: {  	[sflag:s10] =	ssyncset.done $0x0  }
0x34: {  	s31 =	simm.s32 $0x2580;
	[sflag:s10] =	ssyncadd.s32 $0xFFFFE000  }
0x35: {  	[tilespmem:s20], [sflag:$0x1] =	stream.indirect.gather [spmem:s2], $0x40, s31, s12, $0xb8;
	[tilespmem:$0x14200] =	vst v63  }
0x36: {  	_ =	swait.ge [sflag:s10], $0x2000  }
0x37: {  	[sflag:s10] =	ssyncset.done $0x0  }
0x38: {  	[sflag:s10] =	ssyncadd.s32 $0xFFFFE000  }
0x39: {  	[hbm4b:s8+s3] =	stream.linear.scatter [tilespmem:s13], [sflag:$0x1], $0x10000, $0x38;
	[tilespmem:$0x14200] =	vst v63  }
0x3a: {  	s23 =	simm.s32 $0x400;
	_ =	swait.ge [sflag:s10], $0x10000  }
0x3b: {  	s22 =	sadd.s32 $0x2000, s8;
	s26 =	simm.s32 $0x2000;
	[sflag:s10] =	ssyncset.done $0x0  }
.LBB2_2:
0x3c: {  	s28 =	sadd.s32 $0x2200, s23  }
0x3d: {  	[sflag:s10] =	ssyncadd.s32 $0xFFFF0000;
	s25 =	smov.u32 s26;
	s24 =	sadd.s32 $0x1000, s26  }
0x3e: {  	[tilespmem:s13], [sflag:$0x1] =	stream.indirect.gather [spmem:s2], $0x40, s28, s12, $0xb8;
	[tilespmem:$0x14200] =	vst v63  }
0x3f: {  	p0 =	sne.s32 s26, $0x7000;
	_ =	swait.ge [sflag:s10], $0x2000  }
0x40: {  	[sflag:s10] =	ssyncset.done $0x0  }
0x41: {  	s26 =	sadd.s32 $0x2280, s23;
	[sflag:s10] =	ssyncadd.s32 $0xFFFFE000  }
0x42: {  	[tilespmem:s14], [sflag:$0x1] =	stream.indirect.gather [spmem:s2], $0x40, s26, s12, $0xb8;
	[tilespmem:$0x14200] =	vst v63  }
0x43: {  	_ =	swait.ge [sflag:s10], $0x2000  }
0x44: {  	[sflag:s10] =	ssyncset.done $0x0  }
0x45: {  	s26 =	sadd.s32 $0x2300, s23;
	[sflag:s10] =	ssyncadd.s32 $0xFFFFE000  }
0x46: {  	[tilespmem:s15], [sflag:$0x1] =	stream.indirect.gather [spmem:s2], $0x40, s26, s12, $0xb8;
	[tilespmem:$0x14200] =	vst v63  }
0x47: {  	_ =	swait.ge [sflag:s10], $0x2000  }
0x48: {  	[sflag:s10] =	ssyncset.done $0x0  }
0x49: {  	s26 =	sadd.s32 $0x2380, s23;
	[sflag:s10] =	ssyncadd.s32 $0xFFFFE000  }
0x4a: {  	[tilespmem:s16], [sflag:$0x1] =	stream.indirect.gather [spmem:s2], $0x40, s26, s12, $0xb8;
	[tilespmem:$0x14200] =	vst v63  }
0x4b: {  	_ =	swait.ge [sflag:s10], $0x2000  }
0x4c: {  	[sflag:s10] =	ssyncset.done $0x0  }
0x4d: {  	s26 =	sadd.s32 $0x2400, s23;
	[sflag:s10] =	ssyncadd.s32 $0xFFFFE000  }
0x4e: {  	[tilespmem:s17], [sflag:$0x1] =	stream.indirect.gather [spmem:s2], $0x40, s26, s12, $0xb8;
	[tilespmem:$0x14200] =	vst v63  }
0x4f: {  	_ =	swait.ge [sflag:s10], $0x2000  }
0x50: {  	[sflag:s10] =	ssyncset.done $0x0  }
0x51: {  	s26 =	sadd.s32 $0x2480, s23;
	[sflag:s10] =	ssyncadd.s32 $0xFFFFE000  }
0x52: {  	[tilespmem:s18], [sflag:$0x1] =	stream.indirect.gather [spmem:s2], $0x40, s26, s12, $0xb8;
	[tilespmem:$0x14200] =	vst v63  }
0x53: {  	_ =	swait.ge [sflag:s10], $0x2000  }
0x54: {  	[sflag:s10] =	ssyncset.done $0x0  }
0x55: {  	s26 =	sadd.s32 $0x2500, s23;
	[sflag:s10] =	ssyncadd.s32 $0xFFFFE000  }
0x56: {  	[tilespmem:s19], [sflag:$0x1] =	stream.indirect.gather [spmem:s2], $0x40, s26, s12, $0xb8;
	[tilespmem:$0x14200] =	vst v63  }
0x57: {  	_ =	swait.ge [sflag:s10], $0x2000  }
0x58: {  	[sflag:s10] =	ssyncset.done $0x0  }
0x59: {  	s23 =	sadd.s32 $0x2580, s23;
	[sflag:s10] =	ssyncadd.s32 $0xFFFFE000  }
0x5a: {  	[tilespmem:s20], [sflag:$0x1] =	stream.indirect.gather [spmem:s2], $0x40, s23, s12, $0xb8;
	[tilespmem:$0x14200] =	vst v63  }
0x5b: {  	_ =	swait.ge [sflag:s10], $0x2000  }
.Ltmp0:
0x5c: {  	[sflag:s10] =	ssyncset.done $0x0;
	(pc) =	sbr.rel @p0 .LBB2_2-.Ltmp0, $4  }
0x5d: {  	[sflag:s10] =	ssyncadd.s32 $0xFFFFE000  }
0x5e: {  	[hbm4b:s22+s3] =	stream.linear.scatter [tilespmem:s13], [sflag:$0x1], $0x10000, $0x38;
	[tilespmem:$0x14200] =	vst v63  }
0x5f: {  	s26 =	smov.u32 s24;
	_ =	swait.ge [sflag:s10], $0x10000  }
0x60: {  	s23 =	sshra.s32 s25, $0x2;
	s22 =	sadd.s32 $0x2000, s22;
	[sflag:s10] =	ssyncset.done $0x0  }
0x61: {  	s24 =	sadd.s32 $0x2200, s23;
	[sflag:s10] =	ssyncadd.s32 $0xFFFF0000  }
0x62: {  	[tilespmem:s13], [sflag:$0x1] =	stream.indirect.gather [spmem:s2], $0x40, s24, s12, $0xb8;
	[tilespmem:$0x14200] =	vst v63  }
0x63: {  	_ =	swait.ge [sflag:s10], $0x2000  }
0x64: {  	[sflag:s10] =	ssyncset.done $0x0  }
0x65: {  	s31 =	sadd.s32 $0x2280, s23;
	[sflag:s10] =	ssyncadd.s32 $0xFFFFE000  }
0x66: {  	[tilespmem:s14], [sflag:$0x1] =	stream.indirect.gather [spmem:s2], $0x40, s31, s12, $0xb8;
	[tilespmem:$0x14200] =	vst v63  }
0x67: {  	_ =	swait.ge [sflag:s10], $0x2000  }
0x68: {  	[sflag:s10] =	ssyncset.done $0x0  }
0x69: {  	s25 =	sadd.s32 $0x2300, s23;
	[sflag:s10] =	ssyncadd.s32 $0xFFFFE000  }
0x6a: {  	[tilespmem:s15], [sflag:$0x1] =	stream.indirect.gather [spmem:s2], $0x40, s25, s12, $0xb8;
	[tilespmem:$0x14200] =	vst v63  }
0x6b: {  	_ =	swait.ge [sflag:s10], $0x2000  }
0x6c: {  	[sflag:s10] =	ssyncset.done $0x0  }
0x6d: {  	s26 =	sadd.s32 $0x2380, s23;
	[sflag:s10] =	ssyncadd.s32 $0xFFFFE000  }
0x6e: {  	[tilespmem:s16], [sflag:$0x1] =	stream.indirect.gather [spmem:s2], $0x40, s26, s12, $0xb8;
	[tilespmem:$0x14200] =	vst v63  }
0x6f: {  	_ =	swait.ge [sflag:s10], $0x2000  }
0x70: {  	[sflag:s10] =	ssyncset.done $0x0  }
0x71: {  	s28 =	sadd.s32 $0x2400, s23;
	[sflag:s10] =	ssyncadd.s32 $0xFFFFE000  }
0x72: {  	[tilespmem:s17], [sflag:$0x1] =	stream.indirect.gather [spmem:s2], $0x40, s28, s12, $0xb8;
	[tilespmem:$0x14200] =	vst v63  }
0x73: {  	_ =	swait.ge [sflag:s10], $0x2000  }
0x74: {  	[sflag:s10] =	ssyncset.done $0x0  }
0x75: {  	s29 =	sadd.s32 $0x2480, s23;
	[sflag:s10] =	ssyncadd.s32 $0xFFFFE000  }
0x76: {  	[tilespmem:s18], [sflag:$0x1] =	stream.indirect.gather [spmem:s2], $0x40, s29, s12, $0xb8;
	[tilespmem:$0x14200] =	vst v63  }
0x77: {  	_ =	swait.ge [sflag:s10], $0x2000  }
0x78: {  	[sflag:s10] =	ssyncset.done $0x0  }
0x79: {  	s30 =	sadd.s32 $0x2500, s23;
	[sflag:s10] =	ssyncadd.s32 $0xFFFFE000  }
0x7a: {  	[tilespmem:s19], [sflag:$0x1] =	stream.indirect.gather [spmem:s2], $0x40, s30, s12, $0xb8;
	[tilespmem:$0x14200] =	vst v63  }
0x7b: {  	_ =	swait.ge [sflag:s10], $0x2000  }
0x7c: {  	[sflag:s10] =	ssyncset.done $0x0  }
0x7d: {  	s31 =	sadd.s32 $0x2580, s23;
	[sflag:s10] =	ssyncadd.s32 $0xFFFFE000  }
0x7e: {  	[tilespmem:s20], [sflag:$0x1] =	stream.indirect.gather [spmem:s2], $0x40, s31, s12, $0xb8;
	[tilespmem:$0x14200] =	vst v63  }
0x7f: {  	s21 =	sadd.s32 $0x1, s21;
	_ =	swait.ge [sflag:s10], $0x2000  }
0x80: {  	p0 =	sne.s32 s21, s7;
	[sflag:s10] =	ssyncset.done $0x0  }
.Ltmp1:
0x81: {  	[sflag:s10] =	ssyncadd.s32 $0xFFFFE000;
	(pc) =	sbr.rel @p0 .LBB2_1-.Ltmp1, $4  }
0x82: {  	[hbm4b:s22+s3] =	stream.linear.scatter [tilespmem:s13], [sflag:$0x1], $0x10000, $0x38;
	[tilespmem:$0x14200] =	vst v63  }
0x83: {  	_ =	swait.ge [sflag:s10], $0x10000  }
0x84: {  	[sflag:s10] =	ssyncset.done $0x0  }
0x85: {  	[sflag:s10] =	ssyncadd.s32 $0xFFFF0000  }
0x86: {  	_ =	sfence.sel $0x180000  }
0x87: {  	[bflag:$0x0] =	sbarrier.arrive $0xFFFF  }
0x88: {  	p0 =	sne.s32 s0, $0x0;
	_ =	strace $0x9000004A  }
0x89: {  	s0 =	sadd.s32 @!p0 $0x100000, s1;
	[bflag:$0x2] =	sbarrier.arrive $0xFFFF  }
0x8a: {  	[sflag:s0] =	ssyncadd.tile.s32 @!p0 $0x1;
	_ =	shalt  }
.Lfunc_end2:
_tile_overlayer_lowered:
.L_overlay_start_2:
0x8b: {  	(tag) =	ssettag $0x2  }
0x8c: {  	s0 =	rddreg [dreg:$0x0];
	s2 =	stileid.u32  }
0x8d: {  	s1 =	rddreg [dreg:$0x1];
	p0 =	sne.s32 s2, $0x0  }
0x8e: {  	s3 =	rddreg [dreg:$0x2];
	[bflag:$0x3] =	sbarrier.arrive $0xFFFF;
	s2 =	simm.s32 @!p0 $0x1C01  }
0x8f: {  	[timem:s3], [sflag:s2] =	dma.local @!p0 [hbm:s0], s1  }
0x90: {  	s0 =	simm.s32 @!p0 $0x1  }
0x91: {  	_ =	swait.ge @!p0 [sflag:s0], s1  }
0x92: {  	s1 =	ssub.s32 @!p0 $0x0, s1;
	[sflag:s0] =	ssyncset.done @!p0 $0x0  }
0x93: {  	[sflag:s0] =	ssyncadd.s32 @!p0 s1  }
0x94: {  	[bflag:$0x3] =	sbarrier.arrive $0xFFFF  }
0x95: {  	_ =	shalt  }

// kernel: sparse-core-data-format-call.cloned.1.call-start
scs
called_computation_lowered:
.L_overlay_start_0:
0x0: {  	s2 =	sld [smem:$0x3FD9]  }
0x1: {  	s3 =	sld [smem:$0x3FFE];
	_ =	sdelay $0x1  }
0x2: {  	s1 =	srdreg.scid  }
0x3: {  	s0 =	sand.u32 $0x1, s1  }
0x4: {  	s15 =	sshll.u32 s0, $0xA;
	s2 =	sadd.s32 s3, s2  }
0x5: {  	s2 =	sadd.s32 s2, s15  }
0x6: {  	[smem:$0x3FC4] =	sst s2  }
0x7: {  	_ = 	snop  }
0x8: {  	s2 =	sld [smem:$0x3FD0];
	_ =	sdelay $0x2  }
0x9: {  	s16 =	simm.s32 $0xA;
	s4 =	simm.s32 $0x10  }
0xa: {  	[smem:s4], [sflag:s16] =	dma.local [hbm:s2], $0x1  }
0xb: {  	_ =	swait.eq [sflag:s16], $0x1  }
0xc: {  	[sflag:s16] =	ssyncset.done $0x0  }
0xd: {  	[sflag:s16] =	ssyncadd.s32 $0xFFFFFFFF  }
0xe: {  	s17 =	sld [smem:$0x10];
	(tm) =	ssettm $0x1  }
0xf: {  	s18 =	sld [smem:$0x3FFB];
	_ =	sdelay $0x3  }
0x10: {  	_ =	strace s18  }
0x11: {  	s3 =	sld [smem:$0x3FFC];
	_ =	sdelay $0x3  }
0x12: {  	_ =	strace s3  }
0x13: {  	s3 =	sld [smem:$0x3FFD];
	_ =	sdelay $0x3  }
0x14: {  	_ =	strace s3  }
0x15: {  	_ =	strace $0x8FFFFFFF  }
0x16: {  	s19 =	sld [smem:$0x3FDB];
	_ =	sdelay $0x1  }
0x17: {  	s20 =	simm.s32 $_scs_section_size  }
0x18: {  	s5 =	simm.s32 $_size__tile_overlayer_lowered;
	s6 =	simm.s32 $_tile_overlayer_lowered  }
0x19: {  	s23 =	simm.s32 $0x1BFF;
	s22 =	sshll.u32 s6, $0x1;
	s3 =	sadd.s32 s20, s19  }
0x1a: {  	s7 =	simm.s32 $0x0;
	s21 =	sshll.u32 s5, $0x1;
	s5 =	sadd.s32 s22, s3  }
0x1b: {  	[timem:s7], [sflag:s23] =	dma.local [hbm:s5], s21  }
0x1c: {  	_ =	swait.ge [sflag:s23], s21  }
0x1d: {  	s4 =	ssub.s32 $0x0, s21;
	[sflag:s23] =	ssyncset.done $0x0  }
0x1e: {  	[sflag:s23] =	ssyncadd.s32 s4;
	_ =	sdelay $0x1  }
0x1f: {  	s24 =	simm.s32 $0x1B8B  }
0x20: {  	_ =	swait.ge [sflag:s24], $0x1  }
0x21: {  	[sflag:s24] =	ssyncset.done $0x0  }
0x22: {  	s26 =	simm.s32 $0x1B8E;
	s25 =	sld [smem:$0x3FFE];
	[sflag:s24] =	ssyncadd.s32 $0xFFFFFFFF  }
0x23: {  	s27 =	simm.s32 $execute0_lowered;
	[smem:$0x3FD2] =	sst s26  }
0x24: {  	s5 =	sshll.u32 s27, $0x1;
	_ =	strace $0x8000004C;
	[dreg:$0x1] =	wrdreg $0xFFFFFFFF  }
0x25: {  	s28 =	simm.s32 $_size_execute0_lowered;
	s3 =	sadd.s32 s3, s5;
	[dreg:$0x0] =	wrdreg $0x0  }
0x26: {  	s5 =	sshll.u32 s28, $0x1;
	[dreg:$0x2] =	wrdreg s3  }
0x27: {  	[dreg:$0x3] =	wrdreg s5  }
0x28: {  	[dreg:$0x4] =	wrdreg $0xC0  }
0x29: {  	_ =	task [dreg:s7], $0x5FFFF  }
0x2a: {  	[dreg:$0x1] =	wrdreg $0xFFFFFFFF  }
0x2b: {  	[dreg:$0x0] =	wrdreg $0x60  }
0x2c: {  	[dreg:$0x2] =	wrdreg s25  }
0x2d: {  	[dreg:$0x3] =	wrdreg s17  }
0x2e: {  	[dreg:$0x4] =	wrdreg $0x9  }
0x2f: {  	_ =	task.clear_ibuf [dreg:s7], $0x5FFFF;
	_ =	strace $0x9000004C  }
0x30: {  	s29 =	simm.s32 $0x9;
	_ =	strace $0x8000004E  }
0x31: {  	_ =	swait.ge [sflag:s29], $0x1  }
0x32: {  	[sflag:s29] =	ssyncadd.s32 $0xFFFFFFFF  }
0x33: {  	_ =	strace $0x9000004E  }
0x34: {  	_ =	sfence  }
0x35: {  	s30 =	sld [smem:$0x0];
	_ =	sdelay $0x2  }
0x36: {  	s31 =	sshll.u32 s1, $0xD;
	s1 =	sshrl.u32 s1, $0x2  }
0x37: {  	s3 =	sand.u32 $0x4000, s31;
	s1 =	sadd.s32 s1, s30  }
0x38: {  	s0 =	sor.u32 s3, s0;
	s1 =	sshll.u32 s1, $0x11  }
0x39: {  	s0 =	sor.u32 s1, s0  }
0x3a: {  	s0 =	sadd.s32 $0x8F2B, s0  }
0x3b: {  	[sflag:s0] =	ssyncadd.remote.s32 $0x1  }
0x3c: {  	_ =	sfence.sel $0xFFFF  }
0x3d: {  	[dreg:$0x0] =	wrdreg $0xFFFFFFFF;
	(pc) =	sbr.abs _section_cstart, $3  }
0x3e: {  	[dreg:$0x1] =	wrdreg $0xFFFFFFFF  }
0x3f: {  	_ =	task.clear_ibuf [dreg:s7], $0x2FFFF;
	_ =	strace $0x9FFFFFFF  }
0x40: {  	(tm) =	ssettm $0x7FFFFFFF  }
0x41: {  	_ =	shalt  }
tec
execute0_lowered:
.L_overlay_start_1:
0x0: {  	(tag) =	ssettag $0x1  }
0x1: {  	s8 =	rddreg [dreg:$0x0]  }
0x2: {  	s2 =	rddreg [dreg:$0x1]  }
0x3: {  	s1 =	stileid.u32;
	s4 =	srdreg.scid  }
0x4: {  	s0 =	rddreg [dreg:$0x2];
	_ =	strace $0x8000004D;
	s9 =	simm.s32 $0x1  }
0x5: {  	s31 =	simm.s32 $0x2;
	s14 =	simm.s32 $0x0;
	s15 =	simm.s32 $0x0  }
0x6: {  	s13 =	simm.s32 $0x0;
	s3 =	sshll.u32 s1, $0x1;
	s4 =	sshll.u32 s4, $0x7  }
0x7: {  	s4 =	sand.u32 $0x80, s4;
	s5 =	ssub.s32 $0x20, s3;
	s12 =	smov.u32 s3  }
0x8: {  	s6 =	sshrl.u32 s5, $0x5;
	s5 =	sand.u32 $0x1E, s5;
	s7 =	ssub.s32 $0x2000, s4  }
0x9: {  	p0 =	sne.s32 s5, $0x0;
	s30 =	sshrl.u32 s7, $0x7;
	s7 =	sshrl.u32 s7, $0x8  }
.Ltmp0:
0xa: {  	s9 =	simm.s32 @!p0 $0x0;
	s10 =	sand.u32 $0x1, s30;
	(pc) =	sbr.rel .LBB1_1-.Ltmp0, $4  }
0xb: {  	s5 =	simm.s32 $0x1;
	s6 =	sadd.s32 s9, s6;
	s7 =	sadd.s32 s7, s10  }
0xc: {  	s11 =	smov.u32 s4;
	[sflag:s5] =	ssyncpa.u1 $0x0;
	s6 =	smul.u32 s6, s7  }
0xd: {  	p0 =	por $0x0, $0x0;
	[sflag:s31] =	ssyncpa.u1 $0x0;
	s10 =	simm.s32 $0x10000  }
0xe: {  	s7 =	sadd.s32 $0x1A600, s8;
	s8 =	sadd.s32 $0x3A600, s8;
	s9 =	sadd.s32 $0x1, s6  }
.LBB1_7:
0xf: {  	s16 =	sadd.s32 $0x100, s11  }
0x10: {  	s14 =	sadd.s32 $0x20, s12;
	s18 =	smov.u32 s12;
	p2 =	sgt.s32 s16, $0x1FFF  }
0x11: {  	s18 =	smov.u32 @p2 s14  }
0x12: {  	s16 =	smov.u32 @p2 s4;
	p2 =	sgt.s32 s18, $0x1F  }
0x13: {  	s18 =	smov.u32 @p2 s3;
	p2 =	sne.s32 s13, s9  }
.Ltmp1:
0x14: {  	p1 =	slt.u32 s13, $0x2;
	(pc) =	sbr.rel @!p2 .LBB1_8-.Ltmp1, $4  }
0x15: {  	s17 =	simm.s32 @!p1 $0x2  }
0x16: {  	s15 =	smov.u32 s12;
	p0 =	por !p0, !p0;
	_ =	swait.ge @!p1 [sflag:s17], $0x4000  }
0x17: {  	s14 =	smov.u32 s11;
	[sflag:s17] =	ssyncset.done @!p1 $0x0;
	s11 =	smov.u32 s16  }
0x18: {  	s13 =	sadd.s32 $0x1, s13;
	[sflag:s17] =	ssyncadd.s32 @!p1 $0xFFFFC000;
	s12 =	smov.u32 s18  }
.LBB1_1:
0x19: {  	p1 =	sge.u32 s13, s6  }
0x1a: {  	s16 =	sxor.u32 @!p1 $0xFFFFFFFF, s13;
	s17 =	sshll.u32 @!p1 s12, $0x11  }
0x1b: {  	s18 =	sshll.u32 @!p1 s11, $0x4;
	s20 =	simm.s32 @!p1 $0x40;
	s21 =	simm.s32 @!p1 $0x80  }
0x1c: {  	s16 =	sshll.u32 @!p1 s16, $0xE;
	s18 =	sand.u32 @!p1 $0x1FFF0, s18;
	s19 =	sadd.s32 @!p1 s7, s17  }
0x1d: {  	s17 =	sadd.s32 @!p1 s17, s8;
	s16 =	sand.u32 @!p1 $0x4000, s16;
	s19 =	sadd.s32 @!p1 s18, s19  }
0x1e: {  	[tilespmem:s16], [sflag:$0x1] =	stream.strided.gather @!p1 [hbm4b:s19+s20], $0x2000, s21, s20, $0x38;
	[tilespmem:$0x10100] =	vst v63  }
0x1f: {  	s31 =	sadd.s32 $0xFFFFFFFF, s13;
	s17 =	sadd.s32 @!p1 s18, s17;
	s16 =	sor.u32 @!p1 $0x2000, s16  }
0x20: {  	[tilespmem:s16], [sflag:$0x1] =	stream.strided.gather @!p1 [hbm4b:s17+s20], $0x2000, s21, s20, $0x38;
	[tilespmem:$0x10100] =	vst v63  }
0x21: {  	p1 =	sge.u32 s31, s6  }
.Ltmp2:
0x22: {  	_ = 	snop;
	(pc) =	sbr.rel @p1 .LBB1_7-.Ltmp2, $1  }
0x23: {  	_ =	sdelay $0x3  }
0x24: {  	s16 =	simm.s32 $0x1;
	s18 =	sand.u32 $0x1, s13  }
0x25: {  	_ =	swait.ge [sflag:s5], $0x4000;
	s16 =	simm.s32 @!p0 $0x0;
	s18 =	smul.u32 $0x10200, s18  }
0x26: {  	p2 =	por $0x1, $0x1;
	[sflag:s5] =	ssyncset.done $0x0;
	s17 =	smul.u32 $0x10200, s16  }
0x27: {  	s19 =	sshll.u32 s16, $0x10;
	[sflag:s5] =	ssyncadd.s32 $0xFFFFC000;
	s30 =	sshrl.u32 s18, $0x2  }
0x28: {  	s31 =	sshrl.u32 s19, $0x2;
	s19 =	simm.s32 $0x0;
	s17 =	sshrl.u32 s17, $0x2  }
0x29: {  	s16 =	sor.u32 $0x8000, s30;
	s18 =	sadd.s32 $0x20, s31;
	s17 =	sor.u32 $0x8000, s17  }
.LBB1_3:
0x2a: {  	s20 =	sshll.u32 s19, $0xD  }
0x2b: {  	s20 =	sand.u32 $0x3FFFE000, s20  }
0x2c: {  	s22 =	sadd.s32 s20, s18  }
0x2d: {  	s31 =	smul.u32 $0x8100, s19;
	v3 =	vld [tilespmem:s22+$0x10]  }
0x2e: {  	v1 =	vld [tilespmem:s22+$0xFFFFFFF0]  }
0x2f: {  	s19 =	sshra.s32 s31, $0x2;
	v0 =	vld [tilespmem:s22+$0x0]  }
0x30: {  	s19 =	sadd.s32 s19, s17;
	v2 =	vld [tilespmem:s22+$0xFFFFFFE0]  }
0x31: {  	s20 =	sadd.s32 $0x0, s19  }
0x32: {  	p1 =	por p2, p2;
	s21 =	simm.s32 $0x4;
	s22 =	sadd.s32 $0x40, s22;
	[tilespmem:s20+$0x1830 ss:$0x81] =	vst.msk $0xffff, v3  }
.LBB1_4:
0x33: {  	v3 =	vld [tilespmem:s22+$0x10];
	p2 =	sne.s32 s21, $0x1FC;
	[tilespmem:s20+$0x810 ss:$0x81] =	vst.msk $0xffff, v1;
	s23 =	smov.u32 s21;
	s21 =	sadd.s32 $0x4, s21  }
.Ltmp3:
0x34: {  	v1 =	vld [tilespmem:s22+$0xFFFFFFF0];
	[tilespmem:s20+$0x1020 ss:$0x81] =	vst.msk $0xffff, v0;
	(pc) =	sbr.rel @p2 .LBB1_4-.Ltmp3, $4  }
0x35: {  	v0 =	vld [tilespmem:s22+$0x0];
	[tilespmem:s20+$0x0 ss:$0x81] =	vst.msk $0xffff, v2  }
0x36: {  	s20 =	sshra.s32 s23, $0x2;
	v2 =	vld [tilespmem:s22+$0xFFFFFFE0]  }
0x37: {  	s20 =	sadd.s32 s20, s19  }
0x38: {  	s22 =	sadd.s32 $0x40, s22;
	[tilespmem:s20+$0x1830 ss:$0x81] =	vst.msk $0xffff, v3  }
.Ltmp4:
0x39: {  	(pc) =	sbr.rel @p1 .LBB1_3-.Ltmp4, $4  }
0x3a: {  	_ = 	snop  }
0x3b: {  	[tilespmem:s20+$0x810 ss:$0x81] =	vst.msk $0xffff, v1  }
0x3c: {  	[tilespmem:s20+$0x1020 ss:$0x81] =	vst.msk $0xffff, v0  }
0x3d: {  	s19 =	simm.s32 $0x1;
	p2 =	por $0x0, $0x0;
	[tilespmem:s20+$0x0 ss:$0x81] =	vst.msk $0xffff, v2  }
0x3e: {  	s17 =	sshll.u32 s14, $0x3;
	s18 =	sand.u32 $0x78, s14;
	s15 =	sshll.u32 s15, $0x10  }
.Ltmp5:
0x3f: {  	s30 =	sand.u32 $0xFC00, s14;
	s17 =	sand.u32 $0x1C00, s17;
	(pc) =	sbr.rel .LBB1_7-.Ltmp5, $4  }
0x40: {  	s31 =	sand.u32 $0x7, s14;
	s15 =	sadd.s32 s2, s15;
	s17 =	sor.u32 s18, s17  }
0x41: {  	s14 =	sshll.u32 s31, $0x12;
	s15 =	sadd.s32 s30, s15;
	s17 =	sshrl.u32 s17, $0x3  }
0x42: {  	s14 =	sor.u32 $0x400, s14;
	s15 =	sadd.s32 s17, s15  }
0x43: {  	[hbm4b:s15+s14] =	stream.strided.scatter [tilespmem:s16], [sflag:$0x2], $0x4000, s10, s14, $0x20;
	[tilespmem:$0x10100] =	vst v63  }
.LBB1_8:
0x44: {  	_ =	sfence.sel $0x180000  }
0x45: {  	s2 =	simm.s32 $0x1;
	[bflag:$0x0] =	sbarrier.arrive $0xFFFF  }
0x46: {  	s31 =	simm.s32 $0x2;
	[sflag:s2] =	ssyncpa.u1 $0x1  }
0x47: {  	[sflag:s31] =	ssyncpa.u1 $0x1  }
0x48: {  	p0 =	sne.s32 s1, $0x0;
	_ =	strace $0x9000004D  }
0x49: {  	s0 =	sadd.s32 @!p0 $0x100000, s0;
	[bflag:$0x2] =	sbarrier.arrive $0xFFFF  }
0x4a: {  	[sflag:s0] =	ssyncadd.tile.s32 @!p0 $0x1;
	_ =	shalt  }
.Lfunc_end1:
_tile_overlayer_lowered:
.L_overlay_start_2:
0x4b: {  	(tag) =	ssettag $0x2  }
0x4c: {  	s0 =	rddreg [dreg:$0x0];
	s2 =	stileid.u32  }
0x4d: {  	s1 =	rddreg [dreg:$0x1];
	p0 =	sne.s32 s2, $0x0  }
0x4e: {  	s3 =	rddreg [dreg:$0x2];
	[bflag:$0x3] =	sbarrier.arrive $0xFFFF;
	s2 =	simm.s32 @!p0 $0x1C01  }
0x4f: {  	[timem:s3], [sflag:s2] =	dma.local @!p0 [hbm:s0], s1  }
0x50: {  	s0 =	simm.s32 @!p0 $0x1  }
0x51: {  	_ =	swait.ge @!p0 [sflag:s0], s1  }
0x52: {  	s1 =	ssub.s32 @!p0 $0x0, s1;
	[sflag:s0] =	ssyncset.done @!p0 $0x0  }
0x53: {  	[sflag:s0] =	ssyncadd.s32 @!p0 s1  }
0x54: {  	[bflag:$0x3] =	sbarrier.arrive $0xFFFF  }
0x55: {  	_ =	shalt  }

</sc_bundles>
